<compile_context>
chip_gen: v7x
topology: tpu7x:2x2x1
jax: 0.10.2.dev20260603
libtpu: 0.0.44.dev20260713+nightly
codegen_flags: <defaults>
</compile_context>

<pallas_src>
import functools

import jax
import jax.numpy as jnp
from jax import lax
from jax.experimental import pallas as pl
from jax.experimental.pallas import tpu as pltpu, tpu_sc as plsc

NC = 2
NS = 16
NW = NC * NS
L = 16

N_EDGES = 320000
D = 128
EDGES_PER_W = N_EDGES // NW
CHUNK = 80
N_CHUNKS = EDGES_PER_W // CHUNK

_mesh = plsc.VectorSubcoreMesh(core_axis_name="c", subcore_axis_name="s")


@functools.partial(
    pl.kernel,
    out_type=jax.ShapeDtypeStruct((N_EDGES,), jnp.float32),
    mesh=_mesh,
    compiler_params=pltpu.CompilerParams(needs_layout_passes=False),
    scratch_types=[
        pltpu.VMEM((N_CHUNKS, CHUNK), jnp.int32),
        pltpu.VMEM((N_CHUNKS, CHUNK), jnp.int32),
        pltpu.VMEM((CHUNK, D), jnp.float32),
        pltpu.VMEM((CHUNK, D), jnp.float32),
        pltpu.VMEM((CHUNK, D), jnp.float32),
        pltpu.VMEM((CHUNK, D), jnp.float32),
        pltpu.VMEM((L * L,), jnp.float32),
        pltpu.VMEM((EDGES_PER_W,), jnp.float32),
        pltpu.SemaphoreType.DMA,
        pltpu.SemaphoreType.DMA,
    ],
)
def _edge_dot(xc_hbm, xt_hbm, idx0_hbm, idx1_hbm, out_hbm,
              idx0_v, idx1_v, rows0a, rows1a, rows0b, rows1b,
              tr_v, out_v, sem_a, sem_b):
    wid = lax.axis_index("s") * NC + lax.axis_index("c")
    lane = lax.iota(jnp.int32, L)

    pltpu.sync_copy(idx0_hbm.at[wid], idx0_v)
    pltpu.sync_copy(idx1_hbm.at[wid], idx1_v)

    bufs = ((rows0a, rows1a, sem_a), (rows0b, rows1b, sem_b))

    def issue(c, b):
        r0, r1, s = bufs[b]
        pltpu.async_copy(xc_hbm.at[idx0_v.at[c]], r0, s)
        pltpu.async_copy(xt_hbm.at[idx1_v.at[c]], r1, s)

    def wait(c, b):
        r0, r1, s = bufs[b]
        pltpu.make_async_copy(xc_hbm.at[idx0_v.at[c]], r0, s).wait()
        pltpu.make_async_copy(xt_hbm.at[idx1_v.at[c]], r1, s).wait()

    def compute(c, b):
        r0, r1, _ = bufs[b]

        @pl.loop(0, CHUNK // L)
        def _group(g):
            for j in range(L):
                e = g * L + j
                acc = r0[e, pl.ds(0, L)] * r1[e, pl.ds(0, L)]
                for k in range(1, D // L):
                    acc += r0[e, pl.ds(k * L, L)] * r1[e, pl.ds(k * L, L)]
                tr_v[pl.ds(j * L, L)] = acc
            res = plsc.load_gather(tr_v, [lane * L])
            for k in range(1, L):
                res += plsc.load_gather(tr_v, [lane * L + k])
            out_v[pl.ds(c * CHUNK + g * L, L)] = res

    issue(0, 0)

    @pl.loop(0, (N_CHUNKS + 1) // 2)
    def _pair(i):
        c0 = i * 2

        @pl.when(c0 + 1 < N_CHUNKS)
        def _():
            issue(c0 + 1, 1)

        wait(c0, 0)
        compute(c0, 0)

        @pl.when(c0 + 2 < N_CHUNKS)
        def _():
            issue(c0 + 2, 0)

        @pl.when(c0 + 1 < N_CHUNKS)
        def _():
            wait(c0 + 1, 1)
            compute(c0 + 1, 1)

    pltpu.sync_copy(out_v, out_hbm.at[pl.ds(wid * EDGES_PER_W, EDGES_PER_W)])


def kernel(x_congressperson, x_ticker, edge_label_index):
    idx = edge_label_index.astype(jnp.int32).reshape(2, NW, N_CHUNKS, CHUNK)
    return _edge_dot(x_congressperson, x_ticker, idx[0], idx[1])

# --- scband reference (transcript-rebuilt; emitter-appended) ---
"""Pipeline reference for scband-classifier-48988396978298 (READ-ONLY COPY).

The authoritative reference and input builder live on the scoring server;
editing this copy changes nothing except your own understanding.
"""

import jax, jax.numpy as jnp
import numpy as np


def setup_inputs(seed: int = 0) -> dict:
    key = jax.random.key(seed)
    k1, k2, k3 = jax.random.split(key, 3)
    n_nodes = 10000
    d_feat = 128
    n_edges = 320000
    x_congressperson = jax.random.normal(k1, (n_nodes, d_feat), dtype=jnp.float32)
    x_ticker = jax.random.normal(k2, (n_nodes, d_feat), dtype=jnp.float32)
    edge_label_index = jax.random.randint(k3, (2, n_edges), 0, n_nodes, dtype=jnp.int64 if jax.config.jax_enable_x64 else jnp.int32)
    return {
        "x_congressperson": x_congressperson,
        "x_ticker": x_ticker,
        "edge_label_index": edge_label_index,
    }


def reference(x_congressperson, x_ticker, edge_label_index):
    # Gather per-edge node features (embedding-style lookup)
    edge_feat_congressperson = jnp.take(x_congressperson, edge_label_index[0], axis=0)
    edge_feat_ticker = jnp.take(x_ticker, edge_label_index[1], axis=0)
    # Dot-product link score per edge
    return (edge_feat_congressperson * edge_feat_ticker).sum(axis=-1)

if __name__ == "__main__":
    import jax
    _d = setup_inputs()
    print(jax.jit(kernel)(*tuple(_d.values())))

</pallas_src>

<mosaic_0001>
#map = affine_map<(d0, d1) -> (0, 0)>
#map1 = affine_map<(d0, d1) -> (0, 0, 0)>
#map2 = affine_map<(d0, d1) -> (0)>
module attributes {stable_mosaic.version = 14 : i64} {
  func.func @_edge_dot(%arg0: i32, %arg1: i32, %arg2: memref<10000x128xf32, #tpu.memory_space<hbm>>, %arg3: memref<10000x128xf32, #tpu.memory_space<hbm>>, %arg4: memref<32x125x80xi32, #tpu.memory_space<hbm>>, %arg5: memref<32x125x80xi32, #tpu.memory_space<hbm>>, %arg6: memref<320000xf32, #tpu.memory_space<hbm>>, %arg7: memref<125x80xi32, #tpu.memory_space<vmem>>, %arg8: memref<125x80xi32, #tpu.memory_space<vmem>>, %arg9: memref<80x128xf32, #tpu.memory_space<vmem>>, %arg10: memref<80x128xf32, #tpu.memory_space<vmem>>, %arg11: memref<80x128xf32, #tpu.memory_space<vmem>>, %arg12: memref<80x128xf32, #tpu.memory_space<vmem>>, %arg13: memref<256xf32, #tpu.memory_space<vmem>>, %arg14: memref<10000xf32, #tpu.memory_space<vmem>>, %arg15: memref<!tpu.dma_semaphore, #tpu.memory_space<semaphore_mem>>, %arg16: memref<!tpu.dma_semaphore, #tpu.memory_space<semaphore_mem>>) attributes {dimension_semantics = [#tpu.dimension_semantics<core_parallel>, #tpu.dimension_semantics<subcore_parallel>], iteration_bounds = array<i64: 2, 16>, scalar_prefetch = 0 : i64, scratch_operands = 10 : i64, tpu.core_type = #tpu.core_type<sc_vector_subcore>, window_params = [{transform_indices = #map}, {transform_indices = #map}, {transform_indices = #map1}, {transform_indices = #map1}, {transform_indices = #map2}]} {
    %mul3A = arith.constant 2 : i32
    %mul3A_0 = arith.muli %arg1, %mul3A : i32
    %add3A = arith.addi %mul3A_0, %arg0 : i32
    %iota3A = tpu.iota {dimensions = array<i32: 0>} : vector<16xi32>
    "tpu.region"() ({
      %run_scoped3A = tpu.sem_alloc : memref<!tpu.dma_semaphore, #tpu.memory_space<semaphore_mem>>
      %dma_start3A_20 = arith.constant 0 : i32
      %dma_start3A_21 = arith.constant 0 : i32
      %dma_start3A_22 = tpu.memref_slice %arg4[%add3A, %dma_start3A_20, %dma_start3A_21] : memref<32x125x80xi32, #tpu.memory_space<hbm>> -> memref<1x125x80xi32, #tpu.memory_space<hbm>>
      %dma_start3A_23 = tpu.memref_squeeze %dma_start3A_22 : memref<1x125x80xi32, #tpu.memory_space<hbm>> -> memref<125x80xi32, #tpu.memory_space<hbm>>
      %dma_start3A_24 = arith.constant 0 : i32
      %dma_start3A_25 = arith.constant 0 : i32
      %dma_start3A_26 = tpu.memref_slice %arg4[%add3A, %dma_start3A_24, %dma_start3A_25] : memref<32x125x80xi32, #tpu.memory_space<hbm>> -> memref<1x125x80xi32, #tpu.memory_space<hbm>>
      %dma_start3A_27 = tpu.memref_squeeze %dma_start3A_26 : memref<1x125x80xi32, #tpu.memory_space<hbm>> -> memref<125x80xi32, #tpu.memory_space<hbm>>
      tpu.enqueue_dma source(%dma_start3A_27 : memref<125x80xi32, #tpu.memory_space<hbm>>) target(%arg7 : memref<125x80xi32, #tpu.memory_space<vmem>>) target_semaphore(%run_scoped3A : memref<!tpu.dma_semaphore, #tpu.memory_space<semaphore_mem>>)
      %dma_wait3A = arith.constant 0 : i32
      %dma_wait3A_28 = arith.constant 0 : i32
      %dma_wait3A_29 = tpu.memref_slice %arg4[%add3A, %dma_wait3A, %dma_wait3A_28] : memref<32x125x80xi32, #tpu.memory_space<hbm>> -> memref<1x125x80xi32, #tpu.memory_space<hbm>>
      %dma_wait3A_30 = tpu.memref_squeeze %dma_wait3A_29 : memref<1x125x80xi32, #tpu.memory_space<hbm>> -> memref<125x80xi32, #tpu.memory_space<hbm>>
      %dma_wait3A_31 = arith.constant 0 : i32
      %dma_wait3A_32 = arith.constant 0 : i32
      %dma_wait3A_33 = tpu.memref_slice %arg4[%add3A, %dma_wait3A_31, %dma_wait3A_32] : memref<32x125x80xi32, #tpu.memory_space<hbm>> -> memref<1x125x80xi32, #tpu.memory_space<hbm>>
      %dma_wait3A_34 = tpu.memref_squeeze %dma_wait3A_33 : memref<1x125x80xi32, #tpu.memory_space<hbm>> -> memref<125x80xi32, #tpu.memory_space<hbm>>
      tpu.wait_dma2 semaphore(%run_scoped3A : memref<!tpu.dma_semaphore, #tpu.memory_space<semaphore_mem>>) src(%dma_wait3A_34 : memref<125x80xi32, #tpu.memory_space<hbm>>) dst(%arg7 : memref<125x80xi32, #tpu.memory_space<vmem>>)
      tpu.yield
    }) : () -> ()
    "tpu.region"() ({
      %run_scoped3A = tpu.sem_alloc : memref<!tpu.dma_semaphore, #tpu.memory_space<semaphore_mem>>
      %dma_start3A_20 = arith.constant 0 : i32
      %dma_start3A_21 = arith.constant 0 : i32
      %dma_start3A_22 = tpu.memref_slice %arg5[%add3A, %dma_start3A_20, %dma_start3A_21] : memref<32x125x80xi32, #tpu.memory_space<hbm>> -> memref<1x125x80xi32, #tpu.memory_space<hbm>>
      %dma_start3A_23 = tpu.memref_squeeze %dma_start3A_22 : memref<1x125x80xi32, #tpu.memory_space<hbm>> -> memref<125x80xi32, #tpu.memory_space<hbm>>
      %dma_start3A_24 = arith.constant 0 : i32
      %dma_start3A_25 = arith.constant 0 : i32
      %dma_start3A_26 = tpu.memref_slice %arg5[%add3A, %dma_start3A_24, %dma_start3A_25] : memref<32x125x80xi32, #tpu.memory_space<hbm>> -> memref<1x125x80xi32, #tpu.memory_space<hbm>>
      %dma_start3A_27 = tpu.memref_squeeze %dma_start3A_26 : memref<1x125x80xi32, #tpu.memory_space<hbm>> -> memref<125x80xi32, #tpu.memory_space<hbm>>
      tpu.enqueue_dma source(%dma_start3A_27 : memref<125x80xi32, #tpu.memory_space<hbm>>) target(%arg8 : memref<125x80xi32, #tpu.memory_space<vmem>>) target_semaphore(%run_scoped3A : memref<!tpu.dma_semaphore, #tpu.memory_space<semaphore_mem>>)
      %dma_wait3A = arith.constant 0 : i32
      %dma_wait3A_28 = arith.constant 0 : i32
      %dma_wait3A_29 = tpu.memref_slice %arg5[%add3A, %dma_wait3A, %dma_wait3A_28] : memref<32x125x80xi32, #tpu.memory_space<hbm>> -> memref<1x125x80xi32, #tpu.memory_space<hbm>>
      %dma_wait3A_30 = tpu.memref_squeeze %dma_wait3A_29 : memref<1x125x80xi32, #tpu.memory_space<hbm>> -> memref<125x80xi32, #tpu.memory_space<hbm>>
      %dma_wait3A_31 = arith.constant 0 : i32
      %dma_wait3A_32 = arith.constant 0 : i32
      %dma_wait3A_33 = tpu.memref_slice %arg5[%add3A, %dma_wait3A_31, %dma_wait3A_32] : memref<32x125x80xi32, #tpu.memory_space<hbm>> -> memref<1x125x80xi32, #tpu.memory_space<hbm>>
      %dma_wait3A_34 = tpu.memref_squeeze %dma_wait3A_33 : memref<1x125x80xi32, #tpu.memory_space<hbm>> -> memref<125x80xi32, #tpu.memory_space<hbm>>
      tpu.wait_dma2 semaphore(%run_scoped3A : memref<!tpu.dma_semaphore, #tpu.memory_space<semaphore_mem>>) src(%dma_wait3A_34 : memref<125x80xi32, #tpu.memory_space<hbm>>) dst(%arg8 : memref<125x80xi32, #tpu.memory_space<vmem>>)
      tpu.yield
    }) : () -> ()
    %dma_start3A = arith.constant 0 : i32
    %dma_start3A_1 = arith.constant 0 : i32
    %dma_start3A_2 = tpu.memref_slice %arg7[%dma_start3A, %dma_start3A_1] : memref<125x80xi32, #tpu.memory_space<vmem>> -> memref<1x80xi32, #tpu.memory_space<vmem>>
    %dma_start3A_3 = tpu.memref_squeeze %dma_start3A_2 : memref<1x80xi32, #tpu.memory_space<vmem>> -> memref<80xi32, #tpu.memory_space<vmem>>
    %dma_start3A_4 = arith.constant 0 : i32
    %dma_start3A_5 = arith.constant 0 : i32
    %dma_start3A_6 = tpu.memref_slice %arg2[%dma_start3A_4, %dma_start3A_5] : memref<10000x128xf32, #tpu.memory_space<hbm>> -> memref<10000x128xf32, #tpu.memory_space<hbm>>
    tpu.enqueue_indirect_dma source(%dma_start3A_6 : memref<10000x128xf32, #tpu.memory_space<hbm>>) target(%arg9 : memref<80x128xf32, #tpu.memory_space<vmem>>) offsets(%dma_start3A_3 : memref<80xi32, #tpu.memory_space<vmem>>) semaphore(%arg15 : memref<!tpu.dma_semaphore, #tpu.memory_space<semaphore_mem>>)
    %dma_start3A_7 = arith.constant 0 : i32
    %dma_start3A_8 = arith.constant 0 : i32
    %dma_start3A_9 = tpu.memref_slice %arg8[%dma_start3A_7, %dma_start3A_8] : memref<125x80xi32, #tpu.memory_space<vmem>> -> memref<1x80xi32, #tpu.memory_space<vmem>>
    %dma_start3A_10 = tpu.memref_squeeze %dma_start3A_9 : memref<1x80xi32, #tpu.memory_space<vmem>> -> memref<80xi32, #tpu.memory_space<vmem>>
    %dma_start3A_11 = arith.constant 0 : i32
    %dma_start3A_12 = arith.constant 0 : i32
    %dma_start3A_13 = tpu.memref_slice %arg3[%dma_start3A_11, %dma_start3A_12] : memref<10000x128xf32, #tpu.memory_space<hbm>> -> memref<10000x128xf32, #tpu.memory_space<hbm>>
    tpu.enqueue_indirect_dma source(%dma_start3A_13 : memref<10000x128xf32, #tpu.memory_space<hbm>>) target(%arg10 : memref<80x128xf32, #tpu.memory_space<vmem>>) offsets(%dma_start3A_10 : memref<80xi32, #tpu.memory_space<vmem>>) semaphore(%arg15 : memref<!tpu.dma_semaphore, #tpu.memory_space<semaphore_mem>>)
    %scan3A = arith.constant 0 : i32
    %scan3A_14 = arith.constant 63 : i32
    %scan3A_15 = arith.addi %scan3A, %scan3A_14 : i32
    %scan3A_16 = arith.constant 1 : i32
    scf.for %scan3A_20 = %scan3A to %scan3A_15 step %scan3A_16  : i32 {
      %mul3A_21 = arith.constant 1 : i32
      %mul3A_22 = arith.muli %scan3A_20, %mul3A_21 : i32
      %add3A_23 = arith.constant 0 : i32
      %add3A_24 = arith.addi %add3A_23, %mul3A_22 : i32
      %mul3A_25 = arith.constant 2 : i32
      %mul3A_26 = arith.muli %add3A_24, %mul3A_25 : i32
      %add3A_27 = arith.constant 1 : i32
      %add3A_28 = arith.addi %mul3A_26, %add3A_27 : i32
      %lt3A = arith.constant 125 : i32
      %lt3A_29 = arith.cmpi slt, %add3A_28, %lt3A : i32
      %convert_element_type3A = arith.extui %lt3A_29 : i1 to i32
      %cond3A = arith.constant 0 : i32
      %cond3A_30 = arith.cmpi ne, %convert_element_type3A, %cond3A : i32
      scf.if %cond3A_30 {
        %add3A_61 = arith.constant 1 : i32
        %add3A_62 = arith.addi %mul3A_26, %add3A_61 : i32
        %dma_start3A_63 = arith.constant 0 : i32
        %dma_start3A_64 = tpu.memref_slice %arg7[%add3A_62, %dma_start3A_63] : memref<125x80xi32, #tpu.memory_space<vmem>> -> memref<1x80xi32, #tpu.memory_space<vmem>>
        %dma_start3A_65 = tpu.memref_squeeze %dma_start3A_64 : memref<1x80xi32, #tpu.memory_space<vmem>> -> memref<80xi32, #tpu.memory_space<vmem>>
        %dma_start3A_66 = arith.constant 0 : i32
        %dma_start3A_67 = arith.constant 0 : i32
        %dma_start3A_68 = tpu.memref_slice %arg2[%dma_start3A_66, %dma_start3A_67] : memref<10000x128xf32, #tpu.memory_space<hbm>> -> memref<10000x128xf32, #tpu.memory_space<hbm>>
        tpu.enqueue_indirect_dma source(%dma_start3A_68 : memref<10000x128xf32, #tpu.memory_space<hbm>>) target(%arg11 : memref<80x128xf32, #tpu.memory_space<vmem>>) offsets(%dma_start3A_65 : memref<80xi32, #tpu.memory_space<vmem>>) semaphore(%arg16 : memref<!tpu.dma_semaphore, #tpu.memory_space<semaphore_mem>>)
        %dma_start3A_69 = arith.constant 0 : i32
        %dma_start3A_70 = tpu.memref_slice %arg8[%add3A_62, %dma_start3A_69] : memref<125x80xi32, #tpu.memory_space<vmem>> -> memref<1x80xi32, #tpu.memory_space<vmem>>
        %dma_start3A_71 = tpu.memref_squeeze %dma_start3A_70 : memref<1x80xi32, #tpu.memory_space<vmem>> -> memref<80xi32, #tpu.memory_space<vmem>>
        %dma_start3A_72 = arith.constant 0 : i32
        %dma_start3A_73 = arith.constant 0 : i32
        %dma_start3A_74 = tpu.memref_slice %arg3[%dma_start3A_72, %dma_start3A_73] : memref<10000x128xf32, #tpu.memory_space<hbm>> -> memref<10000x128xf32, #tpu.memory_space<hbm>>
        tpu.enqueue_indirect_dma source(%dma_start3A_74 : memref<10000x128xf32, #tpu.memory_space<hbm>>) target(%arg12 : memref<80x128xf32, #tpu.memory_space<vmem>>) offsets(%dma_start3A_71 : memref<80xi32, #tpu.memory_space<vmem>>) semaphore(%arg16 : memref<!tpu.dma_semaphore, #tpu.memory_space<semaphore_mem>>)
      } else {
      }
      %dma_wait3A = arith.constant 0 : i32
      %dma_wait3A_31 = tpu.memref_slice %arg7[%mul3A_26, %dma_wait3A] : memref<125x80xi32, #tpu.memory_space<vmem>> -> memref<1x80xi32, #tpu.memory_space<vmem>>
      %dma_wait3A_32 = tpu.memref_squeeze %dma_wait3A_31 : memref<1x80xi32, #tpu.memory_space<vmem>> -> memref<80xi32, #tpu.memory_space<vmem>>
      %dma_wait3A_33 = arith.constant 0 : i32
      %dma_wait3A_34 = arith.constant 0 : i32
      %dma_wait3A_35 = tpu.memref_slice %arg2[%dma_wait3A_33, %dma_wait3A_34] : memref<10000x128xf32, #tpu.memory_space<hbm>> -> memref<10000x128xf32, #tpu.memory_space<hbm>>
      tpu.wait_indirect_dma semaphore(%arg15 : memref<!tpu.dma_semaphore, #tpu.memory_space<semaphore_mem>>) src(%dma_wait3A_35 : memref<10000x128xf32, #tpu.memory_space<hbm>>) dst(%arg9 : memref<80x128xf32, #tpu.memory_space<vmem>>)
      %dma_wait3A_36 = arith.constant 0 : i32
      %dma_wait3A_37 = tpu.memref_slice %arg8[%mul3A_26, %dma_wait3A_36] : memref<125x80xi32, #tpu.memory_space<vmem>> -> memref<1x80xi32, #tpu.memory_space<vmem>>
      %dma_wait3A_38 = tpu.memref_squeeze %dma_wait3A_37 : memref<1x80xi32, #tpu.memory_space<vmem>> -> memref<80xi32, #tpu.memory_space<vmem>>
      %dma_wait3A_39 = arith.constant 0 : i32
      %dma_wait3A_40 = arith.constant 0 : i32
      %dma_wait3A_41 = tpu.memref_slice %arg3[%dma_wait3A_39, %dma_wait3A_40] : memref<10000x128xf32, #tpu.memory_space<hbm>> -> memref<10000x128xf32, #tpu.memory_space<hbm>>
      tpu.wait_indirect_dma semaphore(%arg15 : memref<!tpu.dma_semaphore, #tpu.memory_space<semaphore_mem>>) src(%dma_wait3A_41 : memref<10000x128xf32, #tpu.memory_space<hbm>>) dst(%arg10 : memref<80x128xf32, #tpu.memory_space<vmem>>)
      %scan3A_42 = arith.constant 0 : i32
      %scan3A_43 = arith.constant 5 : i32
      %scan3A_44 = arith.addi %scan3A_42, %scan3A_43 : i32
      %scan3A_45 = arith.constant 1 : i32
      scf.for %scan3A_61 = %scan3A_42 to %scan3A_44 step %scan3A_45  : i32 {
        %mul3A_62 = arith.constant 1 : i32
        %mul3A_63 = arith.muli %scan3A_61, %mul3A_62 : i32
        %add3A_64 = arith.constant 0 : i32
        %add3A_65 = arith.addi %add3A_64, %mul3A_63 : i32
        %mul3A_66 = arith.constant 16 : i32
        %mul3A_67 = arith.muli %add3A_65, %mul3A_66 : i32
        %add3A_68 = arith.constant 0 : i32
        %add3A_69 = arith.addi %mul3A_67, %add3A_68 : i32
        %get3A = arith.index_cast %add3A_69 : i32 to index
        %get3A_70 = arith.constant 0 : index
        %get3A_71 = tpu.vector_load %arg9[%get3A, %get3A_70] {strides = array<i32>} : memref<80x128xf32, #tpu.memory_space<vmem>>, vector<16xf32>,
        %get3A_72 = arith.index_cast %add3A_69 : i32 to index
        %get3A_73 = arith.constant 0 : index
        %get3A_74 = tpu.vector_load %arg10[%get3A_72, %get3A_73] {strides = array<i32>} : memref<80x128xf32, #tpu.memory_space<vmem>>, vector<16xf32>,
        %mul3A_75 = arith.mulf %get3A_71, %get3A_74 : vector<16xf32>
        %get3A_76 = arith.index_cast %add3A_69 : i32 to index
        %get3A_77 = arith.constant 16 : index
        %get3A_78 = tpu.vector_load %arg9[%get3A_76, %get3A_77] {strides = array<i32>} : memref<80x128xf32, #tpu.memory_space<vmem>>, vector<16xf32>,
        %get3A_79 = arith.index_cast %add3A_69 : i32 to index
        %get3A_80 = arith.constant 16 : index
        %get3A_81 = tpu.vector_load %arg10[%get3A_79, %get3A_80] {strides = array<i32>} : memref<80x128xf32, #tpu.memory_space<vmem>>, vector<16xf32>,
        %mul3A_82 = arith.mulf %get3A_78, %get3A_81 : vector<16xf32>
        %add3A_83 = arith.addf %mul3A_75, %mul3A_82 : vector<16xf32>
        %get3A_84 = arith.index_cast %add3A_69 : i32 to index
        %get3A_85 = arith.constant 32 : index
        %get3A_86 = tpu.vector_load %arg9[%get3A_84, %get3A_85] {strides = array<i32>} : memref<80x128xf32, #tpu.memory_space<vmem>>, vector<16xf32>,
        %get3A_87 = arith.index_cast %add3A_69 : i32 to index
        %get3A_88 = arith.constant 32 : index
        %get3A_89 = tpu.vector_load %arg10[%get3A_87, %get3A_88] {strides = array<i32>} : memref<80x128xf32, #tpu.memory_space<vmem>>, vector<16xf32>,
        %mul3A_90 = arith.mulf %get3A_86, %get3A_89 : vector<16xf32>
        %add3A_91 = arith.addf %add3A_83, %mul3A_90 : vector<16xf32>
        %get3A_92 = arith.index_cast %add3A_69 : i32 to index
        %get3A_93 = arith.constant 48 : index
        %get3A_94 = tpu.vector_load %arg9[%get3A_92, %get3A_93] {strides = array<i32>} : memref<80x128xf32, #tpu.memory_space<vmem>>, vector<16xf32>,
        %get3A_95 = arith.index_cast %add3A_69 : i32 to index
        %get3A_96 = arith.constant 48 : index
        %get3A_97 = tpu.vector_load %arg10[%get3A_95, %get3A_96] {strides = array<i32>} : memref<80x128xf32, #tpu.memory_space<vmem>>, vector<16xf32>,
        %mul3A_98 = arith.mulf %get3A_94, %get3A_97 : vector<16xf32>
        %add3A_99 = arith.addf %add3A_91, %mul3A_98 : vector<16xf32>
        %get3A_100 = arith.index_cast %add3A_69 : i32 to index
        %get3A_101 = arith.constant 64 : index
        %get3A_102 = tpu.vector_load %arg9[%get3A_100, %get3A_101] {strides = array<i32>} : memref<80x128xf32, #tpu.memory_space<vmem>>, vector<16xf32>,
        %get3A_103 = arith.index_cast %add3A_69 : i32 to index
        %get3A_104 = arith.constant 64 : index
        %get3A_105 = tpu.vector_load %arg10[%get3A_103, %get3A_104] {strides = array<i32>} : memref<80x128xf32, #tpu.memory_space<vmem>>, vector<16xf32>,
        %mul3A_106 = arith.mulf %get3A_102, %get3A_105 : vector<16xf32>
        %add3A_107 = arith.addf %add3A_99, %mul3A_106 : vector<16xf32>
        %get3A_108 = arith.index_cast %add3A_69 : i32 to index
        %get3A_109 = arith.constant 80 : index
        %get3A_110 = tpu.vector_load %arg9[%get3A_108, %get3A_109] {strides = array<i32>} : memref<80x128xf32, #tpu.memory_space<vmem>>, vector<16xf32>,
        %get3A_111 = arith.index_cast %add3A_69 : i32 to index
        %get3A_112 = arith.constant 80 : index
        %get3A_113 = tpu.vector_load %arg10[%get3A_111, %get3A_112] {strides = array<i32>} : memref<80x128xf32, #tpu.memory_space<vmem>>, vector<16xf32>,
        %mul3A_114 = arith.mulf %get3A_110, %get3A_113 : vector<16xf32>
        %add3A_115 = arith.addf %add3A_107, %mul3A_114 : vector<16xf32>
        %get3A_116 = arith.index_cast %add3A_69 : i32 to index
        %get3A_117 = arith.constant 96 : index
        %get3A_118 = tpu.vector_load %arg9[%get3A_116, %get3A_117] {strides = array<i32>} : memref<80x128xf32, #tpu.memory_space<vmem>>, vector<16xf32>,
        %get3A_119 = arith.index_cast %add3A_69 : i32 to index
        %get3A_120 = arith.constant 96 : index
        %get3A_121 = tpu.vector_load %arg10[%get3A_119, %get3A_120] {strides = array<i32>} : memref<80x128xf32, #tpu.memory_space<vmem>>, vector<16xf32>,
        %mul3A_122 = arith.mulf %get3A_118, %get3A_121 : vector<16xf32>
        %add3A_123 = arith.addf %add3A_115, %mul3A_122 : vector<16xf32>
        %get3A_124 = arith.index_cast %add3A_69 : i32 to index
        %get3A_125 = arith.constant 112 : index
        %get3A_126 = tpu.vector_load %arg9[%get3A_124, %get3A_125] {strides = array<i32>} : memref<80x128xf32, #tpu.memory_space<vmem>>, vector<16xf32>,
        %get3A_127 = arith.index_cast %add3A_69 : i32 to index
        %get3A_128 = arith.constant 112 : index
        %get3A_129 = tpu.vector_load %arg10[%get3A_127, %get3A_128] {strides = array<i32>} : memref<80x128xf32, #tpu.memory_space<vmem>>, vector<16xf32>,
        %mul3A_130 = arith.mulf %get3A_126, %get3A_129 : vector<16xf32>
        %add3A_131 = arith.addf %add3A_123, %mul3A_130 : vector<16xf32>
        %swap3A = arith.constant 0 : index
        %swap3A_132 = tpu.vector_load %arg13[%swap3A] {strides = array<i32>} : memref<256xf32, #tpu.memory_space<vmem>>, vector<16xf32>,
        tpu.vector_store %arg13[%swap3A], %add3A_131 {strides = array<i32>} : memref<256xf32, #tpu.memory_space<vmem>>, vector<16xf32>,
        %mul3A_133 = arith.constant 16 : i32
        %mul3A_134 = arith.muli %add3A_65, %mul3A_133 : i32
        %add3A_135 = arith.constant 1 : i32
        %add3A_136 = arith.addi %mul3A_134, %add3A_135 : i32
        %get3A_137 = arith.index_cast %add3A_136 : i32 to index
        %get3A_138 = arith.constant 0 : index
        %get3A_139 = tpu.vector_load %arg9[%get3A_137, %get3A_138] {strides = array<i32>} : memref<80x128xf32, #tpu.memory_space<vmem>>, vector<16xf32>,
        %get3A_140 = arith.index_cast %add3A_136 : i32 to index
        %get3A_141 = arith.constant 0 : index
        %get3A_142 = tpu.vector_load %arg10[%get3A_140, %get3A_141] {strides = array<i32>} : memref<80x128xf32, #tpu.memory_space<vmem>>, vector<16xf32>,
        %mul3A_143 = arith.mulf %get3A_139, %get3A_142 : vector<16xf32>
        %get3A_144 = arith.index_cast %add3A_136 : i32 to index
        %get3A_145 = arith.constant 16 : index
        %get3A_146 = tpu.vector_load %arg9[%get3A_144, %get3A_145] {strides = array<i32>} : memref<80x128xf32, #tpu.memory_space<vmem>>, vector<16xf32>,
        %get3A_147 = arith.index_cast %add3A_136 : i32 to index
        %get3A_148 = arith.constant 16 : index
        %get3A_149 = tpu.vector_load %arg10[%get3A_147, %get3A_148] {strides = array<i32>} : memref<80x128xf32, #tpu.memory_space<vmem>>, vector<16xf32>,
        %mul3A_150 = arith.mulf %get3A_146, %get3A_149 : vector<16xf32>
        %add3A_151 = arith.addf %mul3A_143, %mul3A_150 : vector<16xf32>
        %get3A_152 = arith.index_cast %add3A_136 : i32 to index
        %get3A_153 = arith.constant 32 : index
        %get3A_154 = tpu.vector_load %arg9[%get3A_152, %get3A_153] {strides = array<i32>} : memref<80x128xf32, #tpu.memory_space<vmem>>, vector<16xf32>,
        %get3A_155 = arith.index_cast %add3A_136 : i32 to index
        %get3A_156 = arith.constant 32 : index
        %get3A_157 = tpu.vector_load %arg10[%get3A_155, %get3A_156] {strides = array<i32>} : memref<80x128xf32, #tpu.memory_space<vmem>>, vector<16xf32>,
        %mul3A_158 = arith.mulf %get3A_154, %get3A_157 : vector<16xf32>
        %add3A_159 = arith.addf %add3A_151, %mul3A_158 : vector<16xf32>
        %get3A_160 = arith.index_cast %add3A_136 : i32 to index
        %get3A_161 = arith.constant 48 : index
        %get3A_162 = tpu.vector_load %arg9[%get3A_160, %get3A_161] {strides = array<i32>} : memref<80x128xf32, #tpu.memory_space<vmem>>, vector<16xf32>,
        %get3A_163 = arith.index_cast %add3A_136 : i32 to index
        %get3A_164 = arith.constant 48 : index
        %get3A_165 = tpu.vector_load %arg10[%get3A_163, %get3A_164] {strides = array<i32>} : memref<80x128xf32, #tpu.memory_space<vmem>>, vector<16xf32>,
        %mul3A_166 = arith.mulf %get3A_162, %get3A_165 : vector<16xf32>
        %add3A_167 = arith.addf %add3A_159, %mul3A_166 : vector<16xf32>
        %get3A_168 = arith.index_cast %add3A_136 : i32 to index
        %get3A_169 = arith.constant 64 : index
        %get3A_170 = tpu.vector_load %arg9[%get3A_168, %get3A_169] {strides = array<i32>} : memref<80x128xf32, #tpu.memory_space<vmem>>, vector<16xf32>,
        %get3A_171 = arith.index_cast %add3A_136 : i32 to index
        %get3A_172 = arith.constant 64 : index
        %get3A_173 = tpu.vector_load %arg10[%get3A_171, %get3A_172] {strides = array<i32>} : memref<80x128xf32, #tpu.memory_space<vmem>>, vector<16xf32>,
        %mul3A_174 = arith.mulf %get3A_170, %get3A_173 : vector<16xf32>
        %add3A_175 = arith.addf %add3A_167, %mul3A_174 : vector<16xf32>
        %get3A_176 = arith.index_cast %add3A_136 : i32 to index
        %get3A_177 = arith.constant 80 : index
        %get3A_178 = tpu.vector_load %arg9[%get3A_176, %get3A_177] {strides = array<i32>} : memref<80x128xf32, #tpu.memory_space<vmem>>, vector<16xf32>,
        %get3A_179 = arith.index_cast %add3A_136 : i32 to index
        %get3A_180 = arith.constant 80 : index
        %get3A_181 = tpu.vector_load %arg10[%get3A_179, %get3A_180] {strides = array<i32>} : memref<80x128xf32, #tpu.memory_space<vmem>>, vector<16xf32>,
        %mul3A_182 = arith.mulf %get3A_178, %get3A_181 : vector<16xf32>
        %add3A_183 = arith.addf %add3A_175, %mul3A_182 : vector<16xf32>
        %get3A_184 = arith.index_cast %add3A_136 : i32 to index
        %get3A_185 = arith.constant 96 : index
        %get3A_186 = tpu.vector_load %arg9[%get3A_184, %get3A_185] {strides = array<i32>} : memref<80x128xf32, #tpu.memory_space<vmem>>, vector<16xf32>,
        %get3A_187 = arith.index_cast %add3A_136 : i32 to index
        %get3A_188 = arith.constant 96 : index
        %get3A_189 = tpu.vector_load %arg10[%get3A_187, %get3A_188] {strides = array<i32>} : memref<80x128xf32, #tpu.memory_space<vmem>>, vector<16xf32>,
        %mul3A_190 = arith.mulf %get3A_186, %get3A_189 : vector<16xf32>
        %add3A_191 = arith.addf %add3A_183, %mul3A_190 : vector<16xf32>
        %get3A_192 = arith.index_cast %add3A_136 : i32 to index
        %get3A_193 = arith.constant 112 : index
        %get3A_194 = tpu.vector_load %arg9[%get3A_192, %get3A_193] {strides = array<i32>} : memref<80x128xf32, #tpu.memory_space<vmem>>, vector<16xf32>,
        %get3A_195 = arith.index_cast %add3A_136 : i32 to index
        %get3A_196 = arith.constant 112 : index
        %get3A_197 = tpu.vector_load %arg10[%get3A_195, %get3A_196] {strides = array<i32>} : memref<80x128xf32, #tpu.memory_space<vmem>>, vector<16xf32>,
        %mul3A_198 = arith.mulf %get3A_194, %get3A_197 : vector<16xf32>
        %add3A_199 = arith.addf %add3A_191, %mul3A_198 : vector<16xf32>
        %swap3A_200 = arith.constant 16 : index
        %swap3A_201 = tpu.vector_load %arg13[%swap3A_200] {strides = array<i32>} : memref<256xf32, #tpu.memory_space<vmem>>, vector<16xf32>,
        tpu.vector_store %arg13[%swap3A_200], %add3A_199 {strides = array<i32>} : memref<256xf32, #tpu.memory_space<vmem>>, vector<16xf32>,
        %mul3A_202 = arith.constant 16 : i32
        %mul3A_203 = arith.muli %add3A_65, %mul3A_202 : i32
        %add3A_204 = arith.constant 2 : i32
        %add3A_205 = arith.addi %mul3A_203, %add3A_204 : i32
        %get3A_206 = arith.index_cast %add3A_205 : i32 to index
        %get3A_207 = arith.constant 0 : index
        %get3A_208 = tpu.vector_load %arg9[%get3A_206, %get3A_207] {strides = array<i32>} : memref<80x128xf32, #tpu.memory_space<vmem>>, vector<16xf32>,
        %get3A_209 = arith.index_cast %add3A_205 : i32 to index
        %get3A_210 = arith.constant 0 : index
        %get3A_211 = tpu.vector_load %arg10[%get3A_209, %get3A_210] {strides = array<i32>} : memref<80x128xf32, #tpu.memory_space<vmem>>, vector<16xf32>,
        %mul3A_212 = arith.mulf %get3A_208, %get3A_211 : vector<16xf32>
        %get3A_213 = arith.index_cast %add3A_205 : i32 to index
        %get3A_214 = arith.constant 16 : index
        %get3A_215 = tpu.vector_load %arg9[%get3A_213, %get3A_214] {strides = array<i32>} : memref<80x128xf32, #tpu.memory_space<vmem>>, vector<16xf32>,
        %get3A_216 = arith.index_cast %add3A_205 : i32 to index
        %get3A_217 = arith.constant 16 : index
        %get3A_218 = tpu.vector_load %arg10[%get3A_216, %get3A_217] {strides = array<i32>} : memref<80x128xf32, #tpu.memory_space<vmem>>, vector<16xf32>,
        %mul3A_219 = arith.mulf %get3A_215, %get3A_218 : vector<16xf32>
        %add3A_220 = arith.addf %mul3A_212, %mul3A_219 : vector<16xf32>
        %get3A_221 = arith.index_cast %add3A_205 : i32 to index
        %get3A_222 = arith.constant 32 : index
        %get3A_223 = tpu.vector_load %arg9[%get3A_221, %get3A_222] {strides = array<i32>} : memref<80x128xf32, #tpu.memory_space<vmem>>, vector<16xf32>,
        %get3A_224 = arith.index_cast %add3A_205 : i32 to index
        %get3A_225 = arith.constant 32 : index
        %get3A_226 = tpu.vector_load %arg10[%get3A_224, %get3A_225] {strides = array<i32>} : memref<80x128xf32, #tpu.memory_space<vmem>>, vector<16xf32>,
        %mul3A_227 = arith.mulf %get3A_223, %get3A_226 : vector<16xf32>
        %add3A_228 = arith.addf %add3A_220, %mul3A_227 : vector<16xf32>
        %get3A_229 = arith.index_cast %add3A_205 : i32 to index
        %get3A_230 = arith.constant 48 : index
        %get3A_231 = tpu.vector_load %arg9[%get3A_229, %get3A_230] {strides = array<i32>} : memref<80x128xf32, #tpu.memory_space<vmem>>, vector<16xf32>,
        %get3A_232 = arith.index_cast %add3A_205 : i32 to index
        %get3A_233 = arith.constant 48 : index
        %get3A_234 = tpu.vector_load %arg10[%get3A_232, %get3A_233] {strides = array<i32>} : memref<80x128xf32, #tpu.memory_space<vmem>>, vector<16xf32>,
        %mul3A_235 = arith.mulf %get3A_231, %get3A_234 : vector<16xf32>
        %add3A_236 = arith.addf %add3A_228, %mul3A_235 : vector<16xf32>
        %get3A_237 = arith.index_cast %add3A_205 : i32 to index
        %get3A_238 = arith.constant 64 : index
        %get3A_239 = tpu.vector_load %arg9[%get3A_237, %get3A_238] {strides = array<i32>} : memref<80x128xf32, #tpu.memory_space<vmem>>, vector<16xf32>,
        %get3A_240 = arith.index_cast %add3A_205 : i32 to index
        %get3A_241 = arith.constant 64 : index
        %get3A_242 = tpu.vector_load %arg10[%get3A_240, %get3A_241] {strides = array<i32>} : memref<80x128xf32, #tpu.memory_space<vmem>>, vector<16xf32>,
        %mul3A_243 = arith.mulf %get3A_239, %get3A_242 : vector<16xf32>
        %add3A_244 = arith.addf %add3A_236, %mul3A_243 : vector<16xf32>
        %get3A_245 = arith.index_cast %add3A_205 : i32 to index
        %get3A_246 = arith.constant 80 : index
        %get3A_247 = tpu.vector_load %arg9[%get3A_245, %get3A_246] {strides = array<i32>} : memref<80x128xf32, #tpu.memory_space<vmem>>, vector<16xf32>,
        %get3A_248 = arith.index_cast %add3A_205 : i32 to index
        %get3A_249 = arith.constant 80 : index
        %get3A_250 = tpu.vector_load %arg10[%get3A_248, %get3A_249] {strides = array<i32>} : memref<80x128xf32, #tpu.memory_space<vmem>>, vector<16xf32>,
        %mul3A_251 = arith.mulf %get3A_247, %get3A_250 : vector<16xf32>
        %add3A_252 = arith.addf %add3A_244, %mul3A_251 : vector<16xf32>
        %get3A_253 = arith.index_cast %add3A_205 : i32 to index
        %get3A_254 = arith.constant 96 : index
        %get3A_255 = tpu.vector_load %arg9[%get3A_253, %get3A_254] {strides = array<i32>} : memref<80x128xf32, #tpu.memory_space<vmem>>, vector<16xf32>,
        %get3A_256 = arith.index_cast %add3A_205 : i32 to index
        %get3A_257 = arith.constant 96 : index
        %get3A_258 = tpu.vector_load %arg10[%get3A_256, %get3A_257] {strides = array<i32>} : memref<80x128xf32, #tpu.memory_space<vmem>>, vector<16xf32>,
        %mul3A_259 = arith.mulf %get3A_255, %get3A_258 : vector<16xf32>
        %add3A_260 = arith.addf %add3A_252, %mul3A_259 : vector<16xf32>
        %get3A_261 = arith.index_cast %add3A_205 : i32 to index
        %get3A_262 = arith.constant 112 : index
        %get3A_263 = tpu.vector_load %arg9[%get3A_261, %get3A_262] {strides = array<i32>} : memref<80x128xf32, #tpu.memory_space<vmem>>, vector<16xf32>,
        %get3A_264 = arith.index_cast %add3A_205 : i32 to index
        %get3A_265 = arith.constant 112 : index
        %get3A_266 = tpu.vector_load %arg10[%get3A_264, %get3A_265] {strides = array<i32>} : memref<80x128xf32, #tpu.memory_space<vmem>>, vector<16xf32>,
        %mul3A_267 = arith.mulf %get3A_263, %get3A_266 : vector<16xf32>
        %add3A_268 = arith.addf %add3A_260, %mul3A_267 : vector<16xf32>
        %swap3A_269 = arith.constant 32 : index
        %swap3A_270 = tpu.vector_load %arg13[%swap3A_269] {strides = array<i32>} : memref<256xf32, #tpu.memory_space<vmem>>, vector<16xf32>,
        tpu.vector_store %arg13[%swap3A_269], %add3A_268 {strides = array<i32>} : memref<256xf32, #tpu.memory_space<vmem>>, vector<16xf32>,
        %mul3A_271 = arith.constant 16 : i32
        %mul3A_272 = arith.muli %add3A_65, %mul3A_271 : i32
        %add3A_273 = arith.constant 3 : i32
        %add3A_274 = arith.addi %mul3A_272, %add3A_273 : i32
        %get3A_275 = arith.index_cast %add3A_274 : i32 to index
        %get3A_276 = arith.constant 0 : index
        %get3A_277 = tpu.vector_load %arg9[%get3A_275, %get3A_276] {strides = array<i32>} : memref<80x128xf32, #tpu.memory_space<vmem>>, vector<16xf32>,
        %get3A_278 = arith.index_cast %add3A_274 : i32 to index
        %get3A_279 = arith.constant 0 : index
        %get3A_280 = tpu.vector_load %arg10[%get3A_278, %get3A_279] {strides = array<i32>} : memref<80x128xf32, #tpu.memory_space<vmem>>, vector<16xf32>,
        %mul3A_281 = arith.mulf %get3A_277, %get3A_280 : vector<16xf32>
        %get3A_282 = arith.index_cast %add3A_274 : i32 to index
        %get3A_283 = arith.constant 16 : index
        %get3A_284 = tpu.vector_load %arg9[%get3A_282, %get3A_283] {strides = array<i32>} : memref<80x128xf32, #tpu.memory_space<vmem>>, vector<16xf32>,
        %get3A_285 = arith.index_cast %add3A_274 : i32 to index
        %get3A_286 = arith.constant 16 : index
        %get3A_287 = tpu.vector_load %arg10[%get3A_285, %get3A_286] {strides = array<i32>} : memref<80x128xf32, #tpu.memory_space<vmem>>, vector<16xf32>,
        %mul3A_288 = arith.mulf %get3A_284, %get3A_287 : vector<16xf32>
        %add3A_289 = arith.addf %mul3A_281, %mul3A_288 : vector<16xf32>
        %get3A_290 = arith.index_cast %add3A_274 : i32 to index
        %get3A_291 = arith.constant 32 : index
        %get3A_292 = tpu.vector_load %arg9[%get3A_290, %get3A_291] {strides = array<i32>} : memref<80x128xf32, #tpu.memory_space<vmem>>, vector<16xf32>,
        %get3A_293 = arith.index_cast %add3A_274 : i32 to index
        %get3A_294 = arith.constant 32 : index
        %get3A_295 = tpu.vector_load %arg10[%get3A_293, %get3A_294] {strides = array<i32>} : memref<80x128xf32, #tpu.memory_space<vmem>>, vector<16xf32>,
        %mul3A_296 = arith.mulf %get3A_292, %get3A_295 : vector<16xf32>
        %add3A_297 = arith.addf %add3A_289, %mul3A_296 : vector<16xf32>
        %get3A_298 = arith.index_cast %add3A_274 : i32 to index
        %get3A_299 = arith.constant 48 : index
        %get3A_300 = tpu.vector_load %arg9[%get3A_298, %get3A_299] {strides = array<i32>} : memref<80x128xf32, #tpu.memory_space<vmem>>, vector<16xf32>,
        %get3A_301 = arith.index_cast %add3A_274 : i32 to index
        %get3A_302 = arith.constant 48 : index
        %get3A_303 = tpu.vector_load %arg10[%get3A_301, %get3A_302] {strides = array<i32>} : memref<80x128xf32, #tpu.memory_space<vmem>>, vector<16xf32>,
        %mul3A_304 = arith.mulf %get3A_300, %get3A_303 : vector<16xf32>
        %add3A_305 = arith.addf %add3A_297, %mul3A_304 : vector<16xf32>
        %get3A_306 = arith.index_cast %add3A_274 : i32 to index
        %get3A_307 = arith.constant 64 : index
        %get3A_308 = tpu.vector_load %arg9[%get3A_306, %get3A_307] {strides = array<i32>} : memref<80x128xf32, #tpu.memory_space<vmem>>, vector<16xf32>,
        %get3A_309 = arith.index_cast %add3A_274 : i32 to index
        %get3A_310 = arith.constant 64 : index
        %get3A_311 = tpu.vector_load %arg10[%get3A_309, %get3A_310] {strides = array<i32>} : memref<80x128xf32, #tpu.memory_space<vmem>>, vector<16xf32>,
        %mul3A_312 = arith.mulf %get3A_308, %get3A_311 : vector<16xf32>
        %add3A_313 = arith.addf %add3A_305, %mul3A_312 : vector<16xf32>
        %get3A_314 = arith.index_cast %add3A_274 : i32 to index
        %get3A_315 = arith.constant 80 : index
        %get3A_316 = tpu.vector_load %arg9[%get3A_314, %get3A_315] {strides = array<i32>} : memref<80x128xf32, #tpu.memory_space<vmem>>, vector<16xf32>,
        %get3A_317 = arith.index_cast %add3A_274 : i32 to index
        %get3A_318 = arith.constant 80 : index
        %get3A_319 = tpu.vector_load %arg10[%get3A_317, %get3A_318] {strides = array<i32>} : memref<80x128xf32, #tpu.memory_space<vmem>>, vector<16xf32>,
        %mul3A_320 = arith.mulf %get3A_316, %get3A_319 : vector<16xf32>
        %add3A_321 = arith.addf %add3A_313, %mul3A_320 : vector<16xf32>
        %get3A_322 = arith.index_cast %add3A_274 : i32 to index
        %get3A_323 = arith.constant 96 : index
        %get3A_324 = tpu.vector_load %arg9[%get3A_322, %get3A_323] {strides = array<i32>} : memref<80x128xf32, #tpu.memory_space<vmem>>, vector<16xf32>,
        %get3A_325 = arith.index_cast %add3A_274 : i32 to index
        %get3A_326 = arith.constant 96 : index
        %get3A_327 = tpu.vector_load %arg10[%get3A_325, %get3A_326] {strides = array<i32>} : memref<80x128xf32, #tpu.memory_space<vmem>>, vector<16xf32>,
        %mul3A_328 = arith.mulf %get3A_324, %get3A_327 : vector<16xf32>
        %add3A_329 = arith.addf %add3A_321, %mul3A_328 : vector<16xf32>
        %get3A_330 = arith.index_cast %add3A_274 : i32 to index
        %get3A_331 = arith.constant 112 : index
        %get3A_332 = tpu.vector_load %arg9[%get3A_330, %get3A_331] {strides = array<i32>} : memref<80x128xf32, #tpu.memory_space<vmem>>, vector<16xf32>,
        %get3A_333 = arith.index_cast %add3A_274 : i32 to index
        %get3A_334 = arith.constant 112 : index
        %get3A_335 = tpu.vector_load %arg10[%get3A_333, %get3A_334] {strides = array<i32>} : memref<80x128xf32, #tpu.memory_space<vmem>>, vector<16xf32>,
        %mul3A_336 = arith.mulf %get3A_332, %get3A_335 : vector<16xf32>
        %add3A_337 = arith.addf %add3A_329, %mul3A_336 : vector<16xf32>
        %swap3A_338 = arith.constant 48 : index
        %swap3A_339 = tpu.vector_load %arg13[%swap3A_338] {strides = array<i32>} : memref<256xf32, #tpu.memory_space<vmem>>, vector<16xf32>,
        tpu.vector_store %arg13[%swap3A_338], %add3A_337 {strides = array<i32>} : memref<256xf32, #tpu.memory_space<vmem>>, vector<16xf32>,
        %mul3A_340 = arith.constant 16 : i32
        %mul3A_341 = arith.muli %add3A_65, %mul3A_340 : i32
        %add3A_342 = arith.constant 4 : i32
        %add3A_343 = arith.addi %mul3A_341, %add3A_342 : i32
        %get3A_344 = arith.index_cast %add3A_343 : i32 to index
        %get3A_345 = arith.constant 0 : index
        %get3A_346 = tpu.vector_load %arg9[%get3A_344, %get3A_345] {strides = array<i32>} : memref<80x128xf32, #tpu.memory_space<vmem>>, vector<16xf32>,
        %get3A_347 = arith.index_cast %add3A_343 : i32 to index
        %get3A_348 = arith.constant 0 : index
        %get3A_349 = tpu.vector_load %arg10[%get3A_347, %get3A_348] {strides = array<i32>} : memref<80x128xf32, #tpu.memory_space<vmem>>, vector<16xf32>,
        %mul3A_350 = arith.mulf %get3A_346, %get3A_349 : vector<16xf32>
        %get3A_351 = arith.index_cast %add3A_343 : i32 to index
        %get3A_352 = arith.constant 16 : index
        %get3A_353 = tpu.vector_load %arg9[%get3A_351, %get3A_352] {strides = array<i32>} : memref<80x128xf32, #tpu.memory_space<vmem>>, vector<16xf32>,
        %get3A_354 = arith.index_cast %add3A_343 : i32 to index
        %get3A_355 = arith.constant 16 : index
        %get3A_356 = tpu.vector_load %arg10[%get3A_354, %get3A_355] {strides = array<i32>} : memref<80x128xf32, #tpu.memory_space<vmem>>, vector<16xf32>,
        %mul3A_357 = arith.mulf %get3A_353, %get3A_356 : vector<16xf32>
        %add3A_358 = arith.addf %mul3A_350, %mul3A_357 : vector<16xf32>
        %get3A_359 = arith.index_cast %add3A_343 : i32 to index
        %get3A_360 = arith.constant 32 : index
        %get3A_361 = tpu.vector_load %arg9[%get3A_359, %get3A_360] {strides = array<i32>} : memref<80x128xf32, #tpu.memory_space<vmem>>, vector<16xf32>,
        %get3A_362 = arith.index_cast %add3A_343 : i32 to index
        %get3A_363 = arith.constant 32 : index
        %get3A_364 = tpu.vector_load %arg10[%get3A_362, %get3A_363] {strides = array<i32>} : memref<80x128xf32, #tpu.memory_space<vmem>>, vector<16xf32>,
        %mul3A_365 = arith.mulf %get3A_361, %get3A_364 : vector<16xf32>
        %add3A_366 = arith.addf %add3A_358, %mul3A_365 : vector<16xf32>
        %get3A_367 = arith.index_cast %add3A_343 : i32 to index
        %get3A_368 = arith.constant 48 : index
        %get3A_369 = tpu.vector_load %arg9[%get3A_367, %get3A_368] {strides = array<i32>} : memref<80x128xf32, #tpu.memory_space<vmem>>, vector<16xf32>,
        %get3A_370 = arith.index_cast %add3A_343 : i32 to index
        %get3A_371 = arith.constant 48 : index
        %get3A_372 = tpu.vector_load %arg10[%get3A_370, %get3A_371] {strides = array<i32>} : memref<80x128xf32, #tpu.memory_space<vmem>>, vector<16xf32>,
        %mul3A_373 = arith.mulf %get3A_369, %get3A_372 : vector<16xf32>
        %add3A_374 = arith.addf %add3A_366, %mul3A_373 : vector<16xf32>
        %get3A_375 = arith.index_cast %add3A_343 : i32 to index
        %get3A_376 = arith.constant 64 : index
        %get3A_377 = tpu.vector_load %arg9[%get3A_375, %get3A_376] {strides = array<i32>} : memref<80x128xf32, #tpu.memory_space<vmem>>, vector<16xf32>,
        %get3A_378 = arith.index_cast %add3A_343 : i32 to index
        %get3A_379 = arith.constant 64 : index
        %get3A_380 = tpu.vector_load %arg10[%get3A_378, %get3A_379] {strides = array<i32>} : memref<80x128xf32, #tpu.memory_space<vmem>>, vector<16xf32>,
        %mul3A_381 = arith.mulf %get3A_377, %get3A_380 : vector<16xf32>
        %add3A_382 = arith.addf %add3A_374, %mul3A_381 : vector<16xf32>
        %get3A_383 = arith.index_cast %add3A_343 : i32 to index
        %get3A_384 = arith.constant 80 : index
        %get3A_385 = tpu.vector_load %arg9[%get3A_383, %get3A_384] {strides = array<i32>} : memref<80x128xf32, #tpu.memory_space<vmem>>, vector<16xf32>,
        %get3A_386 = arith.index_cast %add3A_343 : i32 to index
        %get3A_387 = arith.constant 80 : index
        %get3A_388 = tpu.vector_load %arg10[%get3A_386, %get3A_387] {strides = array<i32>} : memref<80x128xf32, #tpu.memory_space<vmem>>, vector<16xf32>,
        %mul3A_389 = arith.mulf %get3A_385, %get3A_388 : vector<16xf32>
        %add3A_390 = arith.addf %add3A_382, %mul3A_389 : vector<16xf32>
        %get3A_391 = arith.index_cast %add3A_343 : i32 to index
        %get3A_392 = arith.constant 96 : index
        %get3A_393 = tpu.vector_load %arg9[%get3A_391, %get3A_392] {strides = array<i32>} : memref<80x128xf32, #tpu.memory_space<vmem>>, vector<16xf32>,
        %get3A_394 = arith.index_cast %add3A_343 : i32 to index
        %get3A_395 = arith.constant 96 : index
        %get3A_396 = tpu.vector_load %arg10[%get3A_394, %get3A_395] {strides = array<i32>} : memref<80x128xf32, #tpu.memory_space<vmem>>, vector<16xf32>,
        %mul3A_397 = arith.mulf %get3A_393, %get3A_396 : vector<16xf32>
        %add3A_398 = arith.addf %add3A_390, %mul3A_397 : vector<16xf32>
        %get3A_399 = arith.index_cast %add3A_343 : i32 to index
        %get3A_400 = arith.constant 112 : index
        %get3A_401 = tpu.vector_load %arg9[%get3A_399, %get3A_400] {strides = array<i32>} : memref<80x128xf32, #tpu.memory_space<vmem>>, vector<16xf32>,
        %get3A_402 = arith.index_cast %add3A_343 : i32 to index
        %get3A_403 = arith.constant 112 : index
        %get3A_404 = tpu.vector_load %arg10[%get3A_402, %get3A_403] {strides = array<i32>} : memref<80x128xf32, #tpu.memory_space<vmem>>, vector<16xf32>,
        %mul3A_405 = arith.mulf %get3A_401, %get3A_404 : vector<16xf32>
        %add3A_406 = arith.addf %add3A_398, %mul3A_405 : vector<16xf32>
        %swap3A_407 = arith.constant 64 : index
        %swap3A_408 = tpu.vector_load %arg13[%swap3A_407] {strides = array<i32>} : memref<256xf32, #tpu.memory_space<vmem>>, vector<16xf32>,
        tpu.vector_store %arg13[%swap3A_407], %add3A_406 {strides = array<i32>} : memref<256xf32, #tpu.memory_space<vmem>>, vector<16xf32>,
        %mul3A_409 = arith.constant 16 : i32
        %mul3A_410 = arith.muli %add3A_65, %mul3A_409 : i32
        %add3A_411 = arith.constant 5 : i32
        %add3A_412 = arith.addi %mul3A_410, %add3A_411 : i32
        %get3A_413 = arith.index_cast %add3A_412 : i32 to index
        %get3A_414 = arith.constant 0 : index
        %get3A_415 = tpu.vector_load %arg9[%get3A_413, %get3A_414] {strides = array<i32>} : memref<80x128xf32, #tpu.memory_space<vmem>>, vector<16xf32>,
        %get3A_416 = arith.index_cast %add3A_412 : i32 to index
        %get3A_417 = arith.constant 0 : index
        %get3A_418 = tpu.vector_load %arg10[%get3A_416, %get3A_417] {strides = array<i32>} : memref<80x128xf32, #tpu.memory_space<vmem>>, vector<16xf32>,
        %mul3A_419 = arith.mulf %get3A_415, %get3A_418 : vector<16xf32>
        %get3A_420 = arith.index_cast %add3A_412 : i32 to index
        %get3A_421 = arith.constant 16 : index
        %get3A_422 = tpu.vector_load %arg9[%get3A_420, %get3A_421] {strides = array<i32>} : memref<80x128xf32, #tpu.memory_space<vmem>>, vector<16xf32>,
        %get3A_423 = arith.index_cast %add3A_412 : i32 to index
        %get3A_424 = arith.constant 16 : index
        %get3A_425 = tpu.vector_load %arg10[%get3A_423, %get3A_424] {strides = array<i32>} : memref<80x128xf32, #tpu.memory_space<vmem>>, vector<16xf32>,
        %mul3A_426 = arith.mulf %get3A_422, %get3A_425 : vector<16xf32>
        %add3A_427 = arith.addf %mul3A_419, %mul3A_426 : vector<16xf32>
        %get3A_428 = arith.index_cast %add3A_412 : i32 to index
        %get3A_429 = arith.constant 32 : index
        %get3A_430 = tpu.vector_load %arg9[%get3A_428, %get3A_429] {strides = array<i32>} : memref<80x128xf32, #tpu.memory_space<vmem>>, vector<16xf32>,
        %get3A_431 = arith.index_cast %add3A_412 : i32 to index
        %get3A_432 = arith.constant 32 : index
        %get3A_433 = tpu.vector_load %arg10[%get3A_431, %get3A_432] {strides = array<i32>} : memref<80x128xf32, #tpu.memory_space<vmem>>, vector<16xf32>,
        %mul3A_434 = arith.mulf %get3A_430, %get3A_433 : vector<16xf32>
        %add3A_435 = arith.addf %add3A_427, %mul3A_434 : vector<16xf32>
        %get3A_436 = arith.index_cast %add3A_412 : i32 to index
        %get3A_437 = arith.constant 48 : index
        %get3A_438 = tpu.vector_load %arg9[%get3A_436, %get3A_437] {strides = array<i32>} : memref<80x128xf32, #tpu.memory_space<vmem>>, vector<16xf32>,
        %get3A_439 = arith.index_cast %add3A_412 : i32 to index
        %get3A_440 = arith.constant 48 : index
        %get3A_441 = tpu.vector_load %arg10[%get3A_439, %get3A_440] {strides = array<i32>} : memref<80x128xf32, #tpu.memory_space<vmem>>, vector<16xf32>,
        %mul3A_442 = arith.mulf %get3A_438, %get3A_441 : vector<16xf32>
        %add3A_443 = arith.addf %add3A_435, %mul3A_442 : vector<16xf32>
        %get3A_444 = arith.index_cast %add3A_412 : i32 to index
        %get3A_445 = arith.constant 64 : index
        %get3A_446 = tpu.vector_load %arg9[%get3A_444, %get3A_445] {strides = array<i32>} : memref<80x128xf32, #tpu.memory_space<vmem>>, vector<16xf32>,
        %get3A_447 = arith.index_cast %add3A_412 : i32 to index
        %get3A_448 = arith.constant 64 : index
        %get3A_449 = tpu.vector_load %arg10[%get3A_447, %get3A_448] {strides = array<i32>} : memref<80x128xf32, #tpu.memory_space<vmem>>, vector<16xf32>,
        %mul3A_450 = arith.mulf %get3A_446, %get3A_449 : vector<16xf32>
        %add3A_451 = arith.addf %add3A_443, %mul3A_450 : vector<16xf32>
        %get3A_452 = arith.index_cast %add3A_412 : i32 to index
        %get3A_453 = arith.constant 80 : index
        %get3A_454 = tpu.vector_load %arg9[%get3A_452, %get3A_453] {strides = array<i32>} : memref<80x128xf32, #tpu.memory_space<vmem>>, vector<16xf32>,
        %get3A_455 = arith.index_cast %add3A_412 : i32 to index
        %get3A_456 = arith.constant 80 : index
        %get3A_457 = tpu.vector_load %arg10[%get3A_455, %get3A_456] {strides = array<i32>} : memref<80x128xf32, #tpu.memory_space<vmem>>, vector<16xf32>,
        %mul3A_458 = arith.mulf %get3A_454, %get3A_457 : vector<16xf32>
        %add3A_459 = arith.addf %add3A_451, %mul3A_458 : vector<16xf32>
        %get3A_460 = arith.index_cast %add3A_412 : i32 to index
        %get3A_461 = arith.constant 96 : index
        %get3A_462 = tpu.vector_load %arg9[%get3A_460, %get3A_461] {strides = array<i32>} : memref<80x128xf32, #tpu.memory_space<vmem>>, vector<16xf32>,
        %get3A_463 = arith.index_cast %add3A_412 : i32 to index
        %get3A_464 = arith.constant 96 : index
        %get3A_465 = tpu.vector_load %arg10[%get3A_463, %get3A_464] {strides = array<i32>} : memref<80x128xf32, #tpu.memory_space<vmem>>, vector<16xf32>,
        %mul3A_466 = arith.mulf %get3A_462, %get3A_465 : vector<16xf32>
        %add3A_467 = arith.addf %add3A_459, %mul3A_466 : vector<16xf32>
        %get3A_468 = arith.index_cast %add3A_412 : i32 to index
        %get3A_469 = arith.constant 112 : index
        %get3A_470 = tpu.vector_load %arg9[%get3A_468, %get3A_469] {strides = array<i32>} : memref<80x128xf32, #tpu.memory_space<vmem>>, vector<16xf32>,
        %get3A_471 = arith.index_cast %add3A_412 : i32 to index
        %get3A_472 = arith.constant 112 : index
        %get3A_473 = tpu.vector_load %arg10[%get3A_471, %get3A_472] {strides = array<i32>} : memref<80x128xf32, #tpu.memory_space<vmem>>, vector<16xf32>,
        %mul3A_474 = arith.mulf %get3A_470, %get3A_473 : vector<16xf32>
        %add3A_475 = arith.addf %add3A_467, %mul3A_474 : vector<16xf32>
        %swap3A_476 = arith.constant 80 : index
        %swap3A_477 = tpu.vector_load %arg13[%swap3A_476] {strides = array<i32>} : memref<256xf32, #tpu.memory_space<vmem>>, vector<16xf32>,
        tpu.vector_store %arg13[%swap3A_476], %add3A_475 {strides = array<i32>} : memref<256xf32, #tpu.memory_space<vmem>>, vector<16xf32>,
        %mul3A_478 = arith.constant 16 : i32
        %mul3A_479 = arith.muli %add3A_65, %mul3A_478 : i32
        %add3A_480 = arith.constant 6 : i32
        %add3A_481 = arith.addi %mul3A_479, %add3A_480 : i32
        %get3A_482 = arith.index_cast %add3A_481 : i32 to index
        %get3A_483 = arith.constant 0 : index
        %get3A_484 = tpu.vector_load %arg9[%get3A_482, %get3A_483] {strides = array<i32>} : memref<80x128xf32, #tpu.memory_space<vmem>>, vector<16xf32>,
        %get3A_485 = arith.index_cast %add3A_481 : i32 to index
        %get3A_486 = arith.constant 0 : index
        %get3A_487 = tpu.vector_load %arg10[%get3A_485, %get3A_486] {strides = array<i32>} : memref<80x128xf32, #tpu.memory_space<vmem>>, vector<16xf32>,
        %mul3A_488 = arith.mulf %get3A_484, %get3A_487 : vector<16xf32>
        %get3A_489 = arith.index_cast %add3A_481 : i32 to index
        %get3A_490 = arith.constant 16 : index
        %get3A_491 = tpu.vector_load %arg9[%get3A_489, %get3A_490] {strides = array<i32>} : memref<80x128xf32, #tpu.memory_space<vmem>>, vector<16xf32>,
        %get3A_492 = arith.index_cast %add3A_481 : i32 to index
        %get3A_493 = arith.constant 16 : index
        %get3A_494 = tpu.vector_load %arg10[%get3A_492, %get3A_493] {strides = array<i32>} : memref<80x128xf32, #tpu.memory_space<vmem>>, vector<16xf32>,
        %mul3A_495 = arith.mulf %get3A_491, %get3A_494 : vector<16xf32>
        %add3A_496 = arith.addf %mul3A_488, %mul3A_495 : vector<16xf32>
        %get3A_497 = arith.index_cast %add3A_481 : i32 to index
        %get3A_498 = arith.constant 32 : index
        %get3A_499 = tpu.vector_load %arg9[%get3A_497, %get3A_498] {strides = array<i32>} : memref<80x128xf32, #tpu.memory_space<vmem>>, vector<16xf32>,
        %get3A_500 = arith.index_cast %add3A_481 : i32 to index
        %get3A_501 = arith.constant 32 : index
        %get3A_502 = tpu.vector_load %arg10[%get3A_500, %get3A_501] {strides = array<i32>} : memref<80x128xf32, #tpu.memory_space<vmem>>, vector<16xf32>,
        %mul3A_503 = arith.mulf %get3A_499, %get3A_502 : vector<16xf32>
        %add3A_504 = arith.addf %add3A_496, %mul3A_503 : vector<16xf32>
        %get3A_505 = arith.index_cast %add3A_481 : i32 to index
        %get3A_506 = arith.constant 48 : index
        %get3A_507 = tpu.vector_load %arg9[%get3A_505, %get3A_506] {strides = array<i32>} : memref<80x128xf32, #tpu.memory_space<vmem>>, vector<16xf32>,
        %get3A_508 = arith.index_cast %add3A_481 : i32 to index
        %get3A_509 = arith.constant 48 : index
        %get3A_510 = tpu.vector_load %arg10[%get3A_508, %get3A_509] {strides = array<i32>} : memref<80x128xf32, #tpu.memory_space<vmem>>, vector<16xf32>,
        %mul3A_511 = arith.mulf %get3A_507, %get3A_510 : vector<16xf32>
        %add3A_512 = arith.addf %add3A_504, %mul3A_511 : vector<16xf32>
        %get3A_513 = arith.index_cast %add3A_481 : i32 to index
        %get3A_514 = arith.constant 64 : index
        %get3A_515 = tpu.vector_load %arg9[%get3A_513, %get3A_514] {strides = array<i32>} : memref<80x128xf32, #tpu.memory_space<vmem>>, vector<16xf32>,
        %get3A_516 = arith.index_cast %add3A_481 : i32 to index
        %get3A_517 = arith.constant 64 : index
        %get3A_518 = tpu.vector_load %arg10[%get3A_516, %get3A_517] {strides = array<i32>} : memref<80x128xf32, #tpu.memory_space<vmem>>, vector<16xf32>,
        %mul3A_519 = arith.mulf %get3A_515, %get3A_518 : vector<16xf32>
        %add3A_520 = arith.addf %add3A_512, %mul3A_519 : vector<16xf32>
        %get3A_521 = arith.index_cast %add3A_481 : i32 to index
        %get3A_522 = arith.constant 80 : index
        %get3A_523 = tpu.vector_load %arg9[%get3A_521, %get3A_522] {strides = array<i32>} : memref<80x128xf32, #tpu.memory_space<vmem>>, vector<16xf32>,
        %get3A_524 = arith.index_cast %add3A_481 : i32 to index
        %get3A_525 = arith.constant 80 : index
        %get3A_526 = tpu.vector_load %arg10[%get3A_524, %get3A_525] {strides = array<i32>} : memref<80x128xf32, #tpu.memory_space<vmem>>, vector<16xf32>,
        %mul3A_527 = arith.mulf %get3A_523, %get3A_526 : vector<16xf32>
        %add3A_528 = arith.addf %add3A_520, %mul3A_527 : vector<16xf32>
        %get3A_529 = arith.index_cast %add3A_481 : i32 to index
        %get3A_530 = arith.constant 96 : index
        %get3A_531 = tpu.vector_load %arg9[%get3A_529, %get3A_530] {strides = array<i32>} : memref<80x128xf32, #tpu.memory_space<vmem>>, vector<16xf32>,
        %get3A_532 = arith.index_cast %add3A_481 : i32 to index
        %get3A_533 = arith.constant 96 : index
        %get3A_534 = tpu.vector_load %arg10[%get3A_532, %get3A_533] {strides = array<i32>} : memref<80x128xf32, #tpu.memory_space<vmem>>, vector<16xf32>,
        %mul3A_535 = arith.mulf %get3A_531, %get3A_534 : vector<16xf32>
        %add3A_536 = arith.addf %add3A_528, %mul3A_535 : vector<16xf32>
        %get3A_537 = arith.index_cast %add3A_481 : i32 to index
        %get3A_538 = arith.constant 112 : index
        %get3A_539 = tpu.vector_load %arg9[%get3A_537, %get3A_538] {strides = array<i32>} : memref<80x128xf32, #tpu.memory_space<vmem>>, vector<16xf32>,
        %get3A_540 = arith.index_cast %add3A_481 : i32 to index
        %get3A_541 = arith.constant 112 : index
        %get3A_542 = tpu.vector_load %arg10[%get3A_540, %get3A_541] {strides = array<i32>} : memref<80x128xf32, #tpu.memory_space<vmem>>, vector<16xf32>,
        %mul3A_543 = arith.mulf %get3A_539, %get3A_542 : vector<16xf32>
        %add3A_544 = arith.addf %add3A_536, %mul3A_543 : vector<16xf32>
        %swap3A_545 = arith.constant 96 : index
        %swap3A_546 = tpu.vector_load %arg13[%swap3A_545] {strides = array<i32>} : memref<256xf32, #tpu.memory_space<vmem>>, vector<16xf32>,
        tpu.vector_store %arg13[%swap3A_545], %add3A_544 {strides = array<i32>} : memref<256xf32, #tpu.memory_space<vmem>>, vector<16xf32>,
        %mul3A_547 = arith.constant 16 : i32
        %mul3A_548 = arith.muli %add3A_65, %mul3A_547 : i32
        %add3A_549 = arith.constant 7 : i32
        %add3A_550 = arith.addi %mul3A_548, %add3A_549 : i32
        %get3A_551 = arith.index_cast %add3A_550 : i32 to index
        %get3A_552 = arith.constant 0 : index
        %get3A_553 = tpu.vector_load %arg9[%get3A_551, %get3A_552] {strides = array<i32>} : memref<80x128xf32, #tpu.memory_space<vmem>>, vector<16xf32>,
        %get3A_554 = arith.index_cast %add3A_550 : i32 to index
        %get3A_555 = arith.constant 0 : index
        %get3A_556 = tpu.vector_load %arg10[%get3A_554, %get3A_555] {strides = array<i32>} : memref<80x128xf32, #tpu.memory_space<vmem>>, vector<16xf32>,
        %mul3A_557 = arith.mulf %get3A_553, %get3A_556 : vector<16xf32>
        %get3A_558 = arith.index_cast %add3A_550 : i32 to index
        %get3A_559 = arith.constant 16 : index
        %get3A_560 = tpu.vector_load %arg9[%get3A_558, %get3A_559] {strides = array<i32>} : memref<80x128xf32, #tpu.memory_space<vmem>>, vector<16xf32>,
        %get3A_561 = arith.index_cast %add3A_550 : i32 to index
        %get3A_562 = arith.constant 16 : index
        %get3A_563 = tpu.vector_load %arg10[%get3A_561, %get3A_562] {strides = array<i32>} : memref<80x128xf32, #tpu.memory_space<vmem>>, vector<16xf32>,
        %mul3A_564 = arith.mulf %get3A_560, %get3A_563 : vector<16xf32>
        %add3A_565 = arith.addf %mul3A_557, %mul3A_564 : vector<16xf32>
        %get3A_566 = arith.index_cast %add3A_550 : i32 to index
        %get3A_567 = arith.constant 32 : index
        %get3A_568 = tpu.vector_load %arg9[%get3A_566, %get3A_567] {strides = array<i32>} : memref<80x128xf32, #tpu.memory_space<vmem>>, vector<16xf32>,
        %get3A_569 = arith.index_cast %add3A_550 : i32 to index
        %get3A_570 = arith.constant 32 : index
        %get3A_571 = tpu.vector_load %arg10[%get3A_569, %get3A_570] {strides = array<i32>} : memref<80x128xf32, #tpu.memory_space<vmem>>, vector<16xf32>,
        %mul3A_572 = arith.mulf %get3A_568, %get3A_571 : vector<16xf32>
        %add3A_573 = arith.addf %add3A_565, %mul3A_572 : vector<16xf32>
        %get3A_574 = arith.index_cast %add3A_550 : i32 to index
        %get3A_575 = arith.constant 48 : index
        %get3A_576 = tpu.vector_load %arg9[%get3A_574, %get3A_575] {strides = array<i32>} : memref<80x128xf32, #tpu.memory_space<vmem>>, vector<16xf32>,
        %get3A_577 = arith.index_cast %add3A_550 : i32 to index
        %get3A_578 = arith.constant 48 : index
        %get3A_579 = tpu.vector_load %arg10[%get3A_577, %get3A_578] {strides = array<i32>} : memref<80x128xf32, #tpu.memory_space<vmem>>, vector<16xf32>,
        %mul3A_580 = arith.mulf %get3A_576, %get3A_579 : vector<16xf32>
        %add3A_581 = arith.addf %add3A_573, %mul3A_580 : vector<16xf32>
        %get3A_582 = arith.index_cast %add3A_550 : i32 to index
        %get3A_583 = arith.constant 64 : index
        %get3A_584 = tpu.vector_load %arg9[%get3A_582, %get3A_583] {strides = array<i32>} : memref<80x128xf32, #tpu.memory_space<vmem>>, vector<16xf32>,
        %get3A_585 = arith.index_cast %add3A_550 : i32 to index
        %get3A_586 = arith.constant 64 : index
        %get3A_587 = tpu.vector_load %arg10[%get3A_585, %get3A_586] {strides = array<i32>} : memref<80x128xf32, #tpu.memory_space<vmem>>, vector<16xf32>,
        %mul3A_588 = arith.mulf %get3A_584, %get3A_587 : vector<16xf32>
        %add3A_589 = arith.addf %add3A_581, %mul3A_588 : vector<16xf32>
        %get3A_590 = arith.index_cast %add3A_550 : i32 to index
        %get3A_591 = arith.constant 80 : index
        %get3A_592 = tpu.vector_load %arg9[%get3A_590, %get3A_591] {strides = array<i32>} : memref<80x128xf32, #tpu.memory_space<vmem>>, vector<16xf32>,
        %get3A_593 = arith.index_cast %add3A_550 : i32 to index
        %get3A_594 = arith.constant 80 : index
        %get3A_595 = tpu.vector_load %arg10[%get3A_593, %get3A_594] {strides = array<i32>} : memref<80x128xf32, #tpu.memory_space<vmem>>, vector<16xf32>,
        %mul3A_596 = arith.mulf %get3A_592, %get3A_595 : vector<16xf32>
        %add3A_597 = arith.addf %add3A_589, %mul3A_596 : vector<16xf32>
        %get3A_598 = arith.index_cast %add3A_550 : i32 to index
        %get3A_599 = arith.constant 96 : index
        %get3A_600 = tpu.vector_load %arg9[%get3A_598, %get3A_599] {strides = array<i32>} : memref<80x128xf32, #tpu.memory_space<vmem>>, vector<16xf32>,
        %get3A_601 = arith.index_cast %add3A_550 : i32 to index
        %get3A_602 = arith.constant 96 : index
        %get3A_603 = tpu.vector_load %arg10[%get3A_601, %get3A_602] {strides = array<i32>} : memref<80x128xf32, #tpu.memory_space<vmem>>, vector<16xf32>,
        %mul3A_604 = arith.mulf %get3A_600, %get3A_603 : vector<16xf32>
        %add3A_605 = arith.addf %add3A_597, %mul3A_604 : vector<16xf32>
        %get3A_606 = arith.index_cast %add3A_550 : i32 to index
        %get3A_607 = arith.constant 112 : index
        %get3A_608 = tpu.vector_load %arg9[%get3A_606, %get3A_607] {strides = array<i32>} : memref<80x128xf32, #tpu.memory_space<vmem>>, vector<16xf32>,
        %get3A_609 = arith.index_cast %add3A_550 : i32 to index
        %get3A_610 = arith.constant 112 : index
        %get3A_611 = tpu.vector_load %arg10[%get3A_609, %get3A_610] {strides = array<i32>} : memref<80x128xf32, #tpu.memory_space<vmem>>, vector<16xf32>,
        %mul3A_612 = arith.mulf %get3A_608, %get3A_611 : vector<16xf32>
        %add3A_613 = arith.addf %add3A_605, %mul3A_612 : vector<16xf32>
        %swap3A_614 = arith.constant 112 : index
        %swap3A_615 = tpu.vector_load %arg13[%swap3A_614] {strides = array<i32>} : memref<256xf32, #tpu.memory_space<vmem>>, vector<16xf32>,
        tpu.vector_store %arg13[%swap3A_614], %add3A_613 {strides = array<i32>} : memref<256xf32, #tpu.memory_space<vmem>>, vector<16xf32>,
        %mul3A_616 = arith.constant 16 : i32
        %mul3A_617 = arith.muli %add3A_65, %mul3A_616 : i32
        %add3A_618 = arith.constant 8 : i32
        %add3A_619 = arith.addi %mul3A_617, %add3A_618 : i32
        %get3A_620 = arith.index_cast %add3A_619 : i32 to index
        %get3A_621 = arith.constant 0 : index
        %get3A_622 = tpu.vector_load %arg9[%get3A_620, %get3A_621] {strides = array<i32>} : memref<80x128xf32, #tpu.memory_space<vmem>>, vector<16xf32>,
        %get3A_623 = arith.index_cast %add3A_619 : i32 to index
        %get3A_624 = arith.constant 0 : index
        %get3A_625 = tpu.vector_load %arg10[%get3A_623, %get3A_624] {strides = array<i32>} : memref<80x128xf32, #tpu.memory_space<vmem>>, vector<16xf32>,
        %mul3A_626 = arith.mulf %get3A_622, %get3A_625 : vector<16xf32>
        %get3A_627 = arith.index_cast %add3A_619 : i32 to index
        %get3A_628 = arith.constant 16 : index
        %get3A_629 = tpu.vector_load %arg9[%get3A_627, %get3A_628] {strides = array<i32>} : memref<80x128xf32, #tpu.memory_space<vmem>>, vector<16xf32>,
        %get3A_630 = arith.index_cast %add3A_619 : i32 to index
        %get3A_631 = arith.constant 16 : index
        %get3A_632 = tpu.vector_load %arg10[%get3A_630, %get3A_631] {strides = array<i32>} : memref<80x128xf32, #tpu.memory_space<vmem>>, vector<16xf32>,
        %mul3A_633 = arith.mulf %get3A_629, %get3A_632 : vector<16xf32>
        %add3A_634 = arith.addf %mul3A_626, %mul3A_633 : vector<16xf32>
        %get3A_635 = arith.index_cast %add3A_619 : i32 to index
        %get3A_636 = arith.constant 32 : index
        %get3A_637 = tpu.vector_load %arg9[%get3A_635, %get3A_636] {strides = array<i32>} : memref<80x128xf32, #tpu.memory_space<vmem>>, vector<16xf32>,
        %get3A_638 = arith.index_cast %add3A_619 : i32 to index
        %get3A_639 = arith.constant 32 : index
        %get3A_640 = tpu.vector_load %arg10[%get3A_638, %get3A_639] {strides = array<i32>} : memref<80x128xf32, #tpu.memory_space<vmem>>, vector<16xf32>,
        %mul3A_641 = arith.mulf %get3A_637, %get3A_640 : vector<16xf32>
        %add3A_642 = arith.addf %add3A_634, %mul3A_641 : vector<16xf32>
        %get3A_643 = arith.index_cast %add3A_619 : i32 to index
        %get3A_644 = arith.constant 48 : index
        %get3A_645 = tpu.vector_load %arg9[%get3A_643, %get3A_644] {strides = array<i32>} : memref<80x128xf32, #tpu.memory_space<vmem>>, vector<16xf32>,
        %get3A_646 = arith.index_cast %add3A_619 : i32 to index
        %get3A_647 = arith.constant 48 : index
        %get3A_648 = tpu.vector_load %arg10[%get3A_646, %get3A_647] {strides = array<i32>} : memref<80x128xf32, #tpu.memory_space<vmem>>, vector<16xf32>,
        %mul3A_649 = arith.mulf %get3A_645, %get3A_648 : vector<16xf32>
        %add3A_650 = arith.addf %add3A_642, %mul3A_649 : vector<16xf32>
        %get3A_651 = arith.index_cast %add3A_619 : i32 to index
        %get3A_652 = arith.constant 64 : index
        %get3A_653 = tpu.vector_load %arg9[%get3A_651, %get3A_652] {strides = array<i32>} : memref<80x128xf32, #tpu.memory_space<vmem>>, vector<16xf32>,
        %get3A_654 = arith.index_cast %add3A_619 : i32 to index
        %get3A_655 = arith.constant 64 : index
        %get3A_656 = tpu.vector_load %arg10[%get3A_654, %get3A_655] {strides = array<i32>} : memref<80x128xf32, #tpu.memory_space<vmem>>, vector<16xf32>,
        %mul3A_657 = arith.mulf %get3A_653, %get3A_656 : vector<16xf32>
        %add3A_658 = arith.addf %add3A_650, %mul3A_657 : vector<16xf32>
        %get3A_659 = arith.index_cast %add3A_619 : i32 to index
        %get3A_660 = arith.constant 80 : index
        %get3A_661 = tpu.vector_load %arg9[%get3A_659, %get3A_660] {strides = array<i32>} : memref<80x128xf32, #tpu.memory_space<vmem>>, vector<16xf32>,
        %get3A_662 = arith.index_cast %add3A_619 : i32 to index
        %get3A_663 = arith.constant 80 : index
        %get3A_664 = tpu.vector_load %arg10[%get3A_662, %get3A_663] {strides = array<i32>} : memref<80x128xf32, #tpu.memory_space<vmem>>, vector<16xf32>,
        %mul3A_665 = arith.mulf %get3A_661, %get3A_664 : vector<16xf32>
        %add3A_666 = arith.addf %add3A_658, %mul3A_665 : vector<16xf32>
        %get3A_667 = arith.index_cast %add3A_619 : i32 to index
        %get3A_668 = arith.constant 96 : index
        %get3A_669 = tpu.vector_load %arg9[%get3A_667, %get3A_668] {strides = array<i32>} : memref<80x128xf32, #tpu.memory_space<vmem>>, vector<16xf32>,
        %get3A_670 = arith.index_cast %add3A_619 : i32 to index
        %get3A_671 = arith.constant 96 : index
        %get3A_672 = tpu.vector_load %arg10[%get3A_670, %get3A_671] {strides = array<i32>} : memref<80x128xf32, #tpu.memory_space<vmem>>, vector<16xf32>,
        %mul3A_673 = arith.mulf %get3A_669, %get3A_672 : vector<16xf32>
        %add3A_674 = arith.addf %add3A_666, %mul3A_673 : vector<16xf32>
        %get3A_675 = arith.index_cast %add3A_619 : i32 to index
        %get3A_676 = arith.constant 112 : index
        %get3A_677 = tpu.vector_load %arg9[%get3A_675, %get3A_676] {strides = array<i32>} : memref<80x128xf32, #tpu.memory_space<vmem>>, vector<16xf32>,
        %get3A_678 = arith.index_cast %add3A_619 : i32 to index
        %get3A_679 = arith.constant 112 : index
        %get3A_680 = tpu.vector_load %arg10[%get3A_678, %get3A_679] {strides = array<i32>} : memref<80x128xf32, #tpu.memory_space<vmem>>, vector<16xf32>,
        %mul3A_681 = arith.mulf %get3A_677, %get3A_680 : vector<16xf32>
        %add3A_682 = arith.addf %add3A_674, %mul3A_681 : vector<16xf32>
        %swap3A_683 = arith.constant 128 : index
        %swap3A_684 = tpu.vector_load %arg13[%swap3A_683] {strides = array<i32>} : memref<256xf32, #tpu.memory_space<vmem>>, vector<16xf32>,
        tpu.vector_store %arg13[%swap3A_683], %add3A_682 {strides = array<i32>} : memref<256xf32, #tpu.memory_space<vmem>>, vector<16xf32>,
        %mul3A_685 = arith.constant 16 : i32
        %mul3A_686 = arith.muli %add3A_65, %mul3A_685 : i32
        %add3A_687 = arith.constant 9 : i32
        %add3A_688 = arith.addi %mul3A_686, %add3A_687 : i32
        %get3A_689 = arith.index_cast %add3A_688 : i32 to index
        %get3A_690 = arith.constant 0 : index
        %get3A_691 = tpu.vector_load %arg9[%get3A_689, %get3A_690] {strides = array<i32>} : memref<80x128xf32, #tpu.memory_space<vmem>>, vector<16xf32>,
        %get3A_692 = arith.index_cast %add3A_688 : i32 to index
        %get3A_693 = arith.constant 0 : index
        %get3A_694 = tpu.vector_load %arg10[%get3A_692, %get3A_693] {strides = array<i32>} : memref<80x128xf32, #tpu.memory_space<vmem>>, vector<16xf32>,
        %mul3A_695 = arith.mulf %get3A_691, %get3A_694 : vector<16xf32>
        %get3A_696 = arith.index_cast %add3A_688 : i32 to index
        %get3A_697 = arith.constant 16 : index
        %get3A_698 = tpu.vector_load %arg9[%get3A_696, %get3A_697] {strides = array<i32>} : memref<80x128xf32, #tpu.memory_space<vmem>>, vector<16xf32>,
        %get3A_699 = arith.index_cast %add3A_688 : i32 to index
        %get3A_700 = arith.constant 16 : index
        %get3A_701 = tpu.vector_load %arg10[%get3A_699, %get3A_700] {strides = array<i32>} : memref<80x128xf32, #tpu.memory_space<vmem>>, vector<16xf32>,
        %mul3A_702 = arith.mulf %get3A_698, %get3A_701 : vector<16xf32>
        %add3A_703 = arith.addf %mul3A_695, %mul3A_702 : vector<16xf32>
        %get3A_704 = arith.index_cast %add3A_688 : i32 to index
        %get3A_705 = arith.constant 32 : index
        %get3A_706 = tpu.vector_load %arg9[%get3A_704, %get3A_705] {strides = array<i32>} : memref<80x128xf32, #tpu.memory_space<vmem>>, vector<16xf32>,
        %get3A_707 = arith.index_cast %add3A_688 : i32 to index
        %get3A_708 = arith.constant 32 : index
        %get3A_709 = tpu.vector_load %arg10[%get3A_707, %get3A_708] {strides = array<i32>} : memref<80x128xf32, #tpu.memory_space<vmem>>, vector<16xf32>,
        %mul3A_710 = arith.mulf %get3A_706, %get3A_709 : vector<16xf32>
        %add3A_711 = arith.addf %add3A_703, %mul3A_710 : vector<16xf32>
        %get3A_712 = arith.index_cast %add3A_688 : i32 to index
        %get3A_713 = arith.constant 48 : index
        %get3A_714 = tpu.vector_load %arg9[%get3A_712, %get3A_713] {strides = array<i32>} : memref<80x128xf32, #tpu.memory_space<vmem>>, vector<16xf32>,
        %get3A_715 = arith.index_cast %add3A_688 : i32 to index
        %get3A_716 = arith.constant 48 : index
        %get3A_717 = tpu.vector_load %arg10[%get3A_715, %get3A_716] {strides = array<i32>} : memref<80x128xf32, #tpu.memory_space<vmem>>, vector<16xf32>,
        %mul3A_718 = arith.mulf %get3A_714, %get3A_717 : vector<16xf32>
        %add3A_719 = arith.addf %add3A_711, %mul3A_718 : vector<16xf32>
        %get3A_720 = arith.index_cast %add3A_688 : i32 to index
        %get3A_721 = arith.constant 64 : index
        %get3A_722 = tpu.vector_load %arg9[%get3A_720, %get3A_721] {strides = array<i32>} : memref<80x128xf32, #tpu.memory_space<vmem>>, vector<16xf32>,
        %get3A_723 = arith.index_cast %add3A_688 : i32 to index
        %get3A_724 = arith.constant 64 : index
        %get3A_725 = tpu.vector_load %arg10[%get3A_723, %get3A_724] {strides = array<i32>} : memref<80x128xf32, #tpu.memory_space<vmem>>, vector<16xf32>,
        %mul3A_726 = arith.mulf %get3A_722, %get3A_725 : vector<16xf32>
        %add3A_727 = arith.addf %add3A_719, %mul3A_726 : vector<16xf32>
        %get3A_728 = arith.index_cast %add3A_688 : i32 to index
        %get3A_729 = arith.constant 80 : index
        %get3A_730 = tpu.vector_load %arg9[%get3A_728, %get3A_729] {strides = array<i32>} : memref<80x128xf32, #tpu.memory_space<vmem>>, vector<16xf32>,
        %get3A_731 = arith.index_cast %add3A_688 : i32 to index
        %get3A_732 = arith.constant 80 : index
        %get3A_733 = tpu.vector_load %arg10[%get3A_731, %get3A_732] {strides = array<i32>} : memref<80x128xf32, #tpu.memory_space<vmem>>, vector<16xf32>,
        %mul3A_734 = arith.mulf %get3A_730, %get3A_733 : vector<16xf32>
        %add3A_735 = arith.addf %add3A_727, %mul3A_734 : vector<16xf32>
        %get3A_736 = arith.index_cast %add3A_688 : i32 to index
        %get3A_737 = arith.constant 96 : index
        %get3A_738 = tpu.vector_load %arg9[%get3A_736, %get3A_737] {strides = array<i32>} : memref<80x128xf32, #tpu.memory_space<vmem>>, vector<16xf32>,
        %get3A_739 = arith.index_cast %add3A_688 : i32 to index
        %get3A_740 = arith.constant 96 : index
        %get3A_741 = tpu.vector_load %arg10[%get3A_739, %get3A_740] {strides = array<i32>} : memref<80x128xf32, #tpu.memory_space<vmem>>, vector<16xf32>,
        %mul3A_742 = arith.mulf %get3A_738, %get3A_741 : vector<16xf32>
        %add3A_743 = arith.addf %add3A_735, %mul3A_742 : vector<16xf32>
        %get3A_744 = arith.index_cast %add3A_688 : i32 to index
        %get3A_745 = arith.constant 112 : index
        %get3A_746 = tpu.vector_load %arg9[%get3A_744, %get3A_745] {strides = array<i32>} : memref<80x128xf32, #tpu.memory_space<vmem>>, vector<16xf32>,
        %get3A_747 = arith.index_cast %add3A_688 : i32 to index
        %get3A_748 = arith.constant 112 : index
        %get3A_749 = tpu.vector_load %arg10[%get3A_747, %get3A_748] {strides = array<i32>} : memref<80x128xf32, #tpu.memory_space<vmem>>, vector<16xf32>,
        %mul3A_750 = arith.mulf %get3A_746, %get3A_749 : vector<16xf32>
        %add3A_751 = arith.addf %add3A_743, %mul3A_750 : vector<16xf32>
        %swap3A_752 = arith.constant 144 : index
        %swap3A_753 = tpu.vector_load %arg13[%swap3A_752] {strides = array<i32>} : memref<256xf32, #tpu.memory_space<vmem>>, vector<16xf32>,
        tpu.vector_store %arg13[%swap3A_752], %add3A_751 {strides = array<i32>} : memref<256xf32, #tpu.memory_space<vmem>>, vector<16xf32>,
        %mul3A_754 = arith.constant 16 : i32
        %mul3A_755 = arith.muli %add3A_65, %mul3A_754 : i32
        %add3A_756 = arith.constant 10 : i32
        %add3A_757 = arith.addi %mul3A_755, %add3A_756 : i32
        %get3A_758 = arith.index_cast %add3A_757 : i32 to index
        %get3A_759 = arith.constant 0 : index
        %get3A_760 = tpu.vector_load %arg9[%get3A_758, %get3A_759] {strides = array<i32>} : memref<80x128xf32, #tpu.memory_space<vmem>>, vector<16xf32>,
        %get3A_761 = arith.index_cast %add3A_757 : i32 to index
        %get3A_762 = arith.constant 0 : index
        %get3A_763 = tpu.vector_load %arg10[%get3A_761, %get3A_762] {strides = array<i32>} : memref<80x128xf32, #tpu.memory_space<vmem>>, vector<16xf32>,
        %mul3A_764 = arith.mulf %get3A_760, %get3A_763 : vector<16xf32>
        %get3A_765 = arith.index_cast %add3A_757 : i32 to index
        %get3A_766 = arith.constant 16 : index
        %get3A_767 = tpu.vector_load %arg9[%get3A_765, %get3A_766] {strides = array<i32>} : memref<80x128xf32, #tpu.memory_space<vmem>>, vector<16xf32>,
        %get3A_768 = arith.index_cast %add3A_757 : i32 to index
        %get3A_769 = arith.constant 16 : index
        %get3A_770 = tpu.vector_load %arg10[%get3A_768, %get3A_769] {strides = array<i32>} : memref<80x128xf32, #tpu.memory_space<vmem>>, vector<16xf32>,
        %mul3A_771 = arith.mulf %get3A_767, %get3A_770 : vector<16xf32>
        %add3A_772 = arith.addf %mul3A_764, %mul3A_771 : vector<16xf32>
        %get3A_773 = arith.index_cast %add3A_757 : i32 to index
        %get3A_774 = arith.constant 32 : index
        %get3A_775 = tpu.vector_load %arg9[%get3A_773, %get3A_774] {strides = array<i32>} : memref<80x128xf32, #tpu.memory_space<vmem>>, vector<16xf32>,
        %get3A_776 = arith.index_cast %add3A_757 : i32 to index
        %get3A_777 = arith.constant 32 : index
        %get3A_778 = tpu.vector_load %arg10[%get3A_776, %get3A_777] {strides = array<i32>} : memref<80x128xf32, #tpu.memory_space<vmem>>, vector<16xf32>,
        %mul3A_779 = arith.mulf %get3A_775, %get3A_778 : vector<16xf32>
        %add3A_780 = arith.addf %add3A_772, %mul3A_779 : vector<16xf32>
        %get3A_781 = arith.index_cast %add3A_757 : i32 to index
        %get3A_782 = arith.constant 48 : index
        %get3A_783 = tpu.vector_load %arg9[%get3A_781, %get3A_782] {strides = array<i32>} : memref<80x128xf32, #tpu.memory_space<vmem>>, vector<16xf32>,
        %get3A_784 = arith.index_cast %add3A_757 : i32 to index
        %get3A_785 = arith.constant 48 : index
        %get3A_786 = tpu.vector_load %arg10[%get3A_784, %get3A_785] {strides = array<i32>} : memref<80x128xf32, #tpu.memory_space<vmem>>, vector<16xf32>,
        %mul3A_787 = arith.mulf %get3A_783, %get3A_786 : vector<16xf32>
        %add3A_788 = arith.addf %add3A_780, %mul3A_787 : vector<16xf32>
        %get3A_789 = arith.index_cast %add3A_757 : i32 to index
        %get3A_790 = arith.constant 64 : index
        %get3A_791 = tpu.vector_load %arg9[%get3A_789, %get3A_790] {strides = array<i32>} : memref<80x128xf32, #tpu.memory_space<vmem>>, vector<16xf32>,
        %get3A_792 = arith.index_cast %add3A_757 : i32 to index
        %get3A_793 = arith.constant 64 : index
        %get3A_794 = tpu.vector_load %arg10[%get3A_792, %get3A_793] {strides = array<i32>} : memref<80x128xf32, #tpu.memory_space<vmem>>, vector<16xf32>,
        %mul3A_795 = arith.mulf %get3A_791, %get3A_794 : vector<16xf32>
        %add3A_796 = arith.addf %add3A_788, %mul3A_795 : vector<16xf32>
        %get3A_797 = arith.index_cast %add3A_757 : i32 to index
        %get3A_798 = arith.constant 80 : index
        %get3A_799 = tpu.vector_load %arg9[%get3A_797, %get3A_798] {strides = array<i32>} : memref<80x128xf32, #tpu.memory_space<vmem>>, vector<16xf32>,
        %get3A_800 = arith.index_cast %add3A_757 : i32 to index
        %get3A_801 = arith.constant 80 : index
        %get3A_802 = tpu.vector_load %arg10[%get3A_800, %get3A_801] {strides = array<i32>} : memref<80x128xf32, #tpu.memory_space<vmem>>, vector<16xf32>,
        %mul3A_803 = arith.mulf %get3A_799, %get3A_802 : vector<16xf32>
        %add3A_804 = arith.addf %add3A_796, %mul3A_803 : vector<16xf32>
        %get3A_805 = arith.index_cast %add3A_757 : i32 to index
        %get3A_806 = arith.constant 96 : index
        %get3A_807 = tpu.vector_load %arg9[%get3A_805, %get3A_806] {strides = array<i32>} : memref<80x128xf32, #tpu.memory_space<vmem>>, vector<16xf32>,
        %get3A_808 = arith.index_cast %add3A_757 : i32 to index
        %get3A_809 = arith.constant 96 : index
        %get3A_810 = tpu.vector_load %arg10[%get3A_808, %get3A_809] {strides = array<i32>} : memref<80x128xf32, #tpu.memory_space<vmem>>, vector<16xf32>,
        %mul3A_811 = arith.mulf %get3A_807, %get3A_810 : vector<16xf32>
        %add3A_812 = arith.addf %add3A_804, %mul3A_811 : vector<16xf32>
        %get3A_813 = arith.index_cast %add3A_757 : i32 to index
        %get3A_814 = arith.constant 112 : index
        %get3A_815 = tpu.vector_load %arg9[%get3A_813, %get3A_814] {strides = array<i32>} : memref<80x128xf32, #tpu.memory_space<vmem>>, vector<16xf32>,
        %get3A_816 = arith.index_cast %add3A_757 : i32 to index
        %get3A_817 = arith.constant 112 : index
        %get3A_818 = tpu.vector_load %arg10[%get3A_816, %get3A_817] {strides = array<i32>} : memref<80x128xf32, #tpu.memory_space<vmem>>, vector<16xf32>,
        %mul3A_819 = arith.mulf %get3A_815, %get3A_818 : vector<16xf32>
        %add3A_820 = arith.addf %add3A_812, %mul3A_819 : vector<16xf32>
        %swap3A_821 = arith.constant 160 : index
        %swap3A_822 = tpu.vector_load %arg13[%swap3A_821] {strides = array<i32>} : memref<256xf32, #tpu.memory_space<vmem>>, vector<16xf32>,
        tpu.vector_store %arg13[%swap3A_821], %add3A_820 {strides = array<i32>} : memref<256xf32, #tpu.memory_space<vmem>>, vector<16xf32>,
        %mul3A_823 = arith.constant 16 : i32
        %mul3A_824 = arith.muli %add3A_65, %mul3A_823 : i32
        %add3A_825 = arith.constant 11 : i32
        %add3A_826 = arith.addi %mul3A_824, %add3A_825 : i32
        %get3A_827 = arith.index_cast %add3A_826 : i32 to index
        %get3A_828 = arith.constant 0 : index
        %get3A_829 = tpu.vector_load %arg9[%get3A_827, %get3A_828] {strides = array<i32>} : memref<80x128xf32, #tpu.memory_space<vmem>>, vector<16xf32>,
        %get3A_830 = arith.index_cast %add3A_826 : i32 to index
        %get3A_831 = arith.constant 0 : index
        %get3A_832 = tpu.vector_load %arg10[%get3A_830, %get3A_831] {strides = array<i32>} : memref<80x128xf32, #tpu.memory_space<vmem>>, vector<16xf32>,
        %mul3A_833 = arith.mulf %get3A_829, %get3A_832 : vector<16xf32>
        %get3A_834 = arith.index_cast %add3A_826 : i32 to index
        %get3A_835 = arith.constant 16 : index
        %get3A_836 = tpu.vector_load %arg9[%get3A_834, %get3A_835] {strides = array<i32>} : memref<80x128xf32, #tpu.memory_space<vmem>>, vector<16xf32>,
        %get3A_837 = arith.index_cast %add3A_826 : i32 to index
        %get3A_838 = arith.constant 16 : index
        %get3A_839 = tpu.vector_load %arg10[%get3A_837, %get3A_838] {strides = array<i32>} : memref<80x128xf32, #tpu.memory_space<vmem>>, vector<16xf32>,
        %mul3A_840 = arith.mulf %get3A_836, %get3A_839 : vector<16xf32>
        %add3A_841 = arith.addf %mul3A_833, %mul3A_840 : vector<16xf32>
        %get3A_842 = arith.index_cast %add3A_826 : i32 to index
        %get3A_843 = arith.constant 32 : index
        %get3A_844 = tpu.vector_load %arg9[%get3A_842, %get3A_843] {strides = array<i32>} : memref<80x128xf32, #tpu.memory_space<vmem>>, vector<16xf32>,
        %get3A_845 = arith.index_cast %add3A_826 : i32 to index
        %get3A_846 = arith.constant 32 : index
        %get3A_847 = tpu.vector_load %arg10[%get3A_845, %get3A_846] {strides = array<i32>} : memref<80x128xf32, #tpu.memory_space<vmem>>, vector<16xf32>,
        %mul3A_848 = arith.mulf %get3A_844, %get3A_847 : vector<16xf32>
        %add3A_849 = arith.addf %add3A_841, %mul3A_848 : vector<16xf32>
        %get3A_850 = arith.index_cast %add3A_826 : i32 to index
        %get3A_851 = arith.constant 48 : index
        %get3A_852 = tpu.vector_load %arg9[%get3A_850, %get3A_851] {strides = array<i32>} : memref<80x128xf32, #tpu.memory_space<vmem>>, vector<16xf32>,
        %get3A_853 = arith.index_cast %add3A_826 : i32 to index
        %get3A_854 = arith.constant 48 : index
        %get3A_855 = tpu.vector_load %arg10[%get3A_853, %get3A_854] {strides = array<i32>} : memref<80x128xf32, #tpu.memory_space<vmem>>, vector<16xf32>,
        %mul3A_856 = arith.mulf %get3A_852, %get3A_855 : vector<16xf32>
        %add3A_857 = arith.addf %add3A_849, %mul3A_856 : vector<16xf32>
        %get3A_858 = arith.index_cast %add3A_826 : i32 to index
        %get3A_859 = arith.constant 64 : index
        %get3A_860 = tpu.vector_load %arg9[%get3A_858, %get3A_859] {strides = array<i32>} : memref<80x128xf32, #tpu.memory_space<vmem>>, vector<16xf32>,
        %get3A_861 = arith.index_cast %add3A_826 : i32 to index
        %get3A_862 = arith.constant 64 : index
        %get3A_863 = tpu.vector_load %arg10[%get3A_861, %get3A_862] {strides = array<i32>} : memref<80x128xf32, #tpu.memory_space<vmem>>, vector<16xf32>,
        %mul3A_864 = arith.mulf %get3A_860, %get3A_863 : vector<16xf32>
        %add3A_865 = arith.addf %add3A_857, %mul3A_864 : vector<16xf32>
        %get3A_866 = arith.index_cast %add3A_826 : i32 to index
        %get3A_867 = arith.constant 80 : index
        %get3A_868 = tpu.vector_load %arg9[%get3A_866, %get3A_867] {strides = array<i32>} : memref<80x128xf32, #tpu.memory_space<vmem>>, vector<16xf32>,
        %get3A_869 = arith.index_cast %add3A_826 : i32 to index
        %get3A_870 = arith.constant 80 : index
        %get3A_871 = tpu.vector_load %arg10[%get3A_869, %get3A_870] {strides = array<i32>} : memref<80x128xf32, #tpu.memory_space<vmem>>, vector<16xf32>,
        %mul3A_872 = arith.mulf %get3A_868, %get3A_871 : vector<16xf32>
        %add3A_873 = arith.addf %add3A_865, %mul3A_872 : vector<16xf32>
        %get3A_874 = arith.index_cast %add3A_826 : i32 to index
        %get3A_875 = arith.constant 96 : index
        %get3A_876 = tpu.vector_load %arg9[%get3A_874, %get3A_875] {strides = array<i32>} : memref<80x128xf32, #tpu.memory_space<vmem>>, vector<16xf32>,
        %get3A_877 = arith.index_cast %add3A_826 : i32 to index
        %get3A_878 = arith.constant 96 : index
        %get3A_879 = tpu.vector_load %arg10[%get3A_877, %get3A_878] {strides = array<i32>} : memref<80x128xf32, #tpu.memory_space<vmem>>, vector<16xf32>,
        %mul3A_880 = arith.mulf %get3A_876, %get3A_879 : vector<16xf32>
        %add3A_881 = arith.addf %add3A_873, %mul3A_880 : vector<16xf32>
        %get3A_882 = arith.index_cast %add3A_826 : i32 to index
        %get3A_883 = arith.constant 112 : index
        %get3A_884 = tpu.vector_load %arg9[%get3A_882, %get3A_883] {strides = array<i32>} : memref<80x128xf32, #tpu.memory_space<vmem>>, vector<16xf32>,
        %get3A_885 = arith.index_cast %add3A_826 : i32 to index
        %get3A_886 = arith.constant 112 : index
        %get3A_887 = tpu.vector_load %arg10[%get3A_885, %get3A_886] {strides = array<i32>} : memref<80x128xf32, #tpu.memory_space<vmem>>, vector<16xf32>,
        %mul3A_888 = arith.mulf %get3A_884, %get3A_887 : vector<16xf32>
        %add3A_889 = arith.addf %add3A_881, %mul3A_888 : vector<16xf32>
        %swap3A_890 = arith.constant 176 : index
        %swap3A_891 = tpu.vector_load %arg13[%swap3A_890] {strides = array<i32>} : memref<256xf32, #tpu.memory_space<vmem>>, vector<16xf32>,
        tpu.vector_store %arg13[%swap3A_890], %add3A_889 {strides = array<i32>} : memref<256xf32, #tpu.memory_space<vmem>>, vector<16xf32>,
        %mul3A_892 = arith.constant 16 : i32
        %mul3A_893 = arith.muli %add3A_65, %mul3A_892 : i32
        %add3A_894 = arith.constant 12 : i32
        %add3A_895 = arith.addi %mul3A_893, %add3A_894 : i32
        %get3A_896 = arith.index_cast %add3A_895 : i32 to index
        %get3A_897 = arith.constant 0 : index
        %get3A_898 = tpu.vector_load %arg9[%get3A_896, %get3A_897] {strides = array<i32>} : memref<80x128xf32, #tpu.memory_space<vmem>>, vector<16xf32>,
        %get3A_899 = arith.index_cast %add3A_895 : i32 to index
        %get3A_900 = arith.constant 0 : index
        %get3A_901 = tpu.vector_load %arg10[%get3A_899, %get3A_900] {strides = array<i32>} : memref<80x128xf32, #tpu.memory_space<vmem>>, vector<16xf32>,
        %mul3A_902 = arith.mulf %get3A_898, %get3A_901 : vector<16xf32>
        %get3A_903 = arith.index_cast %add3A_895 : i32 to index
        %get3A_904 = arith.constant 16 : index
        %get3A_905 = tpu.vector_load %arg9[%get3A_903, %get3A_904] {strides = array<i32>} : memref<80x128xf32, #tpu.memory_space<vmem>>, vector<16xf32>,
        %get3A_906 = arith.index_cast %add3A_895 : i32 to index
        %get3A_907 = arith.constant 16 : index
        %get3A_908 = tpu.vector_load %arg10[%get3A_906, %get3A_907] {strides = array<i32>} : memref<80x128xf32, #tpu.memory_space<vmem>>, vector<16xf32>,
        %mul3A_909 = arith.mulf %get3A_905, %get3A_908 : vector<16xf32>
        %add3A_910 = arith.addf %mul3A_902, %mul3A_909 : vector<16xf32>
        %get3A_911 = arith.index_cast %add3A_895 : i32 to index
        %get3A_912 = arith.constant 32 : index
        %get3A_913 = tpu.vector_load %arg9[%get3A_911, %get3A_912] {strides = array<i32>} : memref<80x128xf32, #tpu.memory_space<vmem>>, vector<16xf32>,
        %get3A_914 = arith.index_cast %add3A_895 : i32 to index
        %get3A_915 = arith.constant 32 : index
        %get3A_916 = tpu.vector_load %arg10[%get3A_914, %get3A_915] {strides = array<i32>} : memref<80x128xf32, #tpu.memory_space<vmem>>, vector<16xf32>,
        %mul3A_917 = arith.mulf %get3A_913, %get3A_916 : vector<16xf32>
        %add3A_918 = arith.addf %add3A_910, %mul3A_917 : vector<16xf32>
        %get3A_919 = arith.index_cast %add3A_895 : i32 to index
        %get3A_920 = arith.constant 48 : index
        %get3A_921 = tpu.vector_load %arg9[%get3A_919, %get3A_920] {strides = array<i32>} : memref<80x128xf32, #tpu.memory_space<vmem>>, vector<16xf32>,
        %get3A_922 = arith.index_cast %add3A_895 : i32 to index
        %get3A_923 = arith.constant 48 : index
        %get3A_924 = tpu.vector_load %arg10[%get3A_922, %get3A_923] {strides = array<i32>} : memref<80x128xf32, #tpu.memory_space<vmem>>, vector<16xf32>,
        %mul3A_925 = arith.mulf %get3A_921, %get3A_924 : vector<16xf32>
        %add3A_926 = arith.addf %add3A_918, %mul3A_925 : vector<16xf32>
        %get3A_927 = arith.index_cast %add3A_895 : i32 to index
        %get3A_928 = arith.constant 64 : index
        %get3A_929 = tpu.vector_load %arg9[%get3A_927, %get3A_928] {strides = array<i32>} : memref<80x128xf32, #tpu.memory_space<vmem>>, vector<16xf32>,
        %get3A_930 = arith.index_cast %add3A_895 : i32 to index
        %get3A_931 = arith.constant 64 : index
        %get3A_932 = tpu.vector_load %arg10[%get3A_930, %get3A_931] {strides = array<i32>} : memref<80x128xf32, #tpu.memory_space<vmem>>, vector<16xf32>,
        %mul3A_933 = arith.mulf %get3A_929, %get3A_932 : vector<16xf32>
        %add3A_934 = arith.addf %add3A_926, %mul3A_933 : vector<16xf32>
        %get3A_935 = arith.index_cast %add3A_895 : i32 to index
        %get3A_936 = arith.constant 80 : index
        %get3A_937 = tpu.vector_load %arg9[%get3A_935, %get3A_936] {strides = array<i32>} : memref<80x128xf32, #tpu.memory_space<vmem>>, vector<16xf32>,
        %get3A_938 = arith.index_cast %add3A_895 : i32 to index
        %get3A_939 = arith.constant 80 : index
        %get3A_940 = tpu.vector_load %arg10[%get3A_938, %get3A_939] {strides = array<i32>} : memref<80x128xf32, #tpu.memory_space<vmem>>, vector<16xf32>,
        %mul3A_941 = arith.mulf %get3A_937, %get3A_940 : vector<16xf32>
        %add3A_942 = arith.addf %add3A_934, %mul3A_941 : vector<16xf32>
        %get3A_943 = arith.index_cast %add3A_895 : i32 to index
        %get3A_944 = arith.constant 96 : index
        %get3A_945 = tpu.vector_load %arg9[%get3A_943, %get3A_944] {strides = array<i32>} : memref<80x128xf32, #tpu.memory_space<vmem>>, vector<16xf32>,
        %get3A_946 = arith.index_cast %add3A_895 : i32 to index
        %get3A_947 = arith.constant 96 : index
        %get3A_948 = tpu.vector_load %arg10[%get3A_946, %get3A_947] {strides = array<i32>} : memref<80x128xf32, #tpu.memory_space<vmem>>, vector<16xf32>,
        %mul3A_949 = arith.mulf %get3A_945, %get3A_948 : vector<16xf32>
        %add3A_950 = arith.addf %add3A_942, %mul3A_949 : vector<16xf32>
        %get3A_951 = arith.index_cast %add3A_895 : i32 to index
        %get3A_952 = arith.constant 112 : index
        %get3A_953 = tpu.vector_load %arg9[%get3A_951, %get3A_952] {strides = array<i32>} : memref<80x128xf32, #tpu.memory_space<vmem>>, vector<16xf32>,
        %get3A_954 = arith.index_cast %add3A_895 : i32 to index
        %get3A_955 = arith.constant 112 : index
        %get3A_956 = tpu.vector_load %arg10[%get3A_954, %get3A_955] {strides = array<i32>} : memref<80x128xf32, #tpu.memory_space<vmem>>, vector<16xf32>,
        %mul3A_957 = arith.mulf %get3A_953, %get3A_956 : vector<16xf32>
        %add3A_958 = arith.addf %add3A_950, %mul3A_957 : vector<16xf32>
        %swap3A_959 = arith.constant 192 : index
        %swap3A_960 = tpu.vector_load %arg13[%swap3A_959] {strides = array<i32>} : memref<256xf32, #tpu.memory_space<vmem>>, vector<16xf32>,
        tpu.vector_store %arg13[%swap3A_959], %add3A_958 {strides = array<i32>} : memref<256xf32, #tpu.memory_space<vmem>>, vector<16xf32>,
        %mul3A_961 = arith.constant 16 : i32
        %mul3A_962 = arith.muli %add3A_65, %mul3A_961 : i32
        %add3A_963 = arith.constant 13 : i32
        %add3A_964 = arith.addi %mul3A_962, %add3A_963 : i32
        %get3A_965 = arith.index_cast %add3A_964 : i32 to index
        %get3A_966 = arith.constant 0 : index
        %get3A_967 = tpu.vector_load %arg9[%get3A_965, %get3A_966] {strides = array<i32>} : memref<80x128xf32, #tpu.memory_space<vmem>>, vector<16xf32>,
        %get3A_968 = arith.index_cast %add3A_964 : i32 to index
        %get3A_969 = arith.constant 0 : index
        %get3A_970 = tpu.vector_load %arg10[%get3A_968, %get3A_969] {strides = array<i32>} : memref<80x128xf32, #tpu.memory_space<vmem>>, vector<16xf32>,
        %mul3A_971 = arith.mulf %get3A_967, %get3A_970 : vector<16xf32>
        %get3A_972 = arith.index_cast %add3A_964 : i32 to index
        %get3A_973 = arith.constant 16 : index
        %get3A_974 = tpu.vector_load %arg9[%get3A_972, %get3A_973] {strides = array<i32>} : memref<80x128xf32, #tpu.memory_space<vmem>>, vector<16xf32>,
        %get3A_975 = arith.index_cast %add3A_964 : i32 to index
        %get3A_976 = arith.constant 16 : index
        %get3A_977 = tpu.vector_load %arg10[%get3A_975, %get3A_976] {strides = array<i32>} : memref<80x128xf32, #tpu.memory_space<vmem>>, vector<16xf32>,
        %mul3A_978 = arith.mulf %get3A_974, %get3A_977 : vector<16xf32>
        %add3A_979 = arith.addf %mul3A_971, %mul3A_978 : vector<16xf32>
        %get3A_980 = arith.index_cast %add3A_964 : i32 to index
        %get3A_981 = arith.constant 32 : index
        %get3A_982 = tpu.vector_load %arg9[%get3A_980, %get3A_981] {strides = array<i32>} : memref<80x128xf32, #tpu.memory_space<vmem>>, vector<16xf32>,
        %get3A_983 = arith.index_cast %add3A_964 : i32 to index
        %get3A_984 = arith.constant 32 : index
        %get3A_985 = tpu.vector_load %arg10[%get3A_983, %get3A_984] {strides = array<i32>} : memref<80x128xf32, #tpu.memory_space<vmem>>, vector<16xf32>,
        %mul3A_986 = arith.mulf %get3A_982, %get3A_985 : vector<16xf32>
        %add3A_987 = arith.addf %add3A_979, %mul3A_986 : vector<16xf32>
        %get3A_988 = arith.index_cast %add3A_964 : i32 to index
        %get3A_989 = arith.constant 48 : index
        %get3A_990 = tpu.vector_load %arg9[%get3A_988, %get3A_989] {strides = array<i32>} : memref<80x128xf32, #tpu.memory_space<vmem>>, vector<16xf32>,
        %get3A_991 = arith.index_cast %add3A_964 : i32 to index
        %get3A_992 = arith.constant 48 : index
        %get3A_993 = tpu.vector_load %arg10[%get3A_991, %get3A_992] {strides = array<i32>} : memref<80x128xf32, #tpu.memory_space<vmem>>, vector<16xf32>,
        %mul3A_994 = arith.mulf %get3A_990, %get3A_993 : vector<16xf32>
        %add3A_995 = arith.addf %add3A_987, %mul3A_994 : vector<16xf32>
        %get3A_996 = arith.index_cast %add3A_964 : i32 to index
        %get3A_997 = arith.constant 64 : index
        %get3A_998 = tpu.vector_load %arg9[%get3A_996, %get3A_997] {strides = array<i32>} : memref<80x128xf32, #tpu.memory_space<vmem>>, vector<16xf32>,
        %get3A_999 = arith.index_cast %add3A_964 : i32 to index
        %get3A_1000 = arith.constant 64 : index
        %get3A_1001 = tpu.vector_load %arg10[%get3A_999, %get3A_1000] {strides = array<i32>} : memref<80x128xf32, #tpu.memory_space<vmem>>, vector<16xf32>,
        %mul3A_1002 = arith.mulf %get3A_998, %get3A_1001 : vector<16xf32>
        %add3A_1003 = arith.addf %add3A_995, %mul3A_1002 : vector<16xf32>
        %get3A_1004 = arith.index_cast %add3A_964 : i32 to index
        %get3A_1005 = arith.constant 80 : index
        %get3A_1006 = tpu.vector_load %arg9[%get3A_1004, %get3A_1005] {strides = array<i32>} : memref<80x128xf32, #tpu.memory_space<vmem>>, vector<16xf32>,
        %get3A_1007 = arith.index_cast %add3A_964 : i32 to index
        %get3A_1008 = arith.constant 80 : index
        %get3A_1009 = tpu.vector_load %arg10[%get3A_1007, %get3A_1008] {strides = array<i32>} : memref<80x128xf32, #tpu.memory_space<vmem>>, vector<16xf32>,
        %mul3A_1010 = arith.mulf %get3A_1006, %get3A_1009 : vector<16xf32>
        %add3A_1011 = arith.addf %add3A_1003, %mul3A_1010 : vector<16xf32>
        %get3A_1012 = arith.index_cast %add3A_964 : i32 to index
        %get3A_1013 = arith.constant 96 : index
        %get3A_1014 = tpu.vector_load %arg9[%get3A_1012, %get3A_1013] {strides = array<i32>} : memref<80x128xf32, #tpu.memory_space<vmem>>, vector<16xf32>,
        %get3A_1015 = arith.index_cast %add3A_964 : i32 to index
        %get3A_1016 = arith.constant 96 : index
        %get3A_1017 = tpu.vector_load %arg10[%get3A_1015, %get3A_1016] {strides = array<i32>} : memref<80x128xf32, #tpu.memory_space<vmem>>, vector<16xf32>,
        %mul3A_1018 = arith.mulf %get3A_1014, %get3A_1017 : vector<16xf32>
        %add3A_1019 = arith.addf %add3A_1011, %mul3A_1018 : vector<16xf32>
        %get3A_1020 = arith.index_cast %add3A_964 : i32 to index
        %get3A_1021 = arith.constant 112 : index
        %get3A_1022 = tpu.vector_load %arg9[%get3A_1020, %get3A_1021] {strides = array<i32>} : memref<80x128xf32, #tpu.memory_space<vmem>>, vector<16xf32>,
        %get3A_1023 = arith.index_cast %add3A_964 : i32 to index
        %get3A_1024 = arith.constant 112 : index
        %get3A_1025 = tpu.vector_load %arg10[%get3A_1023, %get3A_1024] {strides = array<i32>} : memref<80x128xf32, #tpu.memory_space<vmem>>, vector<16xf32>,
        %mul3A_1026 = arith.mulf %get3A_1022, %get3A_1025 : vector<16xf32>
        %add3A_1027 = arith.addf %add3A_1019, %mul3A_1026 : vector<16xf32>
        %swap3A_1028 = arith.constant 208 : index
        %swap3A_1029 = tpu.vector_load %arg13[%swap3A_1028] {strides = array<i32>} : memref<256xf32, #tpu.memory_space<vmem>>, vector<16xf32>,
        tpu.vector_store %arg13[%swap3A_1028], %add3A_1027 {strides = array<i32>} : memref<256xf32, #tpu.memory_space<vmem>>, vector<16xf32>,
        %mul3A_1030 = arith.constant 16 : i32
        %mul3A_1031 = arith.muli %add3A_65, %mul3A_1030 : i32
        %add3A_1032 = arith.constant 14 : i32
        %add3A_1033 = arith.addi %mul3A_1031, %add3A_1032 : i32
        %get3A_1034 = arith.index_cast %add3A_1033 : i32 to index
        %get3A_1035 = arith.constant 0 : index
        %get3A_1036 = tpu.vector_load %arg9[%get3A_1034, %get3A_1035] {strides = array<i32>} : memref<80x128xf32, #tpu.memory_space<vmem>>, vector<16xf32>,
        %get3A_1037 = arith.index_cast %add3A_1033 : i32 to index
        %get3A_1038 = arith.constant 0 : index
        %get3A_1039 = tpu.vector_load %arg10[%get3A_1037, %get3A_1038] {strides = array<i32>} : memref<80x128xf32, #tpu.memory_space<vmem>>, vector<16xf32>,
        %mul3A_1040 = arith.mulf %get3A_1036, %get3A_1039 : vector<16xf32>
        %get3A_1041 = arith.index_cast %add3A_1033 : i32 to index
        %get3A_1042 = arith.constant 16 : index
        %get3A_1043 = tpu.vector_load %arg9[%get3A_1041, %get3A_1042] {strides = array<i32>} : memref<80x128xf32, #tpu.memory_space<vmem>>, vector<16xf32>,
        %get3A_1044 = arith.index_cast %add3A_1033 : i32 to index
        %get3A_1045 = arith.constant 16 : index
        %get3A_1046 = tpu.vector_load %arg10[%get3A_1044, %get3A_1045] {strides = array<i32>} : memref<80x128xf32, #tpu.memory_space<vmem>>, vector<16xf32>,
        %mul3A_1047 = arith.mulf %get3A_1043, %get3A_1046 : vector<16xf32>
        %add3A_1048 = arith.addf %mul3A_1040, %mul3A_1047 : vector<16xf32>
        %get3A_1049 = arith.index_cast %add3A_1033 : i32 to index
        %get3A_1050 = arith.constant 32 : index
        %get3A_1051 = tpu.vector_load %arg9[%get3A_1049, %get3A_1050] {strides = array<i32>} : memref<80x128xf32, #tpu.memory_space<vmem>>, vector<16xf32>,
        %get3A_1052 = arith.index_cast %add3A_1033 : i32 to index
        %get3A_1053 = arith.constant 32 : index
        %get3A_1054 = tpu.vector_load %arg10[%get3A_1052, %get3A_1053] {strides = array<i32>} : memref<80x128xf32, #tpu.memory_space<vmem>>, vector<16xf32>,
        %mul3A_1055 = arith.mulf %get3A_1051, %get3A_1054 : vector<16xf32>
        %add3A_1056 = arith.addf %add3A_1048, %mul3A_1055 : vector<16xf32>
        %get3A_1057 = arith.index_cast %add3A_1033 : i32 to index
        %get3A_1058 = arith.constant 48 : index
        %get3A_1059 = tpu.vector_load %arg9[%get3A_1057, %get3A_1058] {strides = array<i32>} : memref<80x128xf32, #tpu.memory_space<vmem>>, vector<16xf32>,
        %get3A_1060 = arith.index_cast %add3A_1033 : i32 to index
        %get3A_1061 = arith.constant 48 : index
        %get3A_1062 = tpu.vector_load %arg10[%get3A_1060, %get3A_1061] {strides = array<i32>} : memref<80x128xf32, #tpu.memory_space<vmem>>, vector<16xf32>,
        %mul3A_1063 = arith.mulf %get3A_1059, %get3A_1062 : vector<16xf32>
        %add3A_1064 = arith.addf %add3A_1056, %mul3A_1063 : vector<16xf32>
        %get3A_1065 = arith.index_cast %add3A_1033 : i32 to index
        %get3A_1066 = arith.constant 64 : index
        %get3A_1067 = tpu.vector_load %arg9[%get3A_1065, %get3A_1066] {strides = array<i32>} : memref<80x128xf32, #tpu.memory_space<vmem>>, vector<16xf32>,
        %get3A_1068 = arith.index_cast %add3A_1033 : i32 to index
        %get3A_1069 = arith.constant 64 : index
        %get3A_1070 = tpu.vector_load %arg10[%get3A_1068, %get3A_1069] {strides = array<i32>} : memref<80x128xf32, #tpu.memory_space<vmem>>, vector<16xf32>,
        %mul3A_1071 = arith.mulf %get3A_1067, %get3A_1070 : vector<16xf32>
        %add3A_1072 = arith.addf %add3A_1064, %mul3A_1071 : vector<16xf32>
        %get3A_1073 = arith.index_cast %add3A_1033 : i32 to index
        %get3A_1074 = arith.constant 80 : index
        %get3A_1075 = tpu.vector_load %arg9[%get3A_1073, %get3A_1074] {strides = array<i32>} : memref<80x128xf32, #tpu.memory_space<vmem>>, vector<16xf32>,
        %get3A_1076 = arith.index_cast %add3A_1033 : i32 to index
        %get3A_1077 = arith.constant 80 : index
        %get3A_1078 = tpu.vector_load %arg10[%get3A_1076, %get3A_1077] {strides = array<i32>} : memref<80x128xf32, #tpu.memory_space<vmem>>, vector<16xf32>,
        %mul3A_1079 = arith.mulf %get3A_1075, %get3A_1078 : vector<16xf32>
        %add3A_1080 = arith.addf %add3A_1072, %mul3A_1079 : vector<16xf32>
        %get3A_1081 = arith.index_cast %add3A_1033 : i32 to index
        %get3A_1082 = arith.constant 96 : index
        %get3A_1083 = tpu.vector_load %arg9[%get3A_1081, %get3A_1082] {strides = array<i32>} : memref<80x128xf32, #tpu.memory_space<vmem>>, vector<16xf32>,
        %get3A_1084 = arith.index_cast %add3A_1033 : i32 to index
        %get3A_1085 = arith.constant 96 : index
        %get3A_1086 = tpu.vector_load %arg10[%get3A_1084, %get3A_1085] {strides = array<i32>} : memref<80x128xf32, #tpu.memory_space<vmem>>, vector<16xf32>,
        %mul3A_1087 = arith.mulf %get3A_1083, %get3A_1086 : vector<16xf32>
        %add3A_1088 = arith.addf %add3A_1080, %mul3A_1087 : vector<16xf32>
        %get3A_1089 = arith.index_cast %add3A_1033 : i32 to index
        %get3A_1090 = arith.constant 112 : index
        %get3A_1091 = tpu.vector_load %arg9[%get3A_1089, %get3A_1090] {strides = array<i32>} : memref<80x128xf32, #tpu.memory_space<vmem>>, vector<16xf32>,
        %get3A_1092 = arith.index_cast %add3A_1033 : i32 to index
        %get3A_1093 = arith.constant 112 : index
        %get3A_1094 = tpu.vector_load %arg10[%get3A_1092, %get3A_1093] {strides = array<i32>} : memref<80x128xf32, #tpu.memory_space<vmem>>, vector<16xf32>,
        %mul3A_1095 = arith.mulf %get3A_1091, %get3A_1094 : vector<16xf32>
        %add3A_1096 = arith.addf %add3A_1088, %mul3A_1095 : vector<16xf32>
        %swap3A_1097 = arith.constant 224 : index
        %swap3A_1098 = tpu.vector_load %arg13[%swap3A_1097] {strides = array<i32>} : memref<256xf32, #tpu.memory_space<vmem>>, vector<16xf32>,
        tpu.vector_store %arg13[%swap3A_1097], %add3A_1096 {strides = array<i32>} : memref<256xf32, #tpu.memory_space<vmem>>, vector<16xf32>,
        %mul3A_1099 = arith.constant 16 : i32
        %mul3A_1100 = arith.muli %add3A_65, %mul3A_1099 : i32
        %add3A_1101 = arith.constant 15 : i32
        %add3A_1102 = arith.addi %mul3A_1100, %add3A_1101 : i32
        %get3A_1103 = arith.index_cast %add3A_1102 : i32 to index
        %get3A_1104 = arith.constant 0 : index
        %get3A_1105 = tpu.vector_load %arg9[%get3A_1103, %get3A_1104] {strides = array<i32>} : memref<80x128xf32, #tpu.memory_space<vmem>>, vector<16xf32>,
        %get3A_1106 = arith.index_cast %add3A_1102 : i32 to index
        %get3A_1107 = arith.constant 0 : index
        %get3A_1108 = tpu.vector_load %arg10[%get3A_1106, %get3A_1107] {strides = array<i32>} : memref<80x128xf32, #tpu.memory_space<vmem>>, vector<16xf32>,
        %mul3A_1109 = arith.mulf %get3A_1105, %get3A_1108 : vector<16xf32>
        %get3A_1110 = arith.index_cast %add3A_1102 : i32 to index
        %get3A_1111 = arith.constant 16 : index
        %get3A_1112 = tpu.vector_load %arg9[%get3A_1110, %get3A_1111] {strides = array<i32>} : memref<80x128xf32, #tpu.memory_space<vmem>>, vector<16xf32>,
        %get3A_1113 = arith.index_cast %add3A_1102 : i32 to index
        %get3A_1114 = arith.constant 16 : index
        %get3A_1115 = tpu.vector_load %arg10[%get3A_1113, %get3A_1114] {strides = array<i32>} : memref<80x128xf32, #tpu.memory_space<vmem>>, vector<16xf32>,
        %mul3A_1116 = arith.mulf %get3A_1112, %get3A_1115 : vector<16xf32>
        %add3A_1117 = arith.addf %mul3A_1109, %mul3A_1116 : vector<16xf32>
        %get3A_1118 = arith.index_cast %add3A_1102 : i32 to index
        %get3A_1119 = arith.constant 32 : index
        %get3A_1120 = tpu.vector_load %arg9[%get3A_1118, %get3A_1119] {strides = array<i32>} : memref<80x128xf32, #tpu.memory_space<vmem>>, vector<16xf32>,
        %get3A_1121 = arith.index_cast %add3A_1102 : i32 to index
        %get3A_1122 = arith.constant 32 : index
        %get3A_1123 = tpu.vector_load %arg10[%get3A_1121, %get3A_1122] {strides = array<i32>} : memref<80x128xf32, #tpu.memory_space<vmem>>, vector<16xf32>,
        %mul3A_1124 = arith.mulf %get3A_1120, %get3A_1123 : vector<16xf32>
        %add3A_1125 = arith.addf %add3A_1117, %mul3A_1124 : vector<16xf32>
        %get3A_1126 = arith.index_cast %add3A_1102 : i32 to index
        %get3A_1127 = arith.constant 48 : index
        %get3A_1128 = tpu.vector_load %arg9[%get3A_1126, %get3A_1127] {strides = array<i32>} : memref<80x128xf32, #tpu.memory_space<vmem>>, vector<16xf32>,
        %get3A_1129 = arith.index_cast %add3A_1102 : i32 to index
        %get3A_1130 = arith.constant 48 : index
        %get3A_1131 = tpu.vector_load %arg10[%get3A_1129, %get3A_1130] {strides = array<i32>} : memref<80x128xf32, #tpu.memory_space<vmem>>, vector<16xf32>,
        %mul3A_1132 = arith.mulf %get3A_1128, %get3A_1131 : vector<16xf32>
        %add3A_1133 = arith.addf %add3A_1125, %mul3A_1132 : vector<16xf32>
        %get3A_1134 = arith.index_cast %add3A_1102 : i32 to index
        %get3A_1135 = arith.constant 64 : index
        %get3A_1136 = tpu.vector_load %arg9[%get3A_1134, %get3A_1135] {strides = array<i32>} : memref<80x128xf32, #tpu.memory_space<vmem>>, vector<16xf32>,
        %get3A_1137 = arith.index_cast %add3A_1102 : i32 to index
        %get3A_1138 = arith.constant 64 : index
        %get3A_1139 = tpu.vector_load %arg10[%get3A_1137, %get3A_1138] {strides = array<i32>} : memref<80x128xf32, #tpu.memory_space<vmem>>, vector<16xf32>,
        %mul3A_1140 = arith.mulf %get3A_1136, %get3A_1139 : vector<16xf32>
        %add3A_1141 = arith.addf %add3A_1133, %mul3A_1140 : vector<16xf32>
        %get3A_1142 = arith.index_cast %add3A_1102 : i32 to index
        %get3A_1143 = arith.constant 80 : index
        %get3A_1144 = tpu.vector_load %arg9[%get3A_1142, %get3A_1143] {strides = array<i32>} : memref<80x128xf32, #tpu.memory_space<vmem>>, vector<16xf32>,
        %get3A_1145 = arith.index_cast %add3A_1102 : i32 to index
        %get3A_1146 = arith.constant 80 : index
        %get3A_1147 = tpu.vector_load %arg10[%get3A_1145, %get3A_1146] {strides = array<i32>} : memref<80x128xf32, #tpu.memory_space<vmem>>, vector<16xf32>,
        %mul3A_1148 = arith.mulf %get3A_1144, %get3A_1147 : vector<16xf32>
        %add3A_1149 = arith.addf %add3A_1141, %mul3A_1148 : vector<16xf32>
        %get3A_1150 = arith.index_cast %add3A_1102 : i32 to index
        %get3A_1151 = arith.constant 96 : index
        %get3A_1152 = tpu.vector_load %arg9[%get3A_1150, %get3A_1151] {strides = array<i32>} : memref<80x128xf32, #tpu.memory_space<vmem>>, vector<16xf32>,
        %get3A_1153 = arith.index_cast %add3A_1102 : i32 to index
        %get3A_1154 = arith.constant 96 : index
        %get3A_1155 = tpu.vector_load %arg10[%get3A_1153, %get3A_1154] {strides = array<i32>} : memref<80x128xf32, #tpu.memory_space<vmem>>, vector<16xf32>,
        %mul3A_1156 = arith.mulf %get3A_1152, %get3A_1155 : vector<16xf32>
        %add3A_1157 = arith.addf %add3A_1149, %mul3A_1156 : vector<16xf32>
        %get3A_1158 = arith.index_cast %add3A_1102 : i32 to index
        %get3A_1159 = arith.constant 112 : index
        %get3A_1160 = tpu.vector_load %arg9[%get3A_1158, %get3A_1159] {strides = array<i32>} : memref<80x128xf32, #tpu.memory_space<vmem>>, vector<16xf32>,
        %get3A_1161 = arith.index_cast %add3A_1102 : i32 to index
        %get3A_1162 = arith.constant 112 : index
        %get3A_1163 = tpu.vector_load %arg10[%get3A_1161, %get3A_1162] {strides = array<i32>} : memref<80x128xf32, #tpu.memory_space<vmem>>, vector<16xf32>,
        %mul3A_1164 = arith.mulf %get3A_1160, %get3A_1163 : vector<16xf32>
        %add3A_1165 = arith.addf %add3A_1157, %mul3A_1164 : vector<16xf32>
        %swap3A_1166 = arith.constant 240 : index
        %swap3A_1167 = tpu.vector_load %arg13[%swap3A_1166] {strides = array<i32>} : memref<256xf32, #tpu.memory_space<vmem>>, vector<16xf32>,
        tpu.vector_store %arg13[%swap3A_1166], %add3A_1165 {strides = array<i32>} : memref<256xf32, #tpu.memory_space<vmem>>, vector<16xf32>,
        %mul3A_1168 = arith.constant 16 : i32
        %mul3A_1169 = vector.broadcast %mul3A_1168 : i32 to vector<16xi32>
        %mul3A_1170 = arith.muli %iota3A, %mul3A_1169 : vector<16xi32>
        %gather3A = tpu.vector_load_idx %arg13[%mul3A_1170] : memref<256xf32, #tpu.memory_space<vmem>>[vector<16xi32>], vector<16xf32>,
        %mul3A_1171 = arith.constant 16 : i32
        %mul3A_1172 = vector.broadcast %mul3A_1171 : i32 to vector<16xi32>
        %mul3A_1173 = arith.muli %iota3A, %mul3A_1172 : vector<16xi32>
        %add3A_1174 = arith.constant 1 : i32
        %add3A_1175 = vector.broadcast %add3A_1174 : i32 to vector<16xi32>
        %add3A_1176 = arith.addi %mul3A_1173, %add3A_1175 : vector<16xi32>
        %gather3A_1177 = tpu.vector_load_idx %arg13[%add3A_1176] : memref<256xf32, #tpu.memory_space<vmem>>[vector<16xi32>], vector<16xf32>,
        %add3A_1178 = arith.addf %gather3A, %gather3A_1177 : vector<16xf32>
        %mul3A_1179 = arith.constant 16 : i32
        %mul3A_1180 = vector.broadcast %mul3A_1179 : i32 to vector<16xi32>
        %mul3A_1181 = arith.muli %iota3A, %mul3A_1180 : vector<16xi32>
        %add3A_1182 = arith.constant 2 : i32
        %add3A_1183 = vector.broadcast %add3A_1182 : i32 to vector<16xi32>
        %add3A_1184 = arith.addi %mul3A_1181, %add3A_1183 : vector<16xi32>
        %gather3A_1185 = tpu.vector_load_idx %arg13[%add3A_1184] : memref<256xf32, #tpu.memory_space<vmem>>[vector<16xi32>], vector<16xf32>,
        %add3A_1186 = arith.addf %add3A_1178, %gather3A_1185 : vector<16xf32>
        %mul3A_1187 = arith.constant 16 : i32
        %mul3A_1188 = vector.broadcast %mul3A_1187 : i32 to vector<16xi32>
        %mul3A_1189 = arith.muli %iota3A, %mul3A_1188 : vector<16xi32>
        %add3A_1190 = arith.constant 3 : i32
        %add3A_1191 = vector.broadcast %add3A_1190 : i32 to vector<16xi32>
        %add3A_1192 = arith.addi %mul3A_1189, %add3A_1191 : vector<16xi32>
        %gather3A_1193 = tpu.vector_load_idx %arg13[%add3A_1192] : memref<256xf32, #tpu.memory_space<vmem>>[vector<16xi32>], vector<16xf32>,
        %add3A_1194 = arith.addf %add3A_1186, %gather3A_1193 : vector<16xf32>
        %mul3A_1195 = arith.constant 16 : i32
        %mul3A_1196 = vector.broadcast %mul3A_1195 : i32 to vector<16xi32>
        %mul3A_1197 = arith.muli %iota3A, %mul3A_1196 : vector<16xi32>
        %add3A_1198 = arith.constant 4 : i32
        %add3A_1199 = vector.broadcast %add3A_1198 : i32 to vector<16xi32>
        %add3A_1200 = arith.addi %mul3A_1197, %add3A_1199 : vector<16xi32>
        %gather3A_1201 = tpu.vector_load_idx %arg13[%add3A_1200] : memref<256xf32, #tpu.memory_space<vmem>>[vector<16xi32>], vector<16xf32>,
        %add3A_1202 = arith.addf %add3A_1194, %gather3A_1201 : vector<16xf32>
        %mul3A_1203 = arith.constant 16 : i32
        %mul3A_1204 = vector.broadcast %mul3A_1203 : i32 to vector<16xi32>
        %mul3A_1205 = arith.muli %iota3A, %mul3A_1204 : vector<16xi32>
        %add3A_1206 = arith.constant 5 : i32
        %add3A_1207 = vector.broadcast %add3A_1206 : i32 to vector<16xi32>
        %add3A_1208 = arith.addi %mul3A_1205, %add3A_1207 : vector<16xi32>
        %gather3A_1209 = tpu.vector_load_idx %arg13[%add3A_1208] : memref<256xf32, #tpu.memory_space<vmem>>[vector<16xi32>], vector<16xf32>,
        %add3A_1210 = arith.addf %add3A_1202, %gather3A_1209 : vector<16xf32>
        %mul3A_1211 = arith.constant 16 : i32
        %mul3A_1212 = vector.broadcast %mul3A_1211 : i32 to vector<16xi32>
        %mul3A_1213 = arith.muli %iota3A, %mul3A_1212 : vector<16xi32>
        %add3A_1214 = arith.constant 6 : i32
        %add3A_1215 = vector.broadcast %add3A_1214 : i32 to vector<16xi32>
        %add3A_1216 = arith.addi %mul3A_1213, %add3A_1215 : vector<16xi32>
        %gather3A_1217 = tpu.vector_load_idx %arg13[%add3A_1216] : memref<256xf32, #tpu.memory_space<vmem>>[vector<16xi32>], vector<16xf32>,
        %add3A_1218 = arith.addf %add3A_1210, %gather3A_1217 : vector<16xf32>
        %mul3A_1219 = arith.constant 16 : i32
        %mul3A_1220 = vector.broadcast %mul3A_1219 : i32 to vector<16xi32>
        %mul3A_1221 = arith.muli %iota3A, %mul3A_1220 : vector<16xi32>
        %add3A_1222 = arith.constant 7 : i32
        %add3A_1223 = vector.broadcast %add3A_1222 : i32 to vector<16xi32>
        %add3A_1224 = arith.addi %mul3A_1221, %add3A_1223 : vector<16xi32>
        %gather3A_1225 = tpu.vector_load_idx %arg13[%add3A_1224] : memref<256xf32, #tpu.memory_space<vmem>>[vector<16xi32>], vector<16xf32>,
        %add3A_1226 = arith.addf %add3A_1218, %gather3A_1225 : vector<16xf32>
        %mul3A_1227 = arith.constant 16 : i32
        %mul3A_1228 = vector.broadcast %mul3A_1227 : i32 to vector<16xi32>
        %mul3A_1229 = arith.muli %iota3A, %mul3A_1228 : vector<16xi32>
        %add3A_1230 = arith.constant 8 : i32
        %add3A_1231 = vector.broadcast %add3A_1230 : i32 to vector<16xi32>
        %add3A_1232 = arith.addi %mul3A_1229, %add3A_1231 : vector<16xi32>
        %gather3A_1233 = tpu.vector_load_idx %arg13[%add3A_1232] : memref<256xf32, #tpu.memory_space<vmem>>[vector<16xi32>], vector<16xf32>,
        %add3A_1234 = arith.addf %add3A_1226, %gather3A_1233 : vector<16xf32>
        %mul3A_1235 = arith.constant 16 : i32
        %mul3A_1236 = vector.broadcast %mul3A_1235 : i32 to vector<16xi32>
        %mul3A_1237 = arith.muli %iota3A, %mul3A_1236 : vector<16xi32>
        %add3A_1238 = arith.constant 9 : i32
        %add3A_1239 = vector.broadcast %add3A_1238 : i32 to vector<16xi32>
        %add3A_1240 = arith.addi %mul3A_1237, %add3A_1239 : vector<16xi32>
        %gather3A_1241 = tpu.vector_load_idx %arg13[%add3A_1240] : memref<256xf32, #tpu.memory_space<vmem>>[vector<16xi32>], vector<16xf32>,
        %add3A_1242 = arith.addf %add3A_1234, %gather3A_1241 : vector<16xf32>
        %mul3A_1243 = arith.constant 16 : i32
        %mul3A_1244 = vector.broadcast %mul3A_1243 : i32 to vector<16xi32>
        %mul3A_1245 = arith.muli %iota3A, %mul3A_1244 : vector<16xi32>
        %add3A_1246 = arith.constant 10 : i32
        %add3A_1247 = vector.broadcast %add3A_1246 : i32 to vector<16xi32>
        %add3A_1248 = arith.addi %mul3A_1245, %add3A_1247 : vector<16xi32>
        %gather3A_1249 = tpu.vector_load_idx %arg13[%add3A_1248] : memref<256xf32, #tpu.memory_space<vmem>>[vector<16xi32>], vector<16xf32>,
        %add3A_1250 = arith.addf %add3A_1242, %gather3A_1249 : vector<16xf32>
        %mul3A_1251 = arith.constant 16 : i32
        %mul3A_1252 = vector.broadcast %mul3A_1251 : i32 to vector<16xi32>
        %mul3A_1253 = arith.muli %iota3A, %mul3A_1252 : vector<16xi32>
        %add3A_1254 = arith.constant 11 : i32
        %add3A_1255 = vector.broadcast %add3A_1254 : i32 to vector<16xi32>
        %add3A_1256 = arith.addi %mul3A_1253, %add3A_1255 : vector<16xi32>
        %gather3A_1257 = tpu.vector_load_idx %arg13[%add3A_1256] : memref<256xf32, #tpu.memory_space<vmem>>[vector<16xi32>], vector<16xf32>,
        %add3A_1258 = arith.addf %add3A_1250, %gather3A_1257 : vector<16xf32>
        %mul3A_1259 = arith.constant 16 : i32
        %mul3A_1260 = vector.broadcast %mul3A_1259 : i32 to vector<16xi32>
        %mul3A_1261 = arith.muli %iota3A, %mul3A_1260 : vector<16xi32>
        %add3A_1262 = arith.constant 12 : i32
        %add3A_1263 = vector.broadcast %add3A_1262 : i32 to vector<16xi32>
        %add3A_1264 = arith.addi %mul3A_1261, %add3A_1263 : vector<16xi32>
        %gather3A_1265 = tpu.vector_load_idx %arg13[%add3A_1264] : memref<256xf32, #tpu.memory_space<vmem>>[vector<16xi32>], vector<16xf32>,
        %add3A_1266 = arith.addf %add3A_1258, %gather3A_1265 : vector<16xf32>
        %mul3A_1267 = arith.constant 16 : i32
        %mul3A_1268 = vector.broadcast %mul3A_1267 : i32 to vector<16xi32>
        %mul3A_1269 = arith.muli %iota3A, %mul3A_1268 : vector<16xi32>
        %add3A_1270 = arith.constant 13 : i32
        %add3A_1271 = vector.broadcast %add3A_1270 : i32 to vector<16xi32>
        %add3A_1272 = arith.addi %mul3A_1269, %add3A_1271 : vector<16xi32>
        %gather3A_1273 = tpu.vector_load_idx %arg13[%add3A_1272] : memref<256xf32, #tpu.memory_space<vmem>>[vector<16xi32>], vector<16xf32>,
        %add3A_1274 = arith.addf %add3A_1266, %gather3A_1273 : vector<16xf32>
        %mul3A_1275 = arith.constant 16 : i32
        %mul3A_1276 = vector.broadcast %mul3A_1275 : i32 to vector<16xi32>
        %mul3A_1277 = arith.muli %iota3A, %mul3A_1276 : vector<16xi32>
        %add3A_1278 = arith.constant 14 : i32
        %add3A_1279 = vector.broadcast %add3A_1278 : i32 to vector<16xi32>
        %add3A_1280 = arith.addi %mul3A_1277, %add3A_1279 : vector<16xi32>
        %gather3A_1281 = tpu.vector_load_idx %arg13[%add3A_1280] : memref<256xf32, #tpu.memory_space<vmem>>[vector<16xi32>], vector<16xf32>,
        %add3A_1282 = arith.addf %add3A_1274, %gather3A_1281 : vector<16xf32>
        %mul3A_1283 = arith.constant 16 : i32
        %mul3A_1284 = vector.broadcast %mul3A_1283 : i32 to vector<16xi32>
        %mul3A_1285 = arith.muli %iota3A, %mul3A_1284 : vector<16xi32>
        %add3A_1286 = arith.constant 15 : i32
        %add3A_1287 = vector.broadcast %add3A_1286 : i32 to vector<16xi32>
        %add3A_1288 = arith.addi %mul3A_1285, %add3A_1287 : vector<16xi32>
        %gather3A_1289 = tpu.vector_load_idx %arg13[%add3A_1288] : memref<256xf32, #tpu.memory_space<vmem>>[vector<16xi32>], vector<16xf32>,
        %add3A_1290 = arith.addf %add3A_1282, %gather3A_1289 : vector<16xf32>
        %mul3A_1291 = arith.constant 80 : i32
        %mul3A_1292 = arith.muli %mul3A_26, %mul3A_1291 : i32
        %mul3A_1293 = arith.constant 16 : i32
        %mul3A_1294 = arith.muli %add3A_65, %mul3A_1293 : i32
        %add3A_1295 = arith.addi %mul3A_1292, %mul3A_1294 : i32
        %swap3A_1296 = arith.index_cast %add3A_1295 : i32 to index
        %swap3A_1297 = tpu.vector_load %arg14[%swap3A_1296] {strides = array<i32>} : memref<10000xf32, #tpu.memory_space<vmem>>, vector<16xf32>,
        tpu.vector_store %arg14[%swap3A_1296], %add3A_1290 {strides = array<i32>} : memref<10000xf32, #tpu.memory_space<vmem>>, vector<16xf32>,
      }
      %scan3A_46 = arith.constant 5 : i32
      %add3A_47 = arith.constant 2 : i32
      %add3A_48 = arith.addi %mul3A_26, %add3A_47 : i32
      %lt3A_49 = arith.constant 125 : i32
      %lt3A_50 = arith.cmpi slt, %add3A_48, %lt3A_49 : i32
      %convert_element_type3A_51 = arith.extui %lt3A_50 : i1 to i32
      %cond3A_52 = arith.constant 0 : i32
      %cond3A_53 = arith.cmpi ne, %convert_element_type3A_51, %cond3A_52 : i32
      scf.if %cond3A_53 {
        %add3A_61 = arith.constant 2 : i32
        %add3A_62 = arith.addi %mul3A_26, %add3A_61 : i32
        %dma_start3A_63 = arith.constant 0 : i32
        %dma_start3A_64 = tpu.memref_slice %arg7[%add3A_62, %dma_start3A_63] : memref<125x80xi32, #tpu.memory_space<vmem>> -> memref<1x80xi32, #tpu.memory_space<vmem>>
        %dma_start3A_65 = tpu.memref_squeeze %dma_start3A_64 : memref<1x80xi32, #tpu.memory_space<vmem>> -> memref<80xi32, #tpu.memory_space<vmem>>
        %dma_start3A_66 = arith.constant 0 : i32
        %dma_start3A_67 = arith.constant 0 : i32
        %dma_start3A_68 = tpu.memref_slice %arg2[%dma_start3A_66, %dma_start3A_67] : memref<10000x128xf32, #tpu.memory_space<hbm>> -> memref<10000x128xf32, #tpu.memory_space<hbm>>
        tpu.enqueue_indirect_dma source(%dma_start3A_68 : memref<10000x128xf32, #tpu.memory_space<hbm>>) target(%arg9 : memref<80x128xf32, #tpu.memory_space<vmem>>) offsets(%dma_start3A_65 : memref<80xi32, #tpu.memory_space<vmem>>) semaphore(%arg15 : memref<!tpu.dma_semaphore, #tpu.memory_space<semaphore_mem>>)
        %dma_start3A_69 = arith.constant 0 : i32
        %dma_start3A_70 = tpu.memref_slice %arg8[%add3A_62, %dma_start3A_69] : memref<125x80xi32, #tpu.memory_space<vmem>> -> memref<1x80xi32, #tpu.memory_space<vmem>>
        %dma_start3A_71 = tpu.memref_squeeze %dma_start3A_70 : memref<1x80xi32, #tpu.memory_space<vmem>> -> memref<80xi32, #tpu.memory_space<vmem>>
        %dma_start3A_72 = arith.constant 0 : i32
        %dma_start3A_73 = arith.constant 0 : i32
        %dma_start3A_74 = tpu.memref_slice %arg3[%dma_start3A_72, %dma_start3A_73] : memref<10000x128xf32, #tpu.memory_space<hbm>> -> memref<10000x128xf32, #tpu.memory_space<hbm>>
        tpu.enqueue_indirect_dma source(%dma_start3A_74 : memref<10000x128xf32, #tpu.memory_space<hbm>>) target(%arg10 : memref<80x128xf32, #tpu.memory_space<vmem>>) offsets(%dma_start3A_71 : memref<80xi32, #tpu.memory_space<vmem>>) semaphore(%arg15 : memref<!tpu.dma_semaphore, #tpu.memory_space<semaphore_mem>>)
      } else {
      }
      %add3A_54 = arith.constant 1 : i32
      %add3A_55 = arith.addi %mul3A_26, %add3A_54 : i32
      %lt3A_56 = arith.constant 125 : i32
      %lt3A_57 = arith.cmpi slt, %add3A_55, %lt3A_56 : i32
      %convert_element_type3A_58 = arith.extui %lt3A_57 : i1 to i32
      %cond3A_59 = arith.constant 0 : i32
      %cond3A_60 = arith.cmpi ne, %convert_element_type3A_58, %cond3A_59 : i32
      scf.if %cond3A_60 {
        %add3A_61 = arith.constant 1 : i32
        %add3A_62 = arith.addi %mul3A_26, %add3A_61 : i32
        %dma_wait3A_63 = arith.constant 0 : i32
        %dma_wait3A_64 = tpu.memref_slice %arg7[%add3A_62, %dma_wait3A_63] : memref<125x80xi32, #tpu.memory_space<vmem>> -> memref<1x80xi32, #tpu.memory_space<vmem>>
        %dma_wait3A_65 = tpu.memref_squeeze %dma_wait3A_64 : memref<1x80xi32, #tpu.memory_space<vmem>> -> memref<80xi32, #tpu.memory_space<vmem>>
        %dma_wait3A_66 = arith.constant 0 : i32
        %dma_wait3A_67 = arith.constant 0 : i32
        %dma_wait3A_68 = tpu.memref_slice %arg2[%dma_wait3A_66, %dma_wait3A_67] : memref<10000x128xf32, #tpu.memory_space<hbm>> -> memref<10000x128xf32, #tpu.memory_space<hbm>>
        tpu.wait_indirect_dma semaphore(%arg16 : memref<!tpu.dma_semaphore, #tpu.memory_space<semaphore_mem>>) src(%dma_wait3A_68 : memref<10000x128xf32, #tpu.memory_space<hbm>>) dst(%arg11 : memref<80x128xf32, #tpu.memory_space<vmem>>)
        %dma_wait3A_69 = arith.constant 0 : i32
        %dma_wait3A_70 = tpu.memref_slice %arg8[%add3A_62, %dma_wait3A_69] : memref<125x80xi32, #tpu.memory_space<vmem>> -> memref<1x80xi32, #tpu.memory_space<vmem>>
        %dma_wait3A_71 = tpu.memref_squeeze %dma_wait3A_70 : memref<1x80xi32, #tpu.memory_space<vmem>> -> memref<80xi32, #tpu.memory_space<vmem>>
        %dma_wait3A_72 = arith.constant 0 : i32
        %dma_wait3A_73 = arith.constant 0 : i32
        %dma_wait3A_74 = tpu.memref_slice %arg3[%dma_wait3A_72, %dma_wait3A_73] : memref<10000x128xf32, #tpu.memory_space<hbm>> -> memref<10000x128xf32, #tpu.memory_space<hbm>>
        tpu.wait_indirect_dma semaphore(%arg16 : memref<!tpu.dma_semaphore, #tpu.memory_space<semaphore_mem>>) src(%dma_wait3A_74 : memref<10000x128xf32, #tpu.memory_space<hbm>>) dst(%arg12 : memref<80x128xf32, #tpu.memory_space<vmem>>)
        %add3A_75 = arith.constant 1 : i32
        %add3A_76 = arith.addi %mul3A_26, %add3A_75 : i32
        %scan3A_77 = arith.constant 0 : i32
        %scan3A_78 = arith.constant 5 : i32
        %scan3A_79 = arith.addi %scan3A_77, %scan3A_78 : i32
        %scan3A_80 = arith.constant 1 : i32
        scf.for %scan3A_82 = %scan3A_77 to %scan3A_79 step %scan3A_80  : i32 {
          %mul3A_83 = arith.constant 1 : i32
          %mul3A_84 = arith.muli %scan3A_82, %mul3A_83 : i32
          %add3A_85 = arith.constant 0 : i32
          %add3A_86 = arith.addi %add3A_85, %mul3A_84 : i32
          %mul3A_87 = arith.constant 16 : i32
          %mul3A_88 = arith.muli %add3A_86, %mul3A_87 : i32
          %add3A_89 = arith.constant 0 : i32
          %add3A_90 = arith.addi %mul3A_88, %add3A_89 : i32
          %get3A = arith.index_cast %add3A_90 : i32 to index
          %get3A_91 = arith.constant 0 : index
          %get3A_92 = tpu.vector_load %arg11[%get3A, %get3A_91] {strides = array<i32>} : memref<80x128xf32, #tpu.memory_space<vmem>>, vector<16xf32>,
          %get3A_93 = arith.index_cast %add3A_90 : i32 to index
          %get3A_94 = arith.constant 0 : index
          %get3A_95 = tpu.vector_load %arg12[%get3A_93, %get3A_94] {strides = array<i32>} : memref<80x128xf32, #tpu.memory_space<vmem>>, vector<16xf32>,
          %mul3A_96 = arith.mulf %get3A_92, %get3A_95 : vector<16xf32>
          %get3A_97 = arith.index_cast %add3A_90 : i32 to index
          %get3A_98 = arith.constant 16 : index
          %get3A_99 = tpu.vector_load %arg11[%get3A_97, %get3A_98] {strides = array<i32>} : memref<80x128xf32, #tpu.memory_space<vmem>>, vector<16xf32>,
          %get3A_100 = arith.index_cast %add3A_90 : i32 to index
          %get3A_101 = arith.constant 16 : index
          %get3A_102 = tpu.vector_load %arg12[%get3A_100, %get3A_101] {strides = array<i32>} : memref<80x128xf32, #tpu.memory_space<vmem>>, vector<16xf32>,
          %mul3A_103 = arith.mulf %get3A_99, %get3A_102 : vector<16xf32>
          %add3A_104 = arith.addf %mul3A_96, %mul3A_103 : vector<16xf32>
          %get3A_105 = arith.index_cast %add3A_90 : i32 to index
          %get3A_106 = arith.constant 32 : index
          %get3A_107 = tpu.vector_load %arg11[%get3A_105, %get3A_106] {strides = array<i32>} : memref<80x128xf32, #tpu.memory_space<vmem>>, vector<16xf32>,
          %get3A_108 = arith.index_cast %add3A_90 : i32 to index
          %get3A_109 = arith.constant 32 : index
          %get3A_110 = tpu.vector_load %arg12[%get3A_108, %get3A_109] {strides = array<i32>} : memref<80x128xf32, #tpu.memory_space<vmem>>, vector<16xf32>,
          %mul3A_111 = arith.mulf %get3A_107, %get3A_110 : vector<16xf32>
          %add3A_112 = arith.addf %add3A_104, %mul3A_111 : vector<16xf32>
          %get3A_113 = arith.index_cast %add3A_90 : i32 to index
          %get3A_114 = arith.constant 48 : index
          %get3A_115 = tpu.vector_load %arg11[%get3A_113, %get3A_114] {strides = array<i32>} : memref<80x128xf32, #tpu.memory_space<vmem>>, vector<16xf32>,
          %get3A_116 = arith.index_cast %add3A_90 : i32 to index
          %get3A_117 = arith.constant 48 : index
          %get3A_118 = tpu.vector_load %arg12[%get3A_116, %get3A_117] {strides = array<i32>} : memref<80x128xf32, #tpu.memory_space<vmem>>, vector<16xf32>,
          %mul3A_119 = arith.mulf %get3A_115, %get3A_118 : vector<16xf32>
          %add3A_120 = arith.addf %add3A_112, %mul3A_119 : vector<16xf32>
          %get3A_121 = arith.index_cast %add3A_90 : i32 to index
          %get3A_122 = arith.constant 64 : index
          %get3A_123 = tpu.vector_load %arg11[%get3A_121, %get3A_122] {strides = array<i32>} : memref<80x128xf32, #tpu.memory_space<vmem>>, vector<16xf32>,
          %get3A_124 = arith.index_cast %add3A_90 : i32 to index
          %get3A_125 = arith.constant 64 : index
          %get3A_126 = tpu.vector_load %arg12[%get3A_124, %get3A_125] {strides = array<i32>} : memref<80x128xf32, #tpu.memory_space<vmem>>, vector<16xf32>,
          %mul3A_127 = arith.mulf %get3A_123, %get3A_126 : vector<16xf32>
          %add3A_128 = arith.addf %add3A_120, %mul3A_127 : vector<16xf32>
          %get3A_129 = arith.index_cast %add3A_90 : i32 to index
          %get3A_130 = arith.constant 80 : index
          %get3A_131 = tpu.vector_load %arg11[%get3A_129, %get3A_130] {strides = array<i32>} : memref<80x128xf32, #tpu.memory_space<vmem>>, vector<16xf32>,
          %get3A_132 = arith.index_cast %add3A_90 : i32 to index
          %get3A_133 = arith.constant 80 : index
          %get3A_134 = tpu.vector_load %arg12[%get3A_132, %get3A_133] {strides = array<i32>} : memref<80x128xf32, #tpu.memory_space<vmem>>, vector<16xf32>,
          %mul3A_135 = arith.mulf %get3A_131, %get3A_134 : vector<16xf32>
          %add3A_136 = arith.addf %add3A_128, %mul3A_135 : vector<16xf32>
          %get3A_137 = arith.index_cast %add3A_90 : i32 to index
          %get3A_138 = arith.constant 96 : index
          %get3A_139 = tpu.vector_load %arg11[%get3A_137, %get3A_138] {strides = array<i32>} : memref<80x128xf32, #tpu.memory_space<vmem>>, vector<16xf32>,
          %get3A_140 = arith.index_cast %add3A_90 : i32 to index
          %get3A_141 = arith.constant 96 : index
          %get3A_142 = tpu.vector_load %arg12[%get3A_140, %get3A_141] {strides = array<i32>} : memref<80x128xf32, #tpu.memory_space<vmem>>, vector<16xf32>,
          %mul3A_143 = arith.mulf %get3A_139, %get3A_142 : vector<16xf32>
          %add3A_144 = arith.addf %add3A_136, %mul3A_143 : vector<16xf32>
          %get3A_145 = arith.index_cast %add3A_90 : i32 to index
          %get3A_146 = arith.constant 112 : index
          %get3A_147 = tpu.vector_load %arg11[%get3A_145, %get3A_146] {strides = array<i32>} : memref<80x128xf32, #tpu.memory_space<vmem>>, vector<16xf32>,
          %get3A_148 = arith.index_cast %add3A_90 : i32 to index
          %get3A_149 = arith.constant 112 : index
          %get3A_150 = tpu.vector_load %arg12[%get3A_148, %get3A_149] {strides = array<i32>} : memref<80x128xf32, #tpu.memory_space<vmem>>, vector<16xf32>,
          %mul3A_151 = arith.mulf %get3A_147, %get3A_150 : vector<16xf32>
          %add3A_152 = arith.addf %add3A_144, %mul3A_151 : vector<16xf32>
          %swap3A = arith.constant 0 : index
          %swap3A_153 = tpu.vector_load %arg13[%swap3A] {strides = array<i32>} : memref<256xf32, #tpu.memory_space<vmem>>, vector<16xf32>,
          tpu.vector_store %arg13[%swap3A], %add3A_152 {strides = array<i32>} : memref<256xf32, #tpu.memory_space<vmem>>, vector<16xf32>,
          %mul3A_154 = arith.constant 16 : i32
          %mul3A_155 = arith.muli %add3A_86, %mul3A_154 : i32
          %add3A_156 = arith.constant 1 : i32
          %add3A_157 = arith.addi %mul3A_155, %add3A_156 : i32
          %get3A_158 = arith.index_cast %add3A_157 : i32 to index
          %get3A_159 = arith.constant 0 : index
          %get3A_160 = tpu.vector_load %arg11[%get3A_158, %get3A_159] {strides = array<i32>} : memref<80x128xf32, #tpu.memory_space<vmem>>, vector<16xf32>,
          %get3A_161 = arith.index_cast %add3A_157 : i32 to index
          %get3A_162 = arith.constant 0 : index
          %get3A_163 = tpu.vector_load %arg12[%get3A_161, %get3A_162] {strides = array<i32>} : memref<80x128xf32, #tpu.memory_space<vmem>>, vector<16xf32>,
          %mul3A_164 = arith.mulf %get3A_160, %get3A_163 : vector<16xf32>
          %get3A_165 = arith.index_cast %add3A_157 : i32 to index
          %get3A_166 = arith.constant 16 : index
          %get3A_167 = tpu.vector_load %arg11[%get3A_165, %get3A_166] {strides = array<i32>} : memref<80x128xf32, #tpu.memory_space<vmem>>, vector<16xf32>,
          %get3A_168 = arith.index_cast %add3A_157 : i32 to index
          %get3A_169 = arith.constant 16 : index
          %get3A_170 = tpu.vector_load %arg12[%get3A_168, %get3A_169] {strides = array<i32>} : memref<80x128xf32, #tpu.memory_space<vmem>>, vector<16xf32>,
          %mul3A_171 = arith.mulf %get3A_167, %get3A_170 : vector<16xf32>
          %add3A_172 = arith.addf %mul3A_164, %mul3A_171 : vector<16xf32>
          %get3A_173 = arith.index_cast %add3A_157 : i32 to index
          %get3A_174 = arith.constant 32 : index
          %get3A_175 = tpu.vector_load %arg11[%get3A_173, %get3A_174] {strides = array<i32>} : memref<80x128xf32, #tpu.memory_space<vmem>>, vector<16xf32>,
          %get3A_176 = arith.index_cast %add3A_157 : i32 to index
          %get3A_177 = arith.constant 32 : index
          %get3A_178 = tpu.vector_load %arg12[%get3A_176, %get3A_177] {strides = array<i32>} : memref<80x128xf32, #tpu.memory_space<vmem>>, vector<16xf32>,
          %mul3A_179 = arith.mulf %get3A_175, %get3A_178 : vector<16xf32>
          %add3A_180 = arith.addf %add3A_172, %mul3A_179 : vector<16xf32>
          %get3A_181 = arith.index_cast %add3A_157 : i32 to index
          %get3A_182 = arith.constant 48 : index
          %get3A_183 = tpu.vector_load %arg11[%get3A_181, %get3A_182] {strides = array<i32>} : memref<80x128xf32, #tpu.memory_space<vmem>>, vector<16xf32>,
          %get3A_184 = arith.index_cast %add3A_157 : i32 to index
          %get3A_185 = arith.constant 48 : index
          %get3A_186 = tpu.vector_load %arg12[%get3A_184, %get3A_185] {strides = array<i32>} : memref<80x128xf32, #tpu.memory_space<vmem>>, vector<16xf32>,
          %mul3A_187 = arith.mulf %get3A_183, %get3A_186 : vector<16xf32>
          %add3A_188 = arith.addf %add3A_180, %mul3A_187 : vector<16xf32>
          %get3A_189 = arith.index_cast %add3A_157 : i32 to index
          %get3A_190 = arith.constant 64 : index
          %get3A_191 = tpu.vector_load %arg11[%get3A_189, %get3A_190] {strides = array<i32>} : memref<80x128xf32, #tpu.memory_space<vmem>>, vector<16xf32>,
          %get3A_192 = arith.index_cast %add3A_157 : i32 to index
          %get3A_193 = arith.constant 64 : index
          %get3A_194 = tpu.vector_load %arg12[%get3A_192, %get3A_193] {strides = array<i32>} : memref<80x128xf32, #tpu.memory_space<vmem>>, vector<16xf32>,
          %mul3A_195 = arith.mulf %get3A_191, %get3A_194 : vector<16xf32>
          %add3A_196 = arith.addf %add3A_188, %mul3A_195 : vector<16xf32>
          %get3A_197 = arith.index_cast %add3A_157 : i32 to index
          %get3A_198 = arith.constant 80 : index
          %get3A_199 = tpu.vector_load %arg11[%get3A_197, %get3A_198] {strides = array<i32>} : memref<80x128xf32, #tpu.memory_space<vmem>>, vector<16xf32>,
          %get3A_200 = arith.index_cast %add3A_157 : i32 to index
          %get3A_201 = arith.constant 80 : index
          %get3A_202 = tpu.vector_load %arg12[%get3A_200, %get3A_201] {strides = array<i32>} : memref<80x128xf32, #tpu.memory_space<vmem>>, vector<16xf32>,
          %mul3A_203 = arith.mulf %get3A_199, %get3A_202 : vector<16xf32>
          %add3A_204 = arith.addf %add3A_196, %mul3A_203 : vector<16xf32>
          %get3A_205 = arith.index_cast %add3A_157 : i32 to index
          %get3A_206 = arith.constant 96 : index
          %get3A_207 = tpu.vector_load %arg11[%get3A_205, %get3A_206] {strides = array<i32>} : memref<80x128xf32, #tpu.memory_space<vmem>>, vector<16xf32>,
          %get3A_208 = arith.index_cast %add3A_157 : i32 to index
          %get3A_209 = arith.constant 96 : index
          %get3A_210 = tpu.vector_load %arg12[%get3A_208, %get3A_209] {strides = array<i32>} : memref<80x128xf32, #tpu.memory_space<vmem>>, vector<16xf32>,
          %mul3A_211 = arith.mulf %get3A_207, %get3A_210 : vector<16xf32>
          %add3A_212 = arith.addf %add3A_204, %mul3A_211 : vector<16xf32>
          %get3A_213 = arith.index_cast %add3A_157 : i32 to index
          %get3A_214 = arith.constant 112 : index
          %get3A_215 = tpu.vector_load %arg11[%get3A_213, %get3A_214] {strides = array<i32>} : memref<80x128xf32, #tpu.memory_space<vmem>>, vector<16xf32>,
          %get3A_216 = arith.index_cast %add3A_157 : i32 to index
          %get3A_217 = arith.constant 112 : index
          %get3A_218 = tpu.vector_load %arg12[%get3A_216, %get3A_217] {strides = array<i32>} : memref<80x128xf32, #tpu.memory_space<vmem>>, vector<16xf32>,
          %mul3A_219 = arith.mulf %get3A_215, %get3A_218 : vector<16xf32>
          %add3A_220 = arith.addf %add3A_212, %mul3A_219 : vector<16xf32>
          %swap3A_221 = arith.constant 16 : index
          %swap3A_222 = tpu.vector_load %arg13[%swap3A_221] {strides = array<i32>} : memref<256xf32, #tpu.memory_space<vmem>>, vector<16xf32>,
          tpu.vector_store %arg13[%swap3A_221], %add3A_220 {strides = array<i32>} : memref<256xf32, #tpu.memory_space<vmem>>, vector<16xf32>,
          %mul3A_223 = arith.constant 16 : i32
          %mul3A_224 = arith.muli %add3A_86, %mul3A_223 : i32
          %add3A_225 = arith.constant 2 : i32
          %add3A_226 = arith.addi %mul3A_224, %add3A_225 : i32
          %get3A_227 = arith.index_cast %add3A_226 : i32 to index
          %get3A_228 = arith.constant 0 : index
          %get3A_229 = tpu.vector_load %arg11[%get3A_227, %get3A_228] {strides = array<i32>} : memref<80x128xf32, #tpu.memory_space<vmem>>, vector<16xf32>,
          %get3A_230 = arith.index_cast %add3A_226 : i32 to index
          %get3A_231 = arith.constant 0 : index
          %get3A_232 = tpu.vector_load %arg12[%get3A_230, %get3A_231] {strides = array<i32>} : memref<80x128xf32, #tpu.memory_space<vmem>>, vector<16xf32>,
          %mul3A_233 = arith.mulf %get3A_229, %get3A_232 : vector<16xf32>
          %get3A_234 = arith.index_cast %add3A_226 : i32 to index
          %get3A_235 = arith.constant 16 : index
          %get3A_236 = tpu.vector_load %arg11[%get3A_234, %get3A_235] {strides = array<i32>} : memref<80x128xf32, #tpu.memory_space<vmem>>, vector<16xf32>,
          %get3A_237 = arith.index_cast %add3A_226 : i32 to index
          %get3A_238 = arith.constant 16 : index
          %get3A_239 = tpu.vector_load %arg12[%get3A_237, %get3A_238] {strides = array<i32>} : memref<80x128xf32, #tpu.memory_space<vmem>>, vector<16xf32>,
          %mul3A_240 = arith.mulf %get3A_236, %get3A_239 : vector<16xf32>
          %add3A_241 = arith.addf %mul3A_233, %mul3A_240 : vector<16xf32>
          %get3A_242 = arith.index_cast %add3A_226 : i32 to index
          %get3A_243 = arith.constant 32 : index
          %get3A_244 = tpu.vector_load %arg11[%get3A_242, %get3A_243] {strides = array<i32>} : memref<80x128xf32, #tpu.memory_space<vmem>>, vector<16xf32>,
          %get3A_245 = arith.index_cast %add3A_226 : i32 to index
          %get3A_246 = arith.constant 32 : index
          %get3A_247 = tpu.vector_load %arg12[%get3A_245, %get3A_246] {strides = array<i32>} : memref<80x128xf32, #tpu.memory_space<vmem>>, vector<16xf32>,
          %mul3A_248 = arith.mulf %get3A_244, %get3A_247 : vector<16xf32>
          %add3A_249 = arith.addf %add3A_241, %mul3A_248 : vector<16xf32>
          %get3A_250 = arith.index_cast %add3A_226 : i32 to index
          %get3A_251 = arith.constant 48 : index
          %get3A_252 = tpu.vector_load %arg11[%get3A_250, %get3A_251] {strides = array<i32>} : memref<80x128xf32, #tpu.memory_space<vmem>>, vector<16xf32>,
          %get3A_253 = arith.index_cast %add3A_226 : i32 to index
          %get3A_254 = arith.constant 48 : index
          %get3A_255 = tpu.vector_load %arg12[%get3A_253, %get3A_254] {strides = array<i32>} : memref<80x128xf32, #tpu.memory_space<vmem>>, vector<16xf32>,
          %mul3A_256 = arith.mulf %get3A_252, %get3A_255 : vector<16xf32>
          %add3A_257 = arith.addf %add3A_249, %mul3A_256 : vector<16xf32>
          %get3A_258 = arith.index_cast %add3A_226 : i32 to index
          %get3A_259 = arith.constant 64 : index
          %get3A_260 = tpu.vector_load %arg11[%get3A_258, %get3A_259] {strides = array<i32>} : memref<80x128xf32, #tpu.memory_space<vmem>>, vector<16xf32>,
          %get3A_261 = arith.index_cast %add3A_226 : i32 to index
          %get3A_262 = arith.constant 64 : index
          %get3A_263 = tpu.vector_load %arg12[%get3A_261, %get3A_262] {strides = array<i32>} : memref<80x128xf32, #tpu.memory_space<vmem>>, vector<16xf32>,
          %mul3A_264 = arith.mulf %get3A_260, %get3A_263 : vector<16xf32>
          %add3A_265 = arith.addf %add3A_257, %mul3A_264 : vector<16xf32>
          %get3A_266 = arith.index_cast %add3A_226 : i32 to index
          %get3A_267 = arith.constant 80 : index
          %get3A_268 = tpu.vector_load %arg11[%get3A_266, %get3A_267] {strides = array<i32>} : memref<80x128xf32, #tpu.memory_space<vmem>>, vector<16xf32>,
          %get3A_269 = arith.index_cast %add3A_226 : i32 to index
          %get3A_270 = arith.constant 80 : index
          %get3A_271 = tpu.vector_load %arg12[%get3A_269, %get3A_270] {strides = array<i32>} : memref<80x128xf32, #tpu.memory_space<vmem>>, vector<16xf32>,
          %mul3A_272 = arith.mulf %get3A_268, %get3A_271 : vector<16xf32>
          %add3A_273 = arith.addf %add3A_265, %mul3A_272 : vector<16xf32>
          %get3A_274 = arith.index_cast %add3A_226 : i32 to index
          %get3A_275 = arith.constant 96 : index
          %get3A_276 = tpu.vector_load %arg11[%get3A_274, %get3A_275] {strides = array<i32>} : memref<80x128xf32, #tpu.memory_space<vmem>>, vector<16xf32>,
          %get3A_277 = arith.index_cast %add3A_226 : i32 to index
          %get3A_278 = arith.constant 96 : index
          %get3A_279 = tpu.vector_load %arg12[%get3A_277, %get3A_278] {strides = array<i32>} : memref<80x128xf32, #tpu.memory_space<vmem>>, vector<16xf32>,
          %mul3A_280 = arith.mulf %get3A_276, %get3A_279 : vector<16xf32>
          %add3A_281 = arith.addf %add3A_273, %mul3A_280 : vector<16xf32>
          %get3A_282 = arith.index_cast %add3A_226 : i32 to index
          %get3A_283 = arith.constant 112 : index
          %get3A_284 = tpu.vector_load %arg11[%get3A_282, %get3A_283] {strides = array<i32>} : memref<80x128xf32, #tpu.memory_space<vmem>>, vector<16xf32>,
          %get3A_285 = arith.index_cast %add3A_226 : i32 to index
          %get3A_286 = arith.constant 112 : index
          %get3A_287 = tpu.vector_load %arg12[%get3A_285, %get3A_286] {strides = array<i32>} : memref<80x128xf32, #tpu.memory_space<vmem>>, vector<16xf32>,
          %mul3A_288 = arith.mulf %get3A_284, %get3A_287 : vector<16xf32>
          %add3A_289 = arith.addf %add3A_281, %mul3A_288 : vector<16xf32>
          %swap3A_290 = arith.constant 32 : index
          %swap3A_291 = tpu.vector_load %arg13[%swap3A_290] {strides = array<i32>} : memref<256xf32, #tpu.memory_space<vmem>>, vector<16xf32>,
          tpu.vector_store %arg13[%swap3A_290], %add3A_289 {strides = array<i32>} : memref<256xf32, #tpu.memory_space<vmem>>, vector<16xf32>,
          %mul3A_292 = arith.constant 16 : i32
          %mul3A_293 = arith.muli %add3A_86, %mul3A_292 : i32
          %add3A_294 = arith.constant 3 : i32
          %add3A_295 = arith.addi %mul3A_293, %add3A_294 : i32
          %get3A_296 = arith.index_cast %add3A_295 : i32 to index
          %get3A_297 = arith.constant 0 : index
          %get3A_298 = tpu.vector_load %arg11[%get3A_296, %get3A_297] {strides = array<i32>} : memref<80x128xf32, #tpu.memory_space<vmem>>, vector<16xf32>,
          %get3A_299 = arith.index_cast %add3A_295 : i32 to index
          %get3A_300 = arith.constant 0 : index
          %get3A_301 = tpu.vector_load %arg12[%get3A_299, %get3A_300] {strides = array<i32>} : memref<80x128xf32, #tpu.memory_space<vmem>>, vector<16xf32>,
          %mul3A_302 = arith.mulf %get3A_298, %get3A_301 : vector<16xf32>
          %get3A_303 = arith.index_cast %add3A_295 : i32 to index
          %get3A_304 = arith.constant 16 : index
          %get3A_305 = tpu.vector_load %arg11[%get3A_303, %get3A_304] {strides = array<i32>} : memref<80x128xf32, #tpu.memory_space<vmem>>, vector<16xf32>,
          %get3A_306 = arith.index_cast %add3A_295 : i32 to index
          %get3A_307 = arith.constant 16 : index
          %get3A_308 = tpu.vector_load %arg12[%get3A_306, %get3A_307] {strides = array<i32>} : memref<80x128xf32, #tpu.memory_space<vmem>>, vector<16xf32>,
          %mul3A_309 = arith.mulf %get3A_305, %get3A_308 : vector<16xf32>
          %add3A_310 = arith.addf %mul3A_302, %mul3A_309 : vector<16xf32>
          %get3A_311 = arith.index_cast %add3A_295 : i32 to index
          %get3A_312 = arith.constant 32 : index
          %get3A_313 = tpu.vector_load %arg11[%get3A_311, %get3A_312] {strides = array<i32>} : memref<80x128xf32, #tpu.memory_space<vmem>>, vector<16xf32>,
          %get3A_314 = arith.index_cast %add3A_295 : i32 to index
          %get3A_315 = arith.constant 32 : index
          %get3A_316 = tpu.vector_load %arg12[%get3A_314, %get3A_315] {strides = array<i32>} : memref<80x128xf32, #tpu.memory_space<vmem>>, vector<16xf32>,
          %mul3A_317 = arith.mulf %get3A_313, %get3A_316 : vector<16xf32>
          %add3A_318 = arith.addf %add3A_310, %mul3A_317 : vector<16xf32>
          %get3A_319 = arith.index_cast %add3A_295 : i32 to index
          %get3A_320 = arith.constant 48 : index
          %get3A_321 = tpu.vector_load %arg11[%get3A_319, %get3A_320] {strides = array<i32>} : memref<80x128xf32, #tpu.memory_space<vmem>>, vector<16xf32>,
          %get3A_322 = arith.index_cast %add3A_295 : i32 to index
          %get3A_323 = arith.constant 48 : index
          %get3A_324 = tpu.vector_load %arg12[%get3A_322, %get3A_323] {strides = array<i32>} : memref<80x128xf32, #tpu.memory_space<vmem>>, vector<16xf32>,
          %mul3A_325 = arith.mulf %get3A_321, %get3A_324 : vector<16xf32>
          %add3A_326 = arith.addf %add3A_318, %mul3A_325 : vector<16xf32>
          %get3A_327 = arith.index_cast %add3A_295 : i32 to index
          %get3A_328 = arith.constant 64 : index
          %get3A_329 = tpu.vector_load %arg11[%get3A_327, %get3A_328] {strides = array<i32>} : memref<80x128xf32, #tpu.memory_space<vmem>>, vector<16xf32>,
          %get3A_330 = arith.index_cast %add3A_295 : i32 to index
          %get3A_331 = arith.constant 64 : index
          %get3A_332 = tpu.vector_load %arg12[%get3A_330, %get3A_331] {strides = array<i32>} : memref<80x128xf32, #tpu.memory_space<vmem>>, vector<16xf32>,
          %mul3A_333 = arith.mulf %get3A_329, %get3A_332 : vector<16xf32>
          %add3A_334 = arith.addf %add3A_326, %mul3A_333 : vector<16xf32>
          %get3A_335 = arith.index_cast %add3A_295 : i32 to index
          %get3A_336 = arith.constant 80 : index
          %get3A_337 = tpu.vector_load %arg11[%get3A_335, %get3A_336] {strides = array<i32>} : memref<80x128xf32, #tpu.memory_space<vmem>>, vector<16xf32>,
          %get3A_338 = arith.index_cast %add3A_295 : i32 to index
          %get3A_339 = arith.constant 80 : index
          %get3A_340 = tpu.vector_load %arg12[%get3A_338, %get3A_339] {strides = array<i32>} : memref<80x128xf32, #tpu.memory_space<vmem>>, vector<16xf32>,
          %mul3A_341 = arith.mulf %get3A_337, %get3A_340 : vector<16xf32>
          %add3A_342 = arith.addf %add3A_334, %mul3A_341 : vector<16xf32>
          %get3A_343 = arith.index_cast %add3A_295 : i32 to index
          %get3A_344 = arith.constant 96 : index
          %get3A_345 = tpu.vector_load %arg11[%get3A_343, %get3A_344] {strides = array<i32>} : memref<80x128xf32, #tpu.memory_space<vmem>>, vector<16xf32>,
          %get3A_346 = arith.index_cast %add3A_295 : i32 to index
          %get3A_347 = arith.constant 96 : index
          %get3A_348 = tpu.vector_load %arg12[%get3A_346, %get3A_347] {strides = array<i32>} : memref<80x128xf32, #tpu.memory_space<vmem>>, vector<16xf32>,
          %mul3A_349 = arith.mulf %get3A_345, %get3A_348 : vector<16xf32>
          %add3A_350 = arith.addf %add3A_342, %mul3A_349 : vector<16xf32>
          %get3A_351 = arith.index_cast %add3A_295 : i32 to index
          %get3A_352 = arith.constant 112 : index
          %get3A_353 = tpu.vector_load %arg11[%get3A_351, %get3A_352] {strides = array<i32>} : memref<80x128xf32, #tpu.memory_space<vmem>>, vector<16xf32>,
          %get3A_354 = arith.index_cast %add3A_295 : i32 to index
          %get3A_355 = arith.constant 112 : index
          %get3A_356 = tpu.vector_load %arg12[%get3A_354, %get3A_355] {strides = array<i32>} : memref<80x128xf32, #tpu.memory_space<vmem>>, vector<16xf32>,
          %mul3A_357 = arith.mulf %get3A_353, %get3A_356 : vector<16xf32>
          %add3A_358 = arith.addf %add3A_350, %mul3A_357 : vector<16xf32>
          %swap3A_359 = arith.constant 48 : index
          %swap3A_360 = tpu.vector_load %arg13[%swap3A_359] {strides = array<i32>} : memref<256xf32, #tpu.memory_space<vmem>>, vector<16xf32>,
          tpu.vector_store %arg13[%swap3A_359], %add3A_358 {strides = array<i32>} : memref<256xf32, #tpu.memory_space<vmem>>, vector<16xf32>,
          %mul3A_361 = arith.constant 16 : i32
          %mul3A_362 = arith.muli %add3A_86, %mul3A_361 : i32
          %add3A_363 = arith.constant 4 : i32
          %add3A_364 = arith.addi %mul3A_362, %add3A_363 : i32
          %get3A_365 = arith.index_cast %add3A_364 : i32 to index
          %get3A_366 = arith.constant 0 : index
          %get3A_367 = tpu.vector_load %arg11[%get3A_365, %get3A_366] {strides = array<i32>} : memref<80x128xf32, #tpu.memory_space<vmem>>, vector<16xf32>,
          %get3A_368 = arith.index_cast %add3A_364 : i32 to index
          %get3A_369 = arith.constant 0 : index
          %get3A_370 = tpu.vector_load %arg12[%get3A_368, %get3A_369] {strides = array<i32>} : memref<80x128xf32, #tpu.memory_space<vmem>>, vector<16xf32>,
          %mul3A_371 = arith.mulf %get3A_367, %get3A_370 : vector<16xf32>
          %get3A_372 = arith.index_cast %add3A_364 : i32 to index
          %get3A_373 = arith.constant 16 : index
          %get3A_374 = tpu.vector_load %arg11[%get3A_372, %get3A_373] {strides = array<i32>} : memref<80x128xf32, #tpu.memory_space<vmem>>, vector<16xf32>,
          %get3A_375 = arith.index_cast %add3A_364 : i32 to index
          %get3A_376 = arith.constant 16 : index
          %get3A_377 = tpu.vector_load %arg12[%get3A_375, %get3A_376] {strides = array<i32>} : memref<80x128xf32, #tpu.memory_space<vmem>>, vector<16xf32>,
          %mul3A_378 = arith.mulf %get3A_374, %get3A_377 : vector<16xf32>
          %add3A_379 = arith.addf %mul3A_371, %mul3A_378 : vector<16xf32>
          %get3A_380 = arith.index_cast %add3A_364 : i32 to index
          %get3A_381 = arith.constant 32 : index
          %get3A_382 = tpu.vector_load %arg11[%get3A_380, %get3A_381] {strides = array<i32>} : memref<80x128xf32, #tpu.memory_space<vmem>>, vector<16xf32>,
          %get3A_383 = arith.index_cast %add3A_364 : i32 to index
          %get3A_384 = arith.constant 32 : index
          %get3A_385 = tpu.vector_load %arg12[%get3A_383, %get3A_384] {strides = array<i32>} : memref<80x128xf32, #tpu.memory_space<vmem>>, vector<16xf32>,
          %mul3A_386 = arith.mulf %get3A_382, %get3A_385 : vector<16xf32>
          %add3A_387 = arith.addf %add3A_379, %mul3A_386 : vector<16xf32>
          %get3A_388 = arith.index_cast %add3A_364 : i32 to index
          %get3A_389 = arith.constant 48 : index
          %get3A_390 = tpu.vector_load %arg11[%get3A_388, %get3A_389] {strides = array<i32>} : memref<80x128xf32, #tpu.memory_space<vmem>>, vector<16xf32>,
          %get3A_391 = arith.index_cast %add3A_364 : i32 to index
          %get3A_392 = arith.constant 48 : index
          %get3A_393 = tpu.vector_load %arg12[%get3A_391, %get3A_392] {strides = array<i32>} : memref<80x128xf32, #tpu.memory_space<vmem>>, vector<16xf32>,
          %mul3A_394 = arith.mulf %get3A_390, %get3A_393 : vector<16xf32>
          %add3A_395 = arith.addf %add3A_387, %mul3A_394 : vector<16xf32>
          %get3A_396 = arith.index_cast %add3A_364 : i32 to index
          %get3A_397 = arith.constant 64 : index
          %get3A_398 = tpu.vector_load %arg11[%get3A_396, %get3A_397] {strides = array<i32>} : memref<80x128xf32, #tpu.memory_space<vmem>>, vector<16xf32>,
          %get3A_399 = arith.index_cast %add3A_364 : i32 to index
          %get3A_400 = arith.constant 64 : index
          %get3A_401 = tpu.vector_load %arg12[%get3A_399, %get3A_400] {strides = array<i32>} : memref<80x128xf32, #tpu.memory_space<vmem>>, vector<16xf32>,
          %mul3A_402 = arith.mulf %get3A_398, %get3A_401 : vector<16xf32>
          %add3A_403 = arith.addf %add3A_395, %mul3A_402 : vector<16xf32>
          %get3A_404 = arith.index_cast %add3A_364 : i32 to index
          %get3A_405 = arith.constant 80 : index
          %get3A_406 = tpu.vector_load %arg11[%get3A_404, %get3A_405] {strides = array<i32>} : memref<80x128xf32, #tpu.memory_space<vmem>>, vector<16xf32>,
          %get3A_407 = arith.index_cast %add3A_364 : i32 to index
          %get3A_408 = arith.constant 80 : index
          %get3A_409 = tpu.vector_load %arg12[%get3A_407, %get3A_408] {strides = array<i32>} : memref<80x128xf32, #tpu.memory_space<vmem>>, vector<16xf32>,
          %mul3A_410 = arith.mulf %get3A_406, %get3A_409 : vector<16xf32>
          %add3A_411 = arith.addf %add3A_403, %mul3A_410 : vector<16xf32>
          %get3A_412 = arith.index_cast %add3A_364 : i32 to index
          %get3A_413 = arith.constant 96 : index
          %get3A_414 = tpu.vector_load %arg11[%get3A_412, %get3A_413] {strides = array<i32>} : memref<80x128xf32, #tpu.memory_space<vmem>>, vector<16xf32>,
          %get3A_415 = arith.index_cast %add3A_364 : i32 to index
          %get3A_416 = arith.constant 96 : index
          %get3A_417 = tpu.vector_load %arg12[%get3A_415, %get3A_416] {strides = array<i32>} : memref<80x128xf32, #tpu.memory_space<vmem>>, vector<16xf32>,
          %mul3A_418 = arith.mulf %get3A_414, %get3A_417 : vector<16xf32>
          %add3A_419 = arith.addf %add3A_411, %mul3A_418 : vector<16xf32>
          %get3A_420 = arith.index_cast %add3A_364 : i32 to index
          %get3A_421 = arith.constant 112 : index
          %get3A_422 = tpu.vector_load %arg11[%get3A_420, %get3A_421] {strides = array<i32>} : memref<80x128xf32, #tpu.memory_space<vmem>>, vector<16xf32>,
          %get3A_423 = arith.index_cast %add3A_364 : i32 to index
          %get3A_424 = arith.constant 112 : index
          %get3A_425 = tpu.vector_load %arg12[%get3A_423, %get3A_424] {strides = array<i32>} : memref<80x128xf32, #tpu.memory_space<vmem>>, vector<16xf32>,
          %mul3A_426 = arith.mulf %get3A_422, %get3A_425 : vector<16xf32>
          %add3A_427 = arith.addf %add3A_419, %mul3A_426 : vector<16xf32>
          %swap3A_428 = arith.constant 64 : index
          %swap3A_429 = tpu.vector_load %arg13[%swap3A_428] {strides = array<i32>} : memref<256xf32, #tpu.memory_space<vmem>>, vector<16xf32>,
          tpu.vector_store %arg13[%swap3A_428], %add3A_427 {strides = array<i32>} : memref<256xf32, #tpu.memory_space<vmem>>, vector<16xf32>,
          %mul3A_430 = arith.constant 16 : i32
          %mul3A_431 = arith.muli %add3A_86, %mul3A_430 : i32
          %add3A_432 = arith.constant 5 : i32
          %add3A_433 = arith.addi %mul3A_431, %add3A_432 : i32
          %get3A_434 = arith.index_cast %add3A_433 : i32 to index
          %get3A_435 = arith.constant 0 : index
          %get3A_436 = tpu.vector_load %arg11[%get3A_434, %get3A_435] {strides = array<i32>} : memref<80x128xf32, #tpu.memory_space<vmem>>, vector<16xf32>,
          %get3A_437 = arith.index_cast %add3A_433 : i32 to index
          %get3A_438 = arith.constant 0 : index
          %get3A_439 = tpu.vector_load %arg12[%get3A_437, %get3A_438] {strides = array<i32>} : memref<80x128xf32, #tpu.memory_space<vmem>>, vector<16xf32>,
          %mul3A_440 = arith.mulf %get3A_436, %get3A_439 : vector<16xf32>
          %get3A_441 = arith.index_cast %add3A_433 : i32 to index
          %get3A_442 = arith.constant 16 : index
          %get3A_443 = tpu.vector_load %arg11[%get3A_441, %get3A_442] {strides = array<i32>} : memref<80x128xf32, #tpu.memory_space<vmem>>, vector<16xf32>,
          %get3A_444 = arith.index_cast %add3A_433 : i32 to index
          %get3A_445 = arith.constant 16 : index
          %get3A_446 = tpu.vector_load %arg12[%get3A_444, %get3A_445] {strides = array<i32>} : memref<80x128xf32, #tpu.memory_space<vmem>>, vector<16xf32>,
          %mul3A_447 = arith.mulf %get3A_443, %get3A_446 : vector<16xf32>
          %add3A_448 = arith.addf %mul3A_440, %mul3A_447 : vector<16xf32>
          %get3A_449 = arith.index_cast %add3A_433 : i32 to index
          %get3A_450 = arith.constant 32 : index
          %get3A_451 = tpu.vector_load %arg11[%get3A_449, %get3A_450] {strides = array<i32>} : memref<80x128xf32, #tpu.memory_space<vmem>>, vector<16xf32>,
          %get3A_452 = arith.index_cast %add3A_433 : i32 to index
          %get3A_453 = arith.constant 32 : index
          %get3A_454 = tpu.vector_load %arg12[%get3A_452, %get3A_453] {strides = array<i32>} : memref<80x128xf32, #tpu.memory_space<vmem>>, vector<16xf32>,
          %mul3A_455 = arith.mulf %get3A_451, %get3A_454 : vector<16xf32>
          %add3A_456 = arith.addf %add3A_448, %mul3A_455 : vector<16xf32>
          %get3A_457 = arith.index_cast %add3A_433 : i32 to index
          %get3A_458 = arith.constant 48 : index
          %get3A_459 = tpu.vector_load %arg11[%get3A_457, %get3A_458] {strides = array<i32>} : memref<80x128xf32, #tpu.memory_space<vmem>>, vector<16xf32>,
          %get3A_460 = arith.index_cast %add3A_433 : i32 to index
          %get3A_461 = arith.constant 48 : index
          %get3A_462 = tpu.vector_load %arg12[%get3A_460, %get3A_461] {strides = array<i32>} : memref<80x128xf32, #tpu.memory_space<vmem>>, vector<16xf32>,
          %mul3A_463 = arith.mulf %get3A_459, %get3A_462 : vector<16xf32>
          %add3A_464 = arith.addf %add3A_456, %mul3A_463 : vector<16xf32>
          %get3A_465 = arith.index_cast %add3A_433 : i32 to index
          %get3A_466 = arith.constant 64 : index
          %get3A_467 = tpu.vector_load %arg11[%get3A_465, %get3A_466] {strides = array<i32>} : memref<80x128xf32, #tpu.memory_space<vmem>>, vector<16xf32>,
          %get3A_468 = arith.index_cast %add3A_433 : i32 to index
          %get3A_469 = arith.constant 64 : index
          %get3A_470 = tpu.vector_load %arg12[%get3A_468, %get3A_469] {strides = array<i32>} : memref<80x128xf32, #tpu.memory_space<vmem>>, vector<16xf32>,
          %mul3A_471 = arith.mulf %get3A_467, %get3A_470 : vector<16xf32>
          %add3A_472 = arith.addf %add3A_464, %mul3A_471 : vector<16xf32>
          %get3A_473 = arith.index_cast %add3A_433 : i32 to index
          %get3A_474 = arith.constant 80 : index
          %get3A_475 = tpu.vector_load %arg11[%get3A_473, %get3A_474] {strides = array<i32>} : memref<80x128xf32, #tpu.memory_space<vmem>>, vector<16xf32>,
          %get3A_476 = arith.index_cast %add3A_433 : i32 to index
          %get3A_477 = arith.constant 80 : index
          %get3A_478 = tpu.vector_load %arg12[%get3A_476, %get3A_477] {strides = array<i32>} : memref<80x128xf32, #tpu.memory_space<vmem>>, vector<16xf32>,
          %mul3A_479 = arith.mulf %get3A_475, %get3A_478 : vector<16xf32>
          %add3A_480 = arith.addf %add3A_472, %mul3A_479 : vector<16xf32>
          %get3A_481 = arith.index_cast %add3A_433 : i32 to index
          %get3A_482 = arith.constant 96 : index
          %get3A_483 = tpu.vector_load %arg11[%get3A_481, %get3A_482] {strides = array<i32>} : memref<80x128xf32, #tpu.memory_space<vmem>>, vector<16xf32>,
          %get3A_484 = arith.index_cast %add3A_433 : i32 to index
          %get3A_485 = arith.constant 96 : index
          %get3A_486 = tpu.vector_load %arg12[%get3A_484, %get3A_485] {strides = array<i32>} : memref<80x128xf32, #tpu.memory_space<vmem>>, vector<16xf32>,
          %mul3A_487 = arith.mulf %get3A_483, %get3A_486 : vector<16xf32>
          %add3A_488 = arith.addf %add3A_480, %mul3A_487 : vector<16xf32>
          %get3A_489 = arith.index_cast %add3A_433 : i32 to index
          %get3A_490 = arith.constant 112 : index
          %get3A_491 = tpu.vector_load %arg11[%get3A_489, %get3A_490] {strides = array<i32>} : memref<80x128xf32, #tpu.memory_space<vmem>>, vector<16xf32>,
          %get3A_492 = arith.index_cast %add3A_433 : i32 to index
          %get3A_493 = arith.constant 112 : index
          %get3A_494 = tpu.vector_load %arg12[%get3A_492, %get3A_493] {strides = array<i32>} : memref<80x128xf32, #tpu.memory_space<vmem>>, vector<16xf32>,
          %mul3A_495 = arith.mulf %get3A_491, %get3A_494 : vector<16xf32>
          %add3A_496 = arith.addf %add3A_488, %mul3A_495 : vector<16xf32>
          %swap3A_497 = arith.constant 80 : index
          %swap3A_498 = tpu.vector_load %arg13[%swap3A_497] {strides = array<i32>} : memref<256xf32, #tpu.memory_space<vmem>>, vector<16xf32>,
          tpu.vector_store %arg13[%swap3A_497], %add3A_496 {strides = array<i32>} : memref<256xf32, #tpu.memory_space<vmem>>, vector<16xf32>,
          %mul3A_499 = arith.constant 16 : i32
          %mul3A_500 = arith.muli %add3A_86, %mul3A_499 : i32
          %add3A_501 = arith.constant 6 : i32
          %add3A_502 = arith.addi %mul3A_500, %add3A_501 : i32
          %get3A_503 = arith.index_cast %add3A_502 : i32 to index
          %get3A_504 = arith.constant 0 : index
          %get3A_505 = tpu.vector_load %arg11[%get3A_503, %get3A_504] {strides = array<i32>} : memref<80x128xf32, #tpu.memory_space<vmem>>, vector<16xf32>,
          %get3A_506 = arith.index_cast %add3A_502 : i32 to index
          %get3A_507 = arith.constant 0 : index
          %get3A_508 = tpu.vector_load %arg12[%get3A_506, %get3A_507] {strides = array<i32>} : memref<80x128xf32, #tpu.memory_space<vmem>>, vector<16xf32>,
          %mul3A_509 = arith.mulf %get3A_505, %get3A_508 : vector<16xf32>
          %get3A_510 = arith.index_cast %add3A_502 : i32 to index
          %get3A_511 = arith.constant 16 : index
          %get3A_512 = tpu.vector_load %arg11[%get3A_510, %get3A_511] {strides = array<i32>} : memref<80x128xf32, #tpu.memory_space<vmem>>, vector<16xf32>,
          %get3A_513 = arith.index_cast %add3A_502 : i32 to index
          %get3A_514 = arith.constant 16 : index
          %get3A_515 = tpu.vector_load %arg12[%get3A_513, %get3A_514] {strides = array<i32>} : memref<80x128xf32, #tpu.memory_space<vmem>>, vector<16xf32>,
          %mul3A_516 = arith.mulf %get3A_512, %get3A_515 : vector<16xf32>
          %add3A_517 = arith.addf %mul3A_509, %mul3A_516 : vector<16xf32>
          %get3A_518 = arith.index_cast %add3A_502 : i32 to index
          %get3A_519 = arith.constant 32 : index
          %get3A_520 = tpu.vector_load %arg11[%get3A_518, %get3A_519] {strides = array<i32>} : memref<80x128xf32, #tpu.memory_space<vmem>>, vector<16xf32>,
          %get3A_521 = arith.index_cast %add3A_502 : i32 to index
          %get3A_522 = arith.constant 32 : index
          %get3A_523 = tpu.vector_load %arg12[%get3A_521, %get3A_522] {strides = array<i32>} : memref<80x128xf32, #tpu.memory_space<vmem>>, vector<16xf32>,
          %mul3A_524 = arith.mulf %get3A_520, %get3A_523 : vector<16xf32>
          %add3A_525 = arith.addf %add3A_517, %mul3A_524 : vector<16xf32>
          %get3A_526 = arith.index_cast %add3A_502 : i32 to index
          %get3A_527 = arith.constant 48 : index
          %get3A_528 = tpu.vector_load %arg11[%get3A_526, %get3A_527] {strides = array<i32>} : memref<80x128xf32, #tpu.memory_space<vmem>>, vector<16xf32>,
          %get3A_529 = arith.index_cast %add3A_502 : i32 to index
          %get3A_530 = arith.constant 48 : index
          %get3A_531 = tpu.vector_load %arg12[%get3A_529, %get3A_530] {strides = array<i32>} : memref<80x128xf32, #tpu.memory_space<vmem>>, vector<16xf32>,
          %mul3A_532 = arith.mulf %get3A_528, %get3A_531 : vector<16xf32>
          %add3A_533 = arith.addf %add3A_525, %mul3A_532 : vector<16xf32>
          %get3A_534 = arith.index_cast %add3A_502 : i32 to index
          %get3A_535 = arith.constant 64 : index
          %get3A_536 = tpu.vector_load %arg11[%get3A_534, %get3A_535] {strides = array<i32>} : memref<80x128xf32, #tpu.memory_space<vmem>>, vector<16xf32>,
          %get3A_537 = arith.index_cast %add3A_502 : i32 to index
          %get3A_538 = arith.constant 64 : index
          %get3A_539 = tpu.vector_load %arg12[%get3A_537, %get3A_538] {strides = array<i32>} : memref<80x128xf32, #tpu.memory_space<vmem>>, vector<16xf32>,
          %mul3A_540 = arith.mulf %get3A_536, %get3A_539 : vector<16xf32>
          %add3A_541 = arith.addf %add3A_533, %mul3A_540 : vector<16xf32>
          %get3A_542 = arith.index_cast %add3A_502 : i32 to index
          %get3A_543 = arith.constant 80 : index
          %get3A_544 = tpu.vector_load %arg11[%get3A_542, %get3A_543] {strides = array<i32>} : memref<80x128xf32, #tpu.memory_space<vmem>>, vector<16xf32>,
          %get3A_545 = arith.index_cast %add3A_502 : i32 to index
          %get3A_546 = arith.constant 80 : index
          %get3A_547 = tpu.vector_load %arg12[%get3A_545, %get3A_546] {strides = array<i32>} : memref<80x128xf32, #tpu.memory_space<vmem>>, vector<16xf32>,
          %mul3A_548 = arith.mulf %get3A_544, %get3A_547 : vector<16xf32>
          %add3A_549 = arith.addf %add3A_541, %mul3A_548 : vector<16xf32>
          %get3A_550 = arith.index_cast %add3A_502 : i32 to index
          %get3A_551 = arith.constant 96 : index
          %get3A_552 = tpu.vector_load %arg11[%get3A_550, %get3A_551] {strides = array<i32>} : memref<80x128xf32, #tpu.memory_space<vmem>>, vector<16xf32>,
          %get3A_553 = arith.index_cast %add3A_502 : i32 to index
          %get3A_554 = arith.constant 96 : index
          %get3A_555 = tpu.vector_load %arg12[%get3A_553, %get3A_554] {strides = array<i32>} : memref<80x128xf32, #tpu.memory_space<vmem>>, vector<16xf32>,
          %mul3A_556 = arith.mulf %get3A_552, %get3A_555 : vector<16xf32>
          %add3A_557 = arith.addf %add3A_549, %mul3A_556 : vector<16xf32>
          %get3A_558 = arith.index_cast %add3A_502 : i32 to index
          %get3A_559 = arith.constant 112 : index
          %get3A_560 = tpu.vector_load %arg11[%get3A_558, %get3A_559] {strides = array<i32>} : memref<80x128xf32, #tpu.memory_space<vmem>>, vector<16xf32>,
          %get3A_561 = arith.index_cast %add3A_502 : i32 to index
          %get3A_562 = arith.constant 112 : index
          %get3A_563 = tpu.vector_load %arg12[%get3A_561, %get3A_562] {strides = array<i32>} : memref<80x128xf32, #tpu.memory_space<vmem>>, vector<16xf32>,
          %mul3A_564 = arith.mulf %get3A_560, %get3A_563 : vector<16xf32>
          %add3A_565 = arith.addf %add3A_557, %mul3A_564 : vector<16xf32>
          %swap3A_566 = arith.constant 96 : index
          %swap3A_567 = tpu.vector_load %arg13[%swap3A_566] {strides = array<i32>} : memref<256xf32, #tpu.memory_space<vmem>>, vector<16xf32>,
          tpu.vector_store %arg13[%swap3A_566], %add3A_565 {strides = array<i32>} : memref<256xf32, #tpu.memory_space<vmem>>, vector<16xf32>,
          %mul3A_568 = arith.constant 16 : i32
          %mul3A_569 = arith.muli %add3A_86, %mul3A_568 : i32
          %add3A_570 = arith.constant 7 : i32
          %add3A_571 = arith.addi %mul3A_569, %add3A_570 : i32
          %get3A_572 = arith.index_cast %add3A_571 : i32 to index
          %get3A_573 = arith.constant 0 : index
          %get3A_574 = tpu.vector_load %arg11[%get3A_572, %get3A_573] {strides = array<i32>} : memref<80x128xf32, #tpu.memory_space<vmem>>, vector<16xf32>,
          %get3A_575 = arith.index_cast %add3A_571 : i32 to index
          %get3A_576 = arith.constant 0 : index
          %get3A_577 = tpu.vector_load %arg12[%get3A_575, %get3A_576] {strides = array<i32>} : memref<80x128xf32, #tpu.memory_space<vmem>>, vector<16xf32>,
          %mul3A_578 = arith.mulf %get3A_574, %get3A_577 : vector<16xf32>
          %get3A_579 = arith.index_cast %add3A_571 : i32 to index
          %get3A_580 = arith.constant 16 : index
          %get3A_581 = tpu.vector_load %arg11[%get3A_579, %get3A_580] {strides = array<i32>} : memref<80x128xf32, #tpu.memory_space<vmem>>, vector<16xf32>,
          %get3A_582 = arith.index_cast %add3A_571 : i32 to index
          %get3A_583 = arith.constant 16 : index
          %get3A_584 = tpu.vector_load %arg12[%get3A_582, %get3A_583] {strides = array<i32>} : memref<80x128xf32, #tpu.memory_space<vmem>>, vector<16xf32>,
          %mul3A_585 = arith.mulf %get3A_581, %get3A_584 : vector<16xf32>
          %add3A_586 = arith.addf %mul3A_578, %mul3A_585 : vector<16xf32>
          %get3A_587 = arith.index_cast %add3A_571 : i32 to index
          %get3A_588 = arith.constant 32 : index
          %get3A_589 = tpu.vector_load %arg11[%get3A_587, %get3A_588] {strides = array<i32>} : memref<80x128xf32, #tpu.memory_space<vmem>>, vector<16xf32>,
          %get3A_590 = arith.index_cast %add3A_571 : i32 to index
          %get3A_591 = arith.constant 32 : index
          %get3A_592 = tpu.vector_load %arg12[%get3A_590, %get3A_591] {strides = array<i32>} : memref<80x128xf32, #tpu.memory_space<vmem>>, vector<16xf32>,
          %mul3A_593 = arith.mulf %get3A_589, %get3A_592 : vector<16xf32>
          %add3A_594 = arith.addf %add3A_586, %mul3A_593 : vector<16xf32>
          %get3A_595 = arith.index_cast %add3A_571 : i32 to index
          %get3A_596 = arith.constant 48 : index
          %get3A_597 = tpu.vector_load %arg11[%get3A_595, %get3A_596] {strides = array<i32>} : memref<80x128xf32, #tpu.memory_space<vmem>>, vector<16xf32>,
          %get3A_598 = arith.index_cast %add3A_571 : i32 to index
          %get3A_599 = arith.constant 48 : index
          %get3A_600 = tpu.vector_load %arg12[%get3A_598, %get3A_599] {strides = array<i32>} : memref<80x128xf32, #tpu.memory_space<vmem>>, vector<16xf32>,
          %mul3A_601 = arith.mulf %get3A_597, %get3A_600 : vector<16xf32>
          %add3A_602 = arith.addf %add3A_594, %mul3A_601 : vector<16xf32>
          %get3A_603 = arith.index_cast %add3A_571 : i32 to index
          %get3A_604 = arith.constant 64 : index
          %get3A_605 = tpu.vector_load %arg11[%get3A_603, %get3A_604] {strides = array<i32>} : memref<80x128xf32, #tpu.memory_space<vmem>>, vector<16xf32>,
          %get3A_606 = arith.index_cast %add3A_571 : i32 to index
          %get3A_607 = arith.constant 64 : index
          %get3A_608 = tpu.vector_load %arg12[%get3A_606, %get3A_607] {strides = array<i32>} : memref<80x128xf32, #tpu.memory_space<vmem>>, vector<16xf32>,
          %mul3A_609 = arith.mulf %get3A_605, %get3A_608 : vector<16xf32>
          %add3A_610 = arith.addf %add3A_602, %mul3A_609 : vector<16xf32>
          %get3A_611 = arith.index_cast %add3A_571 : i32 to index
          %get3A_612 = arith.constant 80 : index
          %get3A_613 = tpu.vector_load %arg11[%get3A_611, %get3A_612] {strides = array<i32>} : memref<80x128xf32, #tpu.memory_space<vmem>>, vector<16xf32>,
          %get3A_614 = arith.index_cast %add3A_571 : i32 to index
          %get3A_615 = arith.constant 80 : index
          %get3A_616 = tpu.vector_load %arg12[%get3A_614, %get3A_615] {strides = array<i32>} : memref<80x128xf32, #tpu.memory_space<vmem>>, vector<16xf32>,
          %mul3A_617 = arith.mulf %get3A_613, %get3A_616 : vector<16xf32>
          %add3A_618 = arith.addf %add3A_610, %mul3A_617 : vector<16xf32>
          %get3A_619 = arith.index_cast %add3A_571 : i32 to index
          %get3A_620 = arith.constant 96 : index
          %get3A_621 = tpu.vector_load %arg11[%get3A_619, %get3A_620] {strides = array<i32>} : memref<80x128xf32, #tpu.memory_space<vmem>>, vector<16xf32>,
          %get3A_622 = arith.index_cast %add3A_571 : i32 to index
          %get3A_623 = arith.constant 96 : index
          %get3A_624 = tpu.vector_load %arg12[%get3A_622, %get3A_623] {strides = array<i32>} : memref<80x128xf32, #tpu.memory_space<vmem>>, vector<16xf32>,
          %mul3A_625 = arith.mulf %get3A_621, %get3A_624 : vector<16xf32>
          %add3A_626 = arith.addf %add3A_618, %mul3A_625 : vector<16xf32>
          %get3A_627 = arith.index_cast %add3A_571 : i32 to index
          %get3A_628 = arith.constant 112 : index
          %get3A_629 = tpu.vector_load %arg11[%get3A_627, %get3A_628] {strides = array<i32>} : memref<80x128xf32, #tpu.memory_space<vmem>>, vector<16xf32>,
          %get3A_630 = arith.index_cast %add3A_571 : i32 to index
          %get3A_631 = arith.constant 112 : index
          %get3A_632 = tpu.vector_load %arg12[%get3A_630, %get3A_631] {strides = array<i32>} : memref<80x128xf32, #tpu.memory_space<vmem>>, vector<16xf32>,
          %mul3A_633 = arith.mulf %get3A_629, %get3A_632 : vector<16xf32>
          %add3A_634 = arith.addf %add3A_626, %mul3A_633 : vector<16xf32>
          %swap3A_635 = arith.constant 112 : index
          %swap3A_636 = tpu.vector_load %arg13[%swap3A_635] {strides = array<i32>} : memref<256xf32, #tpu.memory_space<vmem>>, vector<16xf32>,
          tpu.vector_store %arg13[%swap3A_635], %add3A_634 {strides = array<i32>} : memref<256xf32, #tpu.memory_space<vmem>>, vector<16xf32>,
          %mul3A_637 = arith.constant 16 : i32
          %mul3A_638 = arith.muli %add3A_86, %mul3A_637 : i32
          %add3A_639 = arith.constant 8 : i32
          %add3A_640 = arith.addi %mul3A_638, %add3A_639 : i32
          %get3A_641 = arith.index_cast %add3A_640 : i32 to index
          %get3A_642 = arith.constant 0 : index
          %get3A_643 = tpu.vector_load %arg11[%get3A_641, %get3A_642] {strides = array<i32>} : memref<80x128xf32, #tpu.memory_space<vmem>>, vector<16xf32>,
          %get3A_644 = arith.index_cast %add3A_640 : i32 to index
          %get3A_645 = arith.constant 0 : index
          %get3A_646 = tpu.vector_load %arg12[%get3A_644, %get3A_645] {strides = array<i32>} : memref<80x128xf32, #tpu.memory_space<vmem>>, vector<16xf32>,
          %mul3A_647 = arith.mulf %get3A_643, %get3A_646 : vector<16xf32>
          %get3A_648 = arith.index_cast %add3A_640 : i32 to index
          %get3A_649 = arith.constant 16 : index
          %get3A_650 = tpu.vector_load %arg11[%get3A_648, %get3A_649] {strides = array<i32>} : memref<80x128xf32, #tpu.memory_space<vmem>>, vector<16xf32>,
          %get3A_651 = arith.index_cast %add3A_640 : i32 to index
          %get3A_652 = arith.constant 16 : index
          %get3A_653 = tpu.vector_load %arg12[%get3A_651, %get3A_652] {strides = array<i32>} : memref<80x128xf32, #tpu.memory_space<vmem>>, vector<16xf32>,
          %mul3A_654 = arith.mulf %get3A_650, %get3A_653 : vector<16xf32>
          %add3A_655 = arith.addf %mul3A_647, %mul3A_654 : vector<16xf32>
          %get3A_656 = arith.index_cast %add3A_640 : i32 to index
          %get3A_657 = arith.constant 32 : index
          %get3A_658 = tpu.vector_load %arg11[%get3A_656, %get3A_657] {strides = array<i32>} : memref<80x128xf32, #tpu.memory_space<vmem>>, vector<16xf32>,
          %get3A_659 = arith.index_cast %add3A_640 : i32 to index
          %get3A_660 = arith.constant 32 : index
          %get3A_661 = tpu.vector_load %arg12[%get3A_659, %get3A_660] {strides = array<i32>} : memref<80x128xf32, #tpu.memory_space<vmem>>, vector<16xf32>,
          %mul3A_662 = arith.mulf %get3A_658, %get3A_661 : vector<16xf32>
          %add3A_663 = arith.addf %add3A_655, %mul3A_662 : vector<16xf32>
          %get3A_664 = arith.index_cast %add3A_640 : i32 to index
          %get3A_665 = arith.constant 48 : index
          %get3A_666 = tpu.vector_load %arg11[%get3A_664, %get3A_665] {strides = array<i32>} : memref<80x128xf32, #tpu.memory_space<vmem>>, vector<16xf32>,
          %get3A_667 = arith.index_cast %add3A_640 : i32 to index
          %get3A_668 = arith.constant 48 : index
          %get3A_669 = tpu.vector_load %arg12[%get3A_667, %get3A_668] {strides = array<i32>} : memref<80x128xf32, #tpu.memory_space<vmem>>, vector<16xf32>,
          %mul3A_670 = arith.mulf %get3A_666, %get3A_669 : vector<16xf32>
          %add3A_671 = arith.addf %add3A_663, %mul3A_670 : vector<16xf32>
          %get3A_672 = arith.index_cast %add3A_640 : i32 to index
          %get3A_673 = arith.constant 64 : index
          %get3A_674 = tpu.vector_load %arg11[%get3A_672, %get3A_673] {strides = array<i32>} : memref<80x128xf32, #tpu.memory_space<vmem>>, vector<16xf32>,
          %get3A_675 = arith.index_cast %add3A_640 : i32 to index
          %get3A_676 = arith.constant 64 : index
          %get3A_677 = tpu.vector_load %arg12[%get3A_675, %get3A_676] {strides = array<i32>} : memref<80x128xf32, #tpu.memory_space<vmem>>, vector<16xf32>,
          %mul3A_678 = arith.mulf %get3A_674, %get3A_677 : vector<16xf32>
          %add3A_679 = arith.addf %add3A_671, %mul3A_678 : vector<16xf32>
          %get3A_680 = arith.index_cast %add3A_640 : i32 to index
          %get3A_681 = arith.constant 80 : index
          %get3A_682 = tpu.vector_load %arg11[%get3A_680, %get3A_681] {strides = array<i32>} : memref<80x128xf32, #tpu.memory_space<vmem>>, vector<16xf32>,
          %get3A_683 = arith.index_cast %add3A_640 : i32 to index
          %get3A_684 = arith.constant 80 : index
          %get3A_685 = tpu.vector_load %arg12[%get3A_683, %get3A_684] {strides = array<i32>} : memref<80x128xf32, #tpu.memory_space<vmem>>, vector<16xf32>,
          %mul3A_686 = arith.mulf %get3A_682, %get3A_685 : vector<16xf32>
          %add3A_687 = arith.addf %add3A_679, %mul3A_686 : vector<16xf32>
          %get3A_688 = arith.index_cast %add3A_640 : i32 to index
          %get3A_689 = arith.constant 96 : index
          %get3A_690 = tpu.vector_load %arg11[%get3A_688, %get3A_689] {strides = array<i32>} : memref<80x128xf32, #tpu.memory_space<vmem>>, vector<16xf32>,
          %get3A_691 = arith.index_cast %add3A_640 : i32 to index
          %get3A_692 = arith.constant 96 : index
          %get3A_693 = tpu.vector_load %arg12[%get3A_691, %get3A_692] {strides = array<i32>} : memref<80x128xf32, #tpu.memory_space<vmem>>, vector<16xf32>,
          %mul3A_694 = arith.mulf %get3A_690, %get3A_693 : vector<16xf32>
          %add3A_695 = arith.addf %add3A_687, %mul3A_694 : vector<16xf32>
          %get3A_696 = arith.index_cast %add3A_640 : i32 to index
          %get3A_697 = arith.constant 112 : index
          %get3A_698 = tpu.vector_load %arg11[%get3A_696, %get3A_697] {strides = array<i32>} : memref<80x128xf32, #tpu.memory_space<vmem>>, vector<16xf32>,
          %get3A_699 = arith.index_cast %add3A_640 : i32 to index
          %get3A_700 = arith.constant 112 : index
          %get3A_701 = tpu.vector_load %arg12[%get3A_699, %get3A_700] {strides = array<i32>} : memref<80x128xf32, #tpu.memory_space<vmem>>, vector<16xf32>,
          %mul3A_702 = arith.mulf %get3A_698, %get3A_701 : vector<16xf32>
          %add3A_703 = arith.addf %add3A_695, %mul3A_702 : vector<16xf32>
          %swap3A_704 = arith.constant 128 : index
          %swap3A_705 = tpu.vector_load %arg13[%swap3A_704] {strides = array<i32>} : memref<256xf32, #tpu.memory_space<vmem>>, vector<16xf32>,
          tpu.vector_store %arg13[%swap3A_704], %add3A_703 {strides = array<i32>} : memref<256xf32, #tpu.memory_space<vmem>>, vector<16xf32>,
          %mul3A_706 = arith.constant 16 : i32
          %mul3A_707 = arith.muli %add3A_86, %mul3A_706 : i32
          %add3A_708 = arith.constant 9 : i32
          %add3A_709 = arith.addi %mul3A_707, %add3A_708 : i32
          %get3A_710 = arith.index_cast %add3A_709 : i32 to index
          %get3A_711 = arith.constant 0 : index
          %get3A_712 = tpu.vector_load %arg11[%get3A_710, %get3A_711] {strides = array<i32>} : memref<80x128xf32, #tpu.memory_space<vmem>>, vector<16xf32>,
          %get3A_713 = arith.index_cast %add3A_709 : i32 to index
          %get3A_714 = arith.constant 0 : index
          %get3A_715 = tpu.vector_load %arg12[%get3A_713, %get3A_714] {strides = array<i32>} : memref<80x128xf32, #tpu.memory_space<vmem>>, vector<16xf32>,
          %mul3A_716 = arith.mulf %get3A_712, %get3A_715 : vector<16xf32>
          %get3A_717 = arith.index_cast %add3A_709 : i32 to index
          %get3A_718 = arith.constant 16 : index
          %get3A_719 = tpu.vector_load %arg11[%get3A_717, %get3A_718] {strides = array<i32>} : memref<80x128xf32, #tpu.memory_space<vmem>>, vector<16xf32>,
          %get3A_720 = arith.index_cast %add3A_709 : i32 to index
          %get3A_721 = arith.constant 16 : index
          %get3A_722 = tpu.vector_load %arg12[%get3A_720, %get3A_721] {strides = array<i32>} : memref<80x128xf32, #tpu.memory_space<vmem>>, vector<16xf32>,
          %mul3A_723 = arith.mulf %get3A_719, %get3A_722 : vector<16xf32>
          %add3A_724 = arith.addf %mul3A_716, %mul3A_723 : vector<16xf32>
          %get3A_725 = arith.index_cast %add3A_709 : i32 to index
          %get3A_726 = arith.constant 32 : index
          %get3A_727 = tpu.vector_load %arg11[%get3A_725, %get3A_726] {strides = array<i32>} : memref<80x128xf32, #tpu.memory_space<vmem>>, vector<16xf32>,
          %get3A_728 = arith.index_cast %add3A_709 : i32 to index
          %get3A_729 = arith.constant 32 : index
          %get3A_730 = tpu.vector_load %arg12[%get3A_728, %get3A_729] {strides = array<i32>} : memref<80x128xf32, #tpu.memory_space<vmem>>, vector<16xf32>,
          %mul3A_731 = arith.mulf %get3A_727, %get3A_730 : vector<16xf32>
          %add3A_732 = arith.addf %add3A_724, %mul3A_731 : vector<16xf32>
          %get3A_733 = arith.index_cast %add3A_709 : i32 to index
          %get3A_734 = arith.constant 48 : index
          %get3A_735 = tpu.vector_load %arg11[%get3A_733, %get3A_734] {strides = array<i32>} : memref<80x128xf32, #tpu.memory_space<vmem>>, vector<16xf32>,
          %get3A_736 = arith.index_cast %add3A_709 : i32 to index
          %get3A_737 = arith.constant 48 : index
          %get3A_738 = tpu.vector_load %arg12[%get3A_736, %get3A_737] {strides = array<i32>} : memref<80x128xf32, #tpu.memory_space<vmem>>, vector<16xf32>,
          %mul3A_739 = arith.mulf %get3A_735, %get3A_738 : vector<16xf32>
          %add3A_740 = arith.addf %add3A_732, %mul3A_739 : vector<16xf32>
          %get3A_741 = arith.index_cast %add3A_709 : i32 to index
          %get3A_742 = arith.constant 64 : index
          %get3A_743 = tpu.vector_load %arg11[%get3A_741, %get3A_742] {strides = array<i32>} : memref<80x128xf32, #tpu.memory_space<vmem>>, vector<16xf32>,
          %get3A_744 = arith.index_cast %add3A_709 : i32 to index
          %get3A_745 = arith.constant 64 : index
          %get3A_746 = tpu.vector_load %arg12[%get3A_744, %get3A_745] {strides = array<i32>} : memref<80x128xf32, #tpu.memory_space<vmem>>, vector<16xf32>,
          %mul3A_747 = arith.mulf %get3A_743, %get3A_746 : vector<16xf32>
          %add3A_748 = arith.addf %add3A_740, %mul3A_747 : vector<16xf32>
          %get3A_749 = arith.index_cast %add3A_709 : i32 to index
          %get3A_750 = arith.constant 80 : index
          %get3A_751 = tpu.vector_load %arg11[%get3A_749, %get3A_750] {strides = array<i32>} : memref<80x128xf32, #tpu.memory_space<vmem>>, vector<16xf32>,
          %get3A_752 = arith.index_cast %add3A_709 : i32 to index
          %get3A_753 = arith.constant 80 : index
          %get3A_754 = tpu.vector_load %arg12[%get3A_752, %get3A_753] {strides = array<i32>} : memref<80x128xf32, #tpu.memory_space<vmem>>, vector<16xf32>,
          %mul3A_755 = arith.mulf %get3A_751, %get3A_754 : vector<16xf32>
          %add3A_756 = arith.addf %add3A_748, %mul3A_755 : vector<16xf32>
          %get3A_757 = arith.index_cast %add3A_709 : i32 to index
          %get3A_758 = arith.constant 96 : index
          %get3A_759 = tpu.vector_load %arg11[%get3A_757, %get3A_758] {strides = array<i32>} : memref<80x128xf32, #tpu.memory_space<vmem>>, vector<16xf32>,
          %get3A_760 = arith.index_cast %add3A_709 : i32 to index
          %get3A_761 = arith.constant 96 : index
          %get3A_762 = tpu.vector_load %arg12[%get3A_760, %get3A_761] {strides = array<i32>} : memref<80x128xf32, #tpu.memory_space<vmem>>, vector<16xf32>,
          %mul3A_763 = arith.mulf %get3A_759, %get3A_762 : vector<16xf32>
          %add3A_764 = arith.addf %add3A_756, %mul3A_763 : vector<16xf32>
          %get3A_765 = arith.index_cast %add3A_709 : i32 to index
          %get3A_766 = arith.constant 112 : index
          %get3A_767 = tpu.vector_load %arg11[%get3A_765, %get3A_766] {strides = array<i32>} : memref<80x128xf32, #tpu.memory_space<vmem>>, vector<16xf32>,
          %get3A_768 = arith.index_cast %add3A_709 : i32 to index
          %get3A_769 = arith.constant 112 : index
          %get3A_770 = tpu.vector_load %arg12[%get3A_768, %get3A_769] {strides = array<i32>} : memref<80x128xf32, #tpu.memory_space<vmem>>, vector<16xf32>,
          %mul3A_771 = arith.mulf %get3A_767, %get3A_770 : vector<16xf32>
          %add3A_772 = arith.addf %add3A_764, %mul3A_771 : vector<16xf32>
          %swap3A_773 = arith.constant 144 : index
          %swap3A_774 = tpu.vector_load %arg13[%swap3A_773] {strides = array<i32>} : memref<256xf32, #tpu.memory_space<vmem>>, vector<16xf32>,
          tpu.vector_store %arg13[%swap3A_773], %add3A_772 {strides = array<i32>} : memref<256xf32, #tpu.memory_space<vmem>>, vector<16xf32>,
          %mul3A_775 = arith.constant 16 : i32
          %mul3A_776 = arith.muli %add3A_86, %mul3A_775 : i32
          %add3A_777 = arith.constant 10 : i32
          %add3A_778 = arith.addi %mul3A_776, %add3A_777 : i32
          %get3A_779 = arith.index_cast %add3A_778 : i32 to index
          %get3A_780 = arith.constant 0 : index
          %get3A_781 = tpu.vector_load %arg11[%get3A_779, %get3A_780] {strides = array<i32>} : memref<80x128xf32, #tpu.memory_space<vmem>>, vector<16xf32>,
          %get3A_782 = arith.index_cast %add3A_778 : i32 to index
          %get3A_783 = arith.constant 0 : index
          %get3A_784 = tpu.vector_load %arg12[%get3A_782, %get3A_783] {strides = array<i32>} : memref<80x128xf32, #tpu.memory_space<vmem>>, vector<16xf32>,
          %mul3A_785 = arith.mulf %get3A_781, %get3A_784 : vector<16xf32>
          %get3A_786 = arith.index_cast %add3A_778 : i32 to index
          %get3A_787 = arith.constant 16 : index
          %get3A_788 = tpu.vector_load %arg11[%get3A_786, %get3A_787] {strides = array<i32>} : memref<80x128xf32, #tpu.memory_space<vmem>>, vector<16xf32>,
          %get3A_789 = arith.index_cast %add3A_778 : i32 to index
          %get3A_790 = arith.constant 16 : index
          %get3A_791 = tpu.vector_load %arg12[%get3A_789, %get3A_790] {strides = array<i32>} : memref<80x128xf32, #tpu.memory_space<vmem>>, vector<16xf32>,
          %mul3A_792 = arith.mulf %get3A_788, %get3A_791 : vector<16xf32>
          %add3A_793 = arith.addf %mul3A_785, %mul3A_792 : vector<16xf32>
          %get3A_794 = arith.index_cast %add3A_778 : i32 to index
          %get3A_795 = arith.constant 32 : index
          %get3A_796 = tpu.vector_load %arg11[%get3A_794, %get3A_795] {strides = array<i32>} : memref<80x128xf32, #tpu.memory_space<vmem>>, vector<16xf32>,
          %get3A_797 = arith.index_cast %add3A_778 : i32 to index
          %get3A_798 = arith.constant 32 : index
          %get3A_799 = tpu.vector_load %arg12[%get3A_797, %get3A_798] {strides = array<i32>} : memref<80x128xf32, #tpu.memory_space<vmem>>, vector<16xf32>,
          %mul3A_800 = arith.mulf %get3A_796, %get3A_799 : vector<16xf32>
          %add3A_801 = arith.addf %add3A_793, %mul3A_800 : vector<16xf32>
          %get3A_802 = arith.index_cast %add3A_778 : i32 to index
          %get3A_803 = arith.constant 48 : index
          %get3A_804 = tpu.vector_load %arg11[%get3A_802, %get3A_803] {strides = array<i32>} : memref<80x128xf32, #tpu.memory_space<vmem>>, vector<16xf32>,
          %get3A_805 = arith.index_cast %add3A_778 : i32 to index
          %get3A_806 = arith.constant 48 : index
          %get3A_807 = tpu.vector_load %arg12[%get3A_805, %get3A_806] {strides = array<i32>} : memref<80x128xf32, #tpu.memory_space<vmem>>, vector<16xf32>,
          %mul3A_808 = arith.mulf %get3A_804, %get3A_807 : vector<16xf32>
          %add3A_809 = arith.addf %add3A_801, %mul3A_808 : vector<16xf32>
          %get3A_810 = arith.index_cast %add3A_778 : i32 to index
          %get3A_811 = arith.constant 64 : index
          %get3A_812 = tpu.vector_load %arg11[%get3A_810, %get3A_811] {strides = array<i32>} : memref<80x128xf32, #tpu.memory_space<vmem>>, vector<16xf32>,
          %get3A_813 = arith.index_cast %add3A_778 : i32 to index
          %get3A_814 = arith.constant 64 : index
          %get3A_815 = tpu.vector_load %arg12[%get3A_813, %get3A_814] {strides = array<i32>} : memref<80x128xf32, #tpu.memory_space<vmem>>, vector<16xf32>,
          %mul3A_816 = arith.mulf %get3A_812, %get3A_815 : vector<16xf32>
          %add3A_817 = arith.addf %add3A_809, %mul3A_816 : vector<16xf32>
          %get3A_818 = arith.index_cast %add3A_778 : i32 to index
          %get3A_819 = arith.constant 80 : index
          %get3A_820 = tpu.vector_load %arg11[%get3A_818, %get3A_819] {strides = array<i32>} : memref<80x128xf32, #tpu.memory_space<vmem>>, vector<16xf32>,
          %get3A_821 = arith.index_cast %add3A_778 : i32 to index
          %get3A_822 = arith.constant 80 : index
          %get3A_823 = tpu.vector_load %arg12[%get3A_821, %get3A_822] {strides = array<i32>} : memref<80x128xf32, #tpu.memory_space<vmem>>, vector<16xf32>,
          %mul3A_824 = arith.mulf %get3A_820, %get3A_823 : vector<16xf32>
          %add3A_825 = arith.addf %add3A_817, %mul3A_824 : vector<16xf32>
          %get3A_826 = arith.index_cast %add3A_778 : i32 to index
          %get3A_827 = arith.constant 96 : index
          %get3A_828 = tpu.vector_load %arg11[%get3A_826, %get3A_827] {strides = array<i32>} : memref<80x128xf32, #tpu.memory_space<vmem>>, vector<16xf32>,
          %get3A_829 = arith.index_cast %add3A_778 : i32 to index
          %get3A_830 = arith.constant 96 : index
          %get3A_831 = tpu.vector_load %arg12[%get3A_829, %get3A_830] {strides = array<i32>} : memref<80x128xf32, #tpu.memory_space<vmem>>, vector<16xf32>,
          %mul3A_832 = arith.mulf %get3A_828, %get3A_831 : vector<16xf32>
          %add3A_833 = arith.addf %add3A_825, %mul3A_832 : vector<16xf32>
          %get3A_834 = arith.index_cast %add3A_778 : i32 to index
          %get3A_835 = arith.constant 112 : index
          %get3A_836 = tpu.vector_load %arg11[%get3A_834, %get3A_835] {strides = array<i32>} : memref<80x128xf32, #tpu.memory_space<vmem>>, vector<16xf32>,
          %get3A_837 = arith.index_cast %add3A_778 : i32 to index
          %get3A_838 = arith.constant 112 : index
          %get3A_839 = tpu.vector_load %arg12[%get3A_837, %get3A_838] {strides = array<i32>} : memref<80x128xf32, #tpu.memory_space<vmem>>, vector<16xf32>,
          %mul3A_840 = arith.mulf %get3A_836, %get3A_839 : vector<16xf32>
          %add3A_841 = arith.addf %add3A_833, %mul3A_840 : vector<16xf32>
          %swap3A_842 = arith.constant 160 : index
          %swap3A_843 = tpu.vector_load %arg13[%swap3A_842] {strides = array<i32>} : memref<256xf32, #tpu.memory_space<vmem>>, vector<16xf32>,
          tpu.vector_store %arg13[%swap3A_842], %add3A_841 {strides = array<i32>} : memref<256xf32, #tpu.memory_space<vmem>>, vector<16xf32>,
          %mul3A_844 = arith.constant 16 : i32
          %mul3A_845 = arith.muli %add3A_86, %mul3A_844 : i32
          %add3A_846 = arith.constant 11 : i32
          %add3A_847 = arith.addi %mul3A_845, %add3A_846 : i32
          %get3A_848 = arith.index_cast %add3A_847 : i32 to index
          %get3A_849 = arith.constant 0 : index
          %get3A_850 = tpu.vector_load %arg11[%get3A_848, %get3A_849] {strides = array<i32>} : memref<80x128xf32, #tpu.memory_space<vmem>>, vector<16xf32>,
          %get3A_851 = arith.index_cast %add3A_847 : i32 to index
          %get3A_852 = arith.constant 0 : index
          %get3A_853 = tpu.vector_load %arg12[%get3A_851, %get3A_852] {strides = array<i32>} : memref<80x128xf32, #tpu.memory_space<vmem>>, vector<16xf32>,
          %mul3A_854 = arith.mulf %get3A_850, %get3A_853 : vector<16xf32>
          %get3A_855 = arith.index_cast %add3A_847 : i32 to index
          %get3A_856 = arith.constant 16 : index
          %get3A_857 = tpu.vector_load %arg11[%get3A_855, %get3A_856] {strides = array<i32>} : memref<80x128xf32, #tpu.memory_space<vmem>>, vector<16xf32>,
          %get3A_858 = arith.index_cast %add3A_847 : i32 to index
          %get3A_859 = arith.constant 16 : index
          %get3A_860 = tpu.vector_load %arg12[%get3A_858, %get3A_859] {strides = array<i32>} : memref<80x128xf32, #tpu.memory_space<vmem>>, vector<16xf32>,
          %mul3A_861 = arith.mulf %get3A_857, %get3A_860 : vector<16xf32>
          %add3A_862 = arith.addf %mul3A_854, %mul3A_861 : vector<16xf32>
          %get3A_863 = arith.index_cast %add3A_847 : i32 to index
          %get3A_864 = arith.constant 32 : index
          %get3A_865 = tpu.vector_load %arg11[%get3A_863, %get3A_864] {strides = array<i32>} : memref<80x128xf32, #tpu.memory_space<vmem>>, vector<16xf32>,
          %get3A_866 = arith.index_cast %add3A_847 : i32 to index
          %get3A_867 = arith.constant 32 : index
          %get3A_868 = tpu.vector_load %arg12[%get3A_866, %get3A_867] {strides = array<i32>} : memref<80x128xf32, #tpu.memory_space<vmem>>, vector<16xf32>,
          %mul3A_869 = arith.mulf %get3A_865, %get3A_868 : vector<16xf32>
          %add3A_870 = arith.addf %add3A_862, %mul3A_869 : vector<16xf32>
          %get3A_871 = arith.index_cast %add3A_847 : i32 to index
          %get3A_872 = arith.constant 48 : index
          %get3A_873 = tpu.vector_load %arg11[%get3A_871, %get3A_872] {strides = array<i32>} : memref<80x128xf32, #tpu.memory_space<vmem>>, vector<16xf32>,
          %get3A_874 = arith.index_cast %add3A_847 : i32 to index
          %get3A_875 = arith.constant 48 : index
          %get3A_876 = tpu.vector_load %arg12[%get3A_874, %get3A_875] {strides = array<i32>} : memref<80x128xf32, #tpu.memory_space<vmem>>, vector<16xf32>,
          %mul3A_877 = arith.mulf %get3A_873, %get3A_876 : vector<16xf32>
          %add3A_878 = arith.addf %add3A_870, %mul3A_877 : vector<16xf32>
          %get3A_879 = arith.index_cast %add3A_847 : i32 to index
          %get3A_880 = arith.constant 64 : index
          %get3A_881 = tpu.vector_load %arg11[%get3A_879, %get3A_880] {strides = array<i32>} : memref<80x128xf32, #tpu.memory_space<vmem>>, vector<16xf32>,
          %get3A_882 = arith.index_cast %add3A_847 : i32 to index
          %get3A_883 = arith.constant 64 : index
          %get3A_884 = tpu.vector_load %arg12[%get3A_882, %get3A_883] {strides = array<i32>} : memref<80x128xf32, #tpu.memory_space<vmem>>, vector<16xf32>,
          %mul3A_885 = arith.mulf %get3A_881, %get3A_884 : vector<16xf32>
          %add3A_886 = arith.addf %add3A_878, %mul3A_885 : vector<16xf32>
          %get3A_887 = arith.index_cast %add3A_847 : i32 to index
          %get3A_888 = arith.constant 80 : index
          %get3A_889 = tpu.vector_load %arg11[%get3A_887, %get3A_888] {strides = array<i32>} : memref<80x128xf32, #tpu.memory_space<vmem>>, vector<16xf32>,
          %get3A_890 = arith.index_cast %add3A_847 : i32 to index
          %get3A_891 = arith.constant 80 : index
          %get3A_892 = tpu.vector_load %arg12[%get3A_890, %get3A_891] {strides = array<i32>} : memref<80x128xf32, #tpu.memory_space<vmem>>, vector<16xf32>,
          %mul3A_893 = arith.mulf %get3A_889, %get3A_892 : vector<16xf32>
          %add3A_894 = arith.addf %add3A_886, %mul3A_893 : vector<16xf32>
          %get3A_895 = arith.index_cast %add3A_847 : i32 to index
          %get3A_896 = arith.constant 96 : index
          %get3A_897 = tpu.vector_load %arg11[%get3A_895, %get3A_896] {strides = array<i32>} : memref<80x128xf32, #tpu.memory_space<vmem>>, vector<16xf32>,
          %get3A_898 = arith.index_cast %add3A_847 : i32 to index
          %get3A_899 = arith.constant 96 : index
          %get3A_900 = tpu.vector_load %arg12[%get3A_898, %get3A_899] {strides = array<i32>} : memref<80x128xf32, #tpu.memory_space<vmem>>, vector<16xf32>,
          %mul3A_901 = arith.mulf %get3A_897, %get3A_900 : vector<16xf32>
          %add3A_902 = arith.addf %add3A_894, %mul3A_901 : vector<16xf32>
          %get3A_903 = arith.index_cast %add3A_847 : i32 to index
          %get3A_904 = arith.constant 112 : index
          %get3A_905 = tpu.vector_load %arg11[%get3A_903, %get3A_904] {strides = array<i32>} : memref<80x128xf32, #tpu.memory_space<vmem>>, vector<16xf32>,
          %get3A_906 = arith.index_cast %add3A_847 : i32 to index
          %get3A_907 = arith.constant 112 : index
          %get3A_908 = tpu.vector_load %arg12[%get3A_906, %get3A_907] {strides = array<i32>} : memref<80x128xf32, #tpu.memory_space<vmem>>, vector<16xf32>,
          %mul3A_909 = arith.mulf %get3A_905, %get3A_908 : vector<16xf32>
          %add3A_910 = arith.addf %add3A_902, %mul3A_909 : vector<16xf32>
          %swap3A_911 = arith.constant 176 : index
          %swap3A_912 = tpu.vector_load %arg13[%swap3A_911] {strides = array<i32>} : memref<256xf32, #tpu.memory_space<vmem>>, vector<16xf32>,
          tpu.vector_store %arg13[%swap3A_911], %add3A_910 {strides = array<i32>} : memref<256xf32, #tpu.memory_space<vmem>>, vector<16xf32>,
          %mul3A_913 = arith.constant 16 : i32
          %mul3A_914 = arith.muli %add3A_86, %mul3A_913 : i32
          %add3A_915 = arith.constant 12 : i32
          %add3A_916 = arith.addi %mul3A_914, %add3A_915 : i32
          %get3A_917 = arith.index_cast %add3A_916 : i32 to index
          %get3A_918 = arith.constant 0 : index
          %get3A_919 = tpu.vector_load %arg11[%get3A_917, %get3A_918] {strides = array<i32>} : memref<80x128xf32, #tpu.memory_space<vmem>>, vector<16xf32>,
          %get3A_920 = arith.index_cast %add3A_916 : i32 to index
          %get3A_921 = arith.constant 0 : index
          %get3A_922 = tpu.vector_load %arg12[%get3A_920, %get3A_921] {strides = array<i32>} : memref<80x128xf32, #tpu.memory_space<vmem>>, vector<16xf32>,
          %mul3A_923 = arith.mulf %get3A_919, %get3A_922 : vector<16xf32>
          %get3A_924 = arith.index_cast %add3A_916 : i32 to index
          %get3A_925 = arith.constant 16 : index
          %get3A_926 = tpu.vector_load %arg11[%get3A_924, %get3A_925] {strides = array<i32>} : memref<80x128xf32, #tpu.memory_space<vmem>>, vector<16xf32>,
          %get3A_927 = arith.index_cast %add3A_916 : i32 to index
          %get3A_928 = arith.constant 16 : index
          %get3A_929 = tpu.vector_load %arg12[%get3A_927, %get3A_928] {strides = array<i32>} : memref<80x128xf32, #tpu.memory_space<vmem>>, vector<16xf32>,
          %mul3A_930 = arith.mulf %get3A_926, %get3A_929 : vector<16xf32>
          %add3A_931 = arith.addf %mul3A_923, %mul3A_930 : vector<16xf32>
          %get3A_932 = arith.index_cast %add3A_916 : i32 to index
          %get3A_933 = arith.constant 32 : index
          %get3A_934 = tpu.vector_load %arg11[%get3A_932, %get3A_933] {strides = array<i32>} : memref<80x128xf32, #tpu.memory_space<vmem>>, vector<16xf32>,
          %get3A_935 = arith.index_cast %add3A_916 : i32 to index
          %get3A_936 = arith.constant 32 : index
          %get3A_937 = tpu.vector_load %arg12[%get3A_935, %get3A_936] {strides = array<i32>} : memref<80x128xf32, #tpu.memory_space<vmem>>, vector<16xf32>,
          %mul3A_938 = arith.mulf %get3A_934, %get3A_937 : vector<16xf32>
          %add3A_939 = arith.addf %add3A_931, %mul3A_938 : vector<16xf32>
          %get3A_940 = arith.index_cast %add3A_916 : i32 to index
          %get3A_941 = arith.constant 48 : index
          %get3A_942 = tpu.vector_load %arg11[%get3A_940, %get3A_941] {strides = array<i32>} : memref<80x128xf32, #tpu.memory_space<vmem>>, vector<16xf32>,
          %get3A_943 = arith.index_cast %add3A_916 : i32 to index
          %get3A_944 = arith.constant 48 : index
          %get3A_945 = tpu.vector_load %arg12[%get3A_943, %get3A_944] {strides = array<i32>} : memref<80x128xf32, #tpu.memory_space<vmem>>, vector<16xf32>,
          %mul3A_946 = arith.mulf %get3A_942, %get3A_945 : vector<16xf32>
          %add3A_947 = arith.addf %add3A_939, %mul3A_946 : vector<16xf32>
          %get3A_948 = arith.index_cast %add3A_916 : i32 to index
          %get3A_949 = arith.constant 64 : index
          %get3A_950 = tpu.vector_load %arg11[%get3A_948, %get3A_949] {strides = array<i32>} : memref<80x128xf32, #tpu.memory_space<vmem>>, vector<16xf32>,
          %get3A_951 = arith.index_cast %add3A_916 : i32 to index
          %get3A_952 = arith.constant 64 : index
          %get3A_953 = tpu.vector_load %arg12[%get3A_951, %get3A_952] {strides = array<i32>} : memref<80x128xf32, #tpu.memory_space<vmem>>, vector<16xf32>,
          %mul3A_954 = arith.mulf %get3A_950, %get3A_953 : vector<16xf32>
          %add3A_955 = arith.addf %add3A_947, %mul3A_954 : vector<16xf32>
          %get3A_956 = arith.index_cast %add3A_916 : i32 to index
          %get3A_957 = arith.constant 80 : index
          %get3A_958 = tpu.vector_load %arg11[%get3A_956, %get3A_957] {strides = array<i32>} : memref<80x128xf32, #tpu.memory_space<vmem>>, vector<16xf32>,
          %get3A_959 = arith.index_cast %add3A_916 : i32 to index
          %get3A_960 = arith.constant 80 : index
          %get3A_961 = tpu.vector_load %arg12[%get3A_959, %get3A_960] {strides = array<i32>} : memref<80x128xf32, #tpu.memory_space<vmem>>, vector<16xf32>,
          %mul3A_962 = arith.mulf %get3A_958, %get3A_961 : vector<16xf32>
          %add3A_963 = arith.addf %add3A_955, %mul3A_962 : vector<16xf32>
          %get3A_964 = arith.index_cast %add3A_916 : i32 to index
          %get3A_965 = arith.constant 96 : index
          %get3A_966 = tpu.vector_load %arg11[%get3A_964, %get3A_965] {strides = array<i32>} : memref<80x128xf32, #tpu.memory_space<vmem>>, vector<16xf32>,
          %get3A_967 = arith.index_cast %add3A_916 : i32 to index
          %get3A_968 = arith.constant 96 : index
          %get3A_969 = tpu.vector_load %arg12[%get3A_967, %get3A_968] {strides = array<i32>} : memref<80x128xf32, #tpu.memory_space<vmem>>, vector<16xf32>,
          %mul3A_970 = arith.mulf %get3A_966, %get3A_969 : vector<16xf32>
          %add3A_971 = arith.addf %add3A_963, %mul3A_970 : vector<16xf32>
          %get3A_972 = arith.index_cast %add3A_916 : i32 to index
          %get3A_973 = arith.constant 112 : index
          %get3A_974 = tpu.vector_load %arg11[%get3A_972, %get3A_973] {strides = array<i32>} : memref<80x128xf32, #tpu.memory_space<vmem>>, vector<16xf32>,
          %get3A_975 = arith.index_cast %add3A_916 : i32 to index
          %get3A_976 = arith.constant 112 : index
          %get3A_977 = tpu.vector_load %arg12[%get3A_975, %get3A_976] {strides = array<i32>} : memref<80x128xf32, #tpu.memory_space<vmem>>, vector<16xf32>,
          %mul3A_978 = arith.mulf %get3A_974, %get3A_977 : vector<16xf32>
          %add3A_979 = arith.addf %add3A_971, %mul3A_978 : vector<16xf32>
          %swap3A_980 = arith.constant 192 : index
          %swap3A_981 = tpu.vector_load %arg13[%swap3A_980] {strides = array<i32>} : memref<256xf32, #tpu.memory_space<vmem>>, vector<16xf32>,
          tpu.vector_store %arg13[%swap3A_980], %add3A_979 {strides = array<i32>} : memref<256xf32, #tpu.memory_space<vmem>>, vector<16xf32>,
          %mul3A_982 = arith.constant 16 : i32
          %mul3A_983 = arith.muli %add3A_86, %mul3A_982 : i32
          %add3A_984 = arith.constant 13 : i32
          %add3A_985 = arith.addi %mul3A_983, %add3A_984 : i32
          %get3A_986 = arith.index_cast %add3A_985 : i32 to index
          %get3A_987 = arith.constant 0 : index
          %get3A_988 = tpu.vector_load %arg11[%get3A_986, %get3A_987] {strides = array<i32>} : memref<80x128xf32, #tpu.memory_space<vmem>>, vector<16xf32>,
          %get3A_989 = arith.index_cast %add3A_985 : i32 to index
          %get3A_990 = arith.constant 0 : index
          %get3A_991 = tpu.vector_load %arg12[%get3A_989, %get3A_990] {strides = array<i32>} : memref<80x128xf32, #tpu.memory_space<vmem>>, vector<16xf32>,
          %mul3A_992 = arith.mulf %get3A_988, %get3A_991 : vector<16xf32>
          %get3A_993 = arith.index_cast %add3A_985 : i32 to index
          %get3A_994 = arith.constant 16 : index
          %get3A_995 = tpu.vector_load %arg11[%get3A_993, %get3A_994] {strides = array<i32>} : memref<80x128xf32, #tpu.memory_space<vmem>>, vector<16xf32>,
          %get3A_996 = arith.index_cast %add3A_985 : i32 to index
          %get3A_997 = arith.constant 16 : index
          %get3A_998 = tpu.vector_load %arg12[%get3A_996, %get3A_997] {strides = array<i32>} : memref<80x128xf32, #tpu.memory_space<vmem>>, vector<16xf32>,
          %mul3A_999 = arith.mulf %get3A_995, %get3A_998 : vector<16xf32>
          %add3A_1000 = arith.addf %mul3A_992, %mul3A_999 : vector<16xf32>
          %get3A_1001 = arith.index_cast %add3A_985 : i32 to index
          %get3A_1002 = arith.constant 32 : index
          %get3A_1003 = tpu.vector_load %arg11[%get3A_1001, %get3A_1002] {strides = array<i32>} : memref<80x128xf32, #tpu.memory_space<vmem>>, vector<16xf32>,
          %get3A_1004 = arith.index_cast %add3A_985 : i32 to index
          %get3A_1005 = arith.constant 32 : index
          %get3A_1006 = tpu.vector_load %arg12[%get3A_1004, %get3A_1005] {strides = array<i32>} : memref<80x128xf32, #tpu.memory_space<vmem>>, vector<16xf32>,
          %mul3A_1007 = arith.mulf %get3A_1003, %get3A_1006 : vector<16xf32>
          %add3A_1008 = arith.addf %add3A_1000, %mul3A_1007 : vector<16xf32>
          %get3A_1009 = arith.index_cast %add3A_985 : i32 to index
          %get3A_1010 = arith.constant 48 : index
          %get3A_1011 = tpu.vector_load %arg11[%get3A_1009, %get3A_1010] {strides = array<i32>} : memref<80x128xf32, #tpu.memory_space<vmem>>, vector<16xf32>,
          %get3A_1012 = arith.index_cast %add3A_985 : i32 to index
          %get3A_1013 = arith.constant 48 : index
          %get3A_1014 = tpu.vector_load %arg12[%get3A_1012, %get3A_1013] {strides = array<i32>} : memref<80x128xf32, #tpu.memory_space<vmem>>, vector<16xf32>,
          %mul3A_1015 = arith.mulf %get3A_1011, %get3A_1014 : vector<16xf32>
          %add3A_1016 = arith.addf %add3A_1008, %mul3A_1015 : vector<16xf32>
          %get3A_1017 = arith.index_cast %add3A_985 : i32 to index
          %get3A_1018 = arith.constant 64 : index
          %get3A_1019 = tpu.vector_load %arg11[%get3A_1017, %get3A_1018] {strides = array<i32>} : memref<80x128xf32, #tpu.memory_space<vmem>>, vector<16xf32>,
          %get3A_1020 = arith.index_cast %add3A_985 : i32 to index
          %get3A_1021 = arith.constant 64 : index
          %get3A_1022 = tpu.vector_load %arg12[%get3A_1020, %get3A_1021] {strides = array<i32>} : memref<80x128xf32, #tpu.memory_space<vmem>>, vector<16xf32>,
          %mul3A_1023 = arith.mulf %get3A_1019, %get3A_1022 : vector<16xf32>
          %add3A_1024 = arith.addf %add3A_1016, %mul3A_1023 : vector<16xf32>
          %get3A_1025 = arith.index_cast %add3A_985 : i32 to index
          %get3A_1026 = arith.constant 80 : index
          %get3A_1027 = tpu.vector_load %arg11[%get3A_1025, %get3A_1026] {strides = array<i32>} : memref<80x128xf32, #tpu.memory_space<vmem>>, vector<16xf32>,
          %get3A_1028 = arith.index_cast %add3A_985 : i32 to index
          %get3A_1029 = arith.constant 80 : index
          %get3A_1030 = tpu.vector_load %arg12[%get3A_1028, %get3A_1029] {strides = array<i32>} : memref<80x128xf32, #tpu.memory_space<vmem>>, vector<16xf32>,
          %mul3A_1031 = arith.mulf %get3A_1027, %get3A_1030 : vector<16xf32>
          %add3A_1032 = arith.addf %add3A_1024, %mul3A_1031 : vector<16xf32>
          %get3A_1033 = arith.index_cast %add3A_985 : i32 to index
          %get3A_1034 = arith.constant 96 : index
          %get3A_1035 = tpu.vector_load %arg11[%get3A_1033, %get3A_1034] {strides = array<i32>} : memref<80x128xf32, #tpu.memory_space<vmem>>, vector<16xf32>,
          %get3A_1036 = arith.index_cast %add3A_985 : i32 to index
          %get3A_1037 = arith.constant 96 : index
          %get3A_1038 = tpu.vector_load %arg12[%get3A_1036, %get3A_1037] {strides = array<i32>} : memref<80x128xf32, #tpu.memory_space<vmem>>, vector<16xf32>,
          %mul3A_1039 = arith.mulf %get3A_1035, %get3A_1038 : vector<16xf32>
          %add3A_1040 = arith.addf %add3A_1032, %mul3A_1039 : vector<16xf32>
          %get3A_1041 = arith.index_cast %add3A_985 : i32 to index
          %get3A_1042 = arith.constant 112 : index
          %get3A_1043 = tpu.vector_load %arg11[%get3A_1041, %get3A_1042] {strides = array<i32>} : memref<80x128xf32, #tpu.memory_space<vmem>>, vector<16xf32>,
          %get3A_1044 = arith.index_cast %add3A_985 : i32 to index
          %get3A_1045 = arith.constant 112 : index
          %get3A_1046 = tpu.vector_load %arg12[%get3A_1044, %get3A_1045] {strides = array<i32>} : memref<80x128xf32, #tpu.memory_space<vmem>>, vector<16xf32>,
          %mul3A_1047 = arith.mulf %get3A_1043, %get3A_1046 : vector<16xf32>
          %add3A_1048 = arith.addf %add3A_1040, %mul3A_1047 : vector<16xf32>
          %swap3A_1049 = arith.constant 208 : index
          %swap3A_1050 = tpu.vector_load %arg13[%swap3A_1049] {strides = array<i32>} : memref<256xf32, #tpu.memory_space<vmem>>, vector<16xf32>,
          tpu.vector_store %arg13[%swap3A_1049], %add3A_1048 {strides = array<i32>} : memref<256xf32, #tpu.memory_space<vmem>>, vector<16xf32>,
          %mul3A_1051 = arith.constant 16 : i32
          %mul3A_1052 = arith.muli %add3A_86, %mul3A_1051 : i32
          %add3A_1053 = arith.constant 14 : i32
          %add3A_1054 = arith.addi %mul3A_1052, %add3A_1053 : i32
          %get3A_1055 = arith.index_cast %add3A_1054 : i32 to index
          %get3A_1056 = arith.constant 0 : index
          %get3A_1057 = tpu.vector_load %arg11[%get3A_1055, %get3A_1056] {strides = array<i32>} : memref<80x128xf32, #tpu.memory_space<vmem>>, vector<16xf32>,
          %get3A_1058 = arith.index_cast %add3A_1054 : i32 to index
          %get3A_1059 = arith.constant 0 : index
          %get3A_1060 = tpu.vector_load %arg12[%get3A_1058, %get3A_1059] {strides = array<i32>} : memref<80x128xf32, #tpu.memory_space<vmem>>, vector<16xf32>,
          %mul3A_1061 = arith.mulf %get3A_1057, %get3A_1060 : vector<16xf32>
          %get3A_1062 = arith.index_cast %add3A_1054 : i32 to index
          %get3A_1063 = arith.constant 16 : index
          %get3A_1064 = tpu.vector_load %arg11[%get3A_1062, %get3A_1063] {strides = array<i32>} : memref<80x128xf32, #tpu.memory_space<vmem>>, vector<16xf32>,
          %get3A_1065 = arith.index_cast %add3A_1054 : i32 to index
          %get3A_1066 = arith.constant 16 : index
          %get3A_1067 = tpu.vector_load %arg12[%get3A_1065, %get3A_1066] {strides = array<i32>} : memref<80x128xf32, #tpu.memory_space<vmem>>, vector<16xf32>,
          %mul3A_1068 = arith.mulf %get3A_1064, %get3A_1067 : vector<16xf32>
          %add3A_1069 = arith.addf %mul3A_1061, %mul3A_1068 : vector<16xf32>
          %get3A_1070 = arith.index_cast %add3A_1054 : i32 to index
          %get3A_1071 = arith.constant 32 : index
          %get3A_1072 = tpu.vector_load %arg11[%get3A_1070, %get3A_1071] {strides = array<i32>} : memref<80x128xf32, #tpu.memory_space<vmem>>, vector<16xf32>,
          %get3A_1073 = arith.index_cast %add3A_1054 : i32 to index
          %get3A_1074 = arith.constant 32 : index
          %get3A_1075 = tpu.vector_load %arg12[%get3A_1073, %get3A_1074] {strides = array<i32>} : memref<80x128xf32, #tpu.memory_space<vmem>>, vector<16xf32>,
          %mul3A_1076 = arith.mulf %get3A_1072, %get3A_1075 : vector<16xf32>
          %add3A_1077 = arith.addf %add3A_1069, %mul3A_1076 : vector<16xf32>
          %get3A_1078 = arith.index_cast %add3A_1054 : i32 to index
          %get3A_1079 = arith.constant 48 : index
          %get3A_1080 = tpu.vector_load %arg11[%get3A_1078, %get3A_1079] {strides = array<i32>} : memref<80x128xf32, #tpu.memory_space<vmem>>, vector<16xf32>,
          %get3A_1081 = arith.index_cast %add3A_1054 : i32 to index
          %get3A_1082 = arith.constant 48 : index
          %get3A_1083 = tpu.vector_load %arg12[%get3A_1081, %get3A_1082] {strides = array<i32>} : memref<80x128xf32, #tpu.memory_space<vmem>>, vector<16xf32>,
          %mul3A_1084 = arith.mulf %get3A_1080, %get3A_1083 : vector<16xf32>
          %add3A_1085 = arith.addf %add3A_1077, %mul3A_1084 : vector<16xf32>
          %get3A_1086 = arith.index_cast %add3A_1054 : i32 to index
          %get3A_1087 = arith.constant 64 : index
          %get3A_1088 = tpu.vector_load %arg11[%get3A_1086, %get3A_1087] {strides = array<i32>} : memref<80x128xf32, #tpu.memory_space<vmem>>, vector<16xf32>,
          %get3A_1089 = arith.index_cast %add3A_1054 : i32 to index
          %get3A_1090 = arith.constant 64 : index
          %get3A_1091 = tpu.vector_load %arg12[%get3A_1089, %get3A_1090] {strides = array<i32>} : memref<80x128xf32, #tpu.memory_space<vmem>>, vector<16xf32>,
          %mul3A_1092 = arith.mulf %get3A_1088, %get3A_1091 : vector<16xf32>
          %add3A_1093 = arith.addf %add3A_1085, %mul3A_1092 : vector<16xf32>
          %get3A_1094 = arith.index_cast %add3A_1054 : i32 to index
          %get3A_1095 = arith.constant 80 : index
          %get3A_1096 = tpu.vector_load %arg11[%get3A_1094, %get3A_1095] {strides = array<i32>} : memref<80x128xf32, #tpu.memory_space<vmem>>, vector<16xf32>,
          %get3A_1097 = arith.index_cast %add3A_1054 : i32 to index
          %get3A_1098 = arith.constant 80 : index
          %get3A_1099 = tpu.vector_load %arg12[%get3A_1097, %get3A_1098] {strides = array<i32>} : memref<80x128xf32, #tpu.memory_space<vmem>>, vector<16xf32>,
          %mul3A_1100 = arith.mulf %get3A_1096, %get3A_1099 : vector<16xf32>
          %add3A_1101 = arith.addf %add3A_1093, %mul3A_1100 : vector<16xf32>
          %get3A_1102 = arith.index_cast %add3A_1054 : i32 to index
          %get3A_1103 = arith.constant 96 : index
          %get3A_1104 = tpu.vector_load %arg11[%get3A_1102, %get3A_1103] {strides = array<i32>} : memref<80x128xf32, #tpu.memory_space<vmem>>, vector<16xf32>,
          %get3A_1105 = arith.index_cast %add3A_1054 : i32 to index
          %get3A_1106 = arith.constant 96 : index
          %get3A_1107 = tpu.vector_load %arg12[%get3A_1105, %get3A_1106] {strides = array<i32>} : memref<80x128xf32, #tpu.memory_space<vmem>>, vector<16xf32>,
          %mul3A_1108 = arith.mulf %get3A_1104, %get3A_1107 : vector<16xf32>
          %add3A_1109 = arith.addf %add3A_1101, %mul3A_1108 : vector<16xf32>
          %get3A_1110 = arith.index_cast %add3A_1054 : i32 to index
          %get3A_1111 = arith.constant 112 : index
          %get3A_1112 = tpu.vector_load %arg11[%get3A_1110, %get3A_1111] {strides = array<i32>} : memref<80x128xf32, #tpu.memory_space<vmem>>, vector<16xf32>,
          %get3A_1113 = arith.index_cast %add3A_1054 : i32 to index
          %get3A_1114 = arith.constant 112 : index
          %get3A_1115 = tpu.vector_load %arg12[%get3A_1113, %get3A_1114] {strides = array<i32>} : memref<80x128xf32, #tpu.memory_space<vmem>>, vector<16xf32>,
          %mul3A_1116 = arith.mulf %get3A_1112, %get3A_1115 : vector<16xf32>
          %add3A_1117 = arith.addf %add3A_1109, %mul3A_1116 : vector<16xf32>
          %swap3A_1118 = arith.constant 224 : index
          %swap3A_1119 = tpu.vector_load %arg13[%swap3A_1118] {strides = array<i32>} : memref<256xf32, #tpu.memory_space<vmem>>, vector<16xf32>,
          tpu.vector_store %arg13[%swap3A_1118], %add3A_1117 {strides = array<i32>} : memref<256xf32, #tpu.memory_space<vmem>>, vector<16xf32>,
          %mul3A_1120 = arith.constant 16 : i32
          %mul3A_1121 = arith.muli %add3A_86, %mul3A_1120 : i32
          %add3A_1122 = arith.constant 15 : i32
          %add3A_1123 = arith.addi %mul3A_1121, %add3A_1122 : i32
          %get3A_1124 = arith.index_cast %add3A_1123 : i32 to index
          %get3A_1125 = arith.constant 0 : index
          %get3A_1126 = tpu.vector_load %arg11[%get3A_1124, %get3A_1125] {strides = array<i32>} : memref<80x128xf32, #tpu.memory_space<vmem>>, vector<16xf32>,
          %get3A_1127 = arith.index_cast %add3A_1123 : i32 to index
          %get3A_1128 = arith.constant 0 : index
          %get3A_1129 = tpu.vector_load %arg12[%get3A_1127, %get3A_1128] {strides = array<i32>} : memref<80x128xf32, #tpu.memory_space<vmem>>, vector<16xf32>,
          %mul3A_1130 = arith.mulf %get3A_1126, %get3A_1129 : vector<16xf32>
          %get3A_1131 = arith.index_cast %add3A_1123 : i32 to index
          %get3A_1132 = arith.constant 16 : index
          %get3A_1133 = tpu.vector_load %arg11[%get3A_1131, %get3A_1132] {strides = array<i32>} : memref<80x128xf32, #tpu.memory_space<vmem>>, vector<16xf32>,
          %get3A_1134 = arith.index_cast %add3A_1123 : i32 to index
          %get3A_1135 = arith.constant 16 : index
          %get3A_1136 = tpu.vector_load %arg12[%get3A_1134, %get3A_1135] {strides = array<i32>} : memref<80x128xf32, #tpu.memory_space<vmem>>, vector<16xf32>,
          %mul3A_1137 = arith.mulf %get3A_1133, %get3A_1136 : vector<16xf32>
          %add3A_1138 = arith.addf %mul3A_1130, %mul3A_1137 : vector<16xf32>
          %get3A_1139 = arith.index_cast %add3A_1123 : i32 to index
          %get3A_1140 = arith.constant 32 : index
          %get3A_1141 = tpu.vector_load %arg11[%get3A_1139, %get3A_1140] {strides = array<i32>} : memref<80x128xf32, #tpu.memory_space<vmem>>, vector<16xf32>,
          %get3A_1142 = arith.index_cast %add3A_1123 : i32 to index
          %get3A_1143 = arith.constant 32 : index
          %get3A_1144 = tpu.vector_load %arg12[%get3A_1142, %get3A_1143] {strides = array<i32>} : memref<80x128xf32, #tpu.memory_space<vmem>>, vector<16xf32>,
          %mul3A_1145 = arith.mulf %get3A_1141, %get3A_1144 : vector<16xf32>
          %add3A_1146 = arith.addf %add3A_1138, %mul3A_1145 : vector<16xf32>
          %get3A_1147 = arith.index_cast %add3A_1123 : i32 to index
          %get3A_1148 = arith.constant 48 : index
          %get3A_1149 = tpu.vector_load %arg11[%get3A_1147, %get3A_1148] {strides = array<i32>} : memref<80x128xf32, #tpu.memory_space<vmem>>, vector<16xf32>,
          %get3A_1150 = arith.index_cast %add3A_1123 : i32 to index
          %get3A_1151 = arith.constant 48 : index
          %get3A_1152 = tpu.vector_load %arg12[%get3A_1150, %get3A_1151] {strides = array<i32>} : memref<80x128xf32, #tpu.memory_space<vmem>>, vector<16xf32>,
          %mul3A_1153 = arith.mulf %get3A_1149, %get3A_1152 : vector<16xf32>
          %add3A_1154 = arith.addf %add3A_1146, %mul3A_1153 : vector<16xf32>
          %get3A_1155 = arith.index_cast %add3A_1123 : i32 to index
          %get3A_1156 = arith.constant 64 : index
          %get3A_1157 = tpu.vector_load %arg11[%get3A_1155, %get3A_1156] {strides = array<i32>} : memref<80x128xf32, #tpu.memory_space<vmem>>, vector<16xf32>,
          %get3A_1158 = arith.index_cast %add3A_1123 : i32 to index
          %get3A_1159 = arith.constant 64 : index
          %get3A_1160 = tpu.vector_load %arg12[%get3A_1158, %get3A_1159] {strides = array<i32>} : memref<80x128xf32, #tpu.memory_space<vmem>>, vector<16xf32>,
          %mul3A_1161 = arith.mulf %get3A_1157, %get3A_1160 : vector<16xf32>
          %add3A_1162 = arith.addf %add3A_1154, %mul3A_1161 : vector<16xf32>
          %get3A_1163 = arith.index_cast %add3A_1123 : i32 to index
          %get3A_1164 = arith.constant 80 : index
          %get3A_1165 = tpu.vector_load %arg11[%get3A_1163, %get3A_1164] {strides = array<i32>} : memref<80x128xf32, #tpu.memory_space<vmem>>, vector<16xf32>,
          %get3A_1166 = arith.index_cast %add3A_1123 : i32 to index
          %get3A_1167 = arith.constant 80 : index
          %get3A_1168 = tpu.vector_load %arg12[%get3A_1166, %get3A_1167] {strides = array<i32>} : memref<80x128xf32, #tpu.memory_space<vmem>>, vector<16xf32>,
          %mul3A_1169 = arith.mulf %get3A_1165, %get3A_1168 : vector<16xf32>
          %add3A_1170 = arith.addf %add3A_1162, %mul3A_1169 : vector<16xf32>
          %get3A_1171 = arith.index_cast %add3A_1123 : i32 to index
          %get3A_1172 = arith.constant 96 : index
          %get3A_1173 = tpu.vector_load %arg11[%get3A_1171, %get3A_1172] {strides = array<i32>} : memref<80x128xf32, #tpu.memory_space<vmem>>, vector<16xf32>,
          %get3A_1174 = arith.index_cast %add3A_1123 : i32 to index
          %get3A_1175 = arith.constant 96 : index
          %get3A_1176 = tpu.vector_load %arg12[%get3A_1174, %get3A_1175] {strides = array<i32>} : memref<80x128xf32, #tpu.memory_space<vmem>>, vector<16xf32>,
          %mul3A_1177 = arith.mulf %get3A_1173, %get3A_1176 : vector<16xf32>
          %add3A_1178 = arith.addf %add3A_1170, %mul3A_1177 : vector<16xf32>
          %get3A_1179 = arith.index_cast %add3A_1123 : i32 to index
          %get3A_1180 = arith.constant 112 : index
          %get3A_1181 = tpu.vector_load %arg11[%get3A_1179, %get3A_1180] {strides = array<i32>} : memref<80x128xf32, #tpu.memory_space<vmem>>, vector<16xf32>,
          %get3A_1182 = arith.index_cast %add3A_1123 : i32 to index
          %get3A_1183 = arith.constant 112 : index
          %get3A_1184 = tpu.vector_load %arg12[%get3A_1182, %get3A_1183] {strides = array<i32>} : memref<80x128xf32, #tpu.memory_space<vmem>>, vector<16xf32>,
          %mul3A_1185 = arith.mulf %get3A_1181, %get3A_1184 : vector<16xf32>
          %add3A_1186 = arith.addf %add3A_1178, %mul3A_1185 : vector<16xf32>
          %swap3A_1187 = arith.constant 240 : index
          %swap3A_1188 = tpu.vector_load %arg13[%swap3A_1187] {strides = array<i32>} : memref<256xf32, #tpu.memory_space<vmem>>, vector<16xf32>,
          tpu.vector_store %arg13[%swap3A_1187], %add3A_1186 {strides = array<i32>} : memref<256xf32, #tpu.memory_space<vmem>>, vector<16xf32>,
          %mul3A_1189 = arith.constant 16 : i32
          %mul3A_1190 = vector.broadcast %mul3A_1189 : i32 to vector<16xi32>
          %mul3A_1191 = arith.muli %iota3A, %mul3A_1190 : vector<16xi32>
          %gather3A = tpu.vector_load_idx %arg13[%mul3A_1191] : memref<256xf32, #tpu.memory_space<vmem>>[vector<16xi32>], vector<16xf32>,
          %mul3A_1192 = arith.constant 16 : i32
          %mul3A_1193 = vector.broadcast %mul3A_1192 : i32 to vector<16xi32>
          %mul3A_1194 = arith.muli %iota3A, %mul3A_1193 : vector<16xi32>
          %add3A_1195 = arith.constant 1 : i32
          %add3A_1196 = vector.broadcast %add3A_1195 : i32 to vector<16xi32>
          %add3A_1197 = arith.addi %mul3A_1194, %add3A_1196 : vector<16xi32>
          %gather3A_1198 = tpu.vector_load_idx %arg13[%add3A_1197] : memref<256xf32, #tpu.memory_space<vmem>>[vector<16xi32>], vector<16xf32>,
          %add3A_1199 = arith.addf %gather3A, %gather3A_1198 : vector<16xf32>
          %mul3A_1200 = arith.constant 16 : i32
          %mul3A_1201 = vector.broadcast %mul3A_1200 : i32 to vector<16xi32>
          %mul3A_1202 = arith.muli %iota3A, %mul3A_1201 : vector<16xi32>
          %add3A_1203 = arith.constant 2 : i32
          %add3A_1204 = vector.broadcast %add3A_1203 : i32 to vector<16xi32>
          %add3A_1205 = arith.addi %mul3A_1202, %add3A_1204 : vector<16xi32>
          %gather3A_1206 = tpu.vector_load_idx %arg13[%add3A_1205] : memref<256xf32, #tpu.memory_space<vmem>>[vector<16xi32>], vector<16xf32>,
          %add3A_1207 = arith.addf %add3A_1199, %gather3A_1206 : vector<16xf32>
          %mul3A_1208 = arith.constant 16 : i32
          %mul3A_1209 = vector.broadcast %mul3A_1208 : i32 to vector<16xi32>
          %mul3A_1210 = arith.muli %iota3A, %mul3A_1209 : vector<16xi32>
          %add3A_1211 = arith.constant 3 : i32
          %add3A_1212 = vector.broadcast %add3A_1211 : i32 to vector<16xi32>
          %add3A_1213 = arith.addi %mul3A_1210, %add3A_1212 : vector<16xi32>
          %gather3A_1214 = tpu.vector_load_idx %arg13[%add3A_1213] : memref<256xf32, #tpu.memory_space<vmem>>[vector<16xi32>], vector<16xf32>,
          %add3A_1215 = arith.addf %add3A_1207, %gather3A_1214 : vector<16xf32>
          %mul3A_1216 = arith.constant 16 : i32
          %mul3A_1217 = vector.broadcast %mul3A_1216 : i32 to vector<16xi32>
          %mul3A_1218 = arith.muli %iota3A, %mul3A_1217 : vector<16xi32>
          %add3A_1219 = arith.constant 4 : i32
          %add3A_1220 = vector.broadcast %add3A_1219 : i32 to vector<16xi32>
          %add3A_1221 = arith.addi %mul3A_1218, %add3A_1220 : vector<16xi32>
          %gather3A_1222 = tpu.vector_load_idx %arg13[%add3A_1221] : memref<256xf32, #tpu.memory_space<vmem>>[vector<16xi32>], vector<16xf32>,
          %add3A_1223 = arith.addf %add3A_1215, %gather3A_1222 : vector<16xf32>
          %mul3A_1224 = arith.constant 16 : i32
          %mul3A_1225 = vector.broadcast %mul3A_1224 : i32 to vector<16xi32>
          %mul3A_1226 = arith.muli %iota3A, %mul3A_1225 : vector<16xi32>
          %add3A_1227 = arith.constant 5 : i32
          %add3A_1228 = vector.broadcast %add3A_1227 : i32 to vector<16xi32>
          %add3A_1229 = arith.addi %mul3A_1226, %add3A_1228 : vector<16xi32>
          %gather3A_1230 = tpu.vector_load_idx %arg13[%add3A_1229] : memref<256xf32, #tpu.memory_space<vmem>>[vector<16xi32>], vector<16xf32>,
          %add3A_1231 = arith.addf %add3A_1223, %gather3A_1230 : vector<16xf32>
          %mul3A_1232 = arith.constant 16 : i32
          %mul3A_1233 = vector.broadcast %mul3A_1232 : i32 to vector<16xi32>
          %mul3A_1234 = arith.muli %iota3A, %mul3A_1233 : vector<16xi32>
          %add3A_1235 = arith.constant 6 : i32
          %add3A_1236 = vector.broadcast %add3A_1235 : i32 to vector<16xi32>
          %add3A_1237 = arith.addi %mul3A_1234, %add3A_1236 : vector<16xi32>
          %gather3A_1238 = tpu.vector_load_idx %arg13[%add3A_1237] : memref<256xf32, #tpu.memory_space<vmem>>[vector<16xi32>], vector<16xf32>,
          %add3A_1239 = arith.addf %add3A_1231, %gather3A_1238 : vector<16xf32>
          %mul3A_1240 = arith.constant 16 : i32
          %mul3A_1241 = vector.broadcast %mul3A_1240 : i32 to vector<16xi32>
          %mul3A_1242 = arith.muli %iota3A, %mul3A_1241 : vector<16xi32>
          %add3A_1243 = arith.constant 7 : i32
          %add3A_1244 = vector.broadcast %add3A_1243 : i32 to vector<16xi32>
          %add3A_1245 = arith.addi %mul3A_1242, %add3A_1244 : vector<16xi32>
          %gather3A_1246 = tpu.vector_load_idx %arg13[%add3A_1245] : memref<256xf32, #tpu.memory_space<vmem>>[vector<16xi32>], vector<16xf32>,
          %add3A_1247 = arith.addf %add3A_1239, %gather3A_1246 : vector<16xf32>
          %mul3A_1248 = arith.constant 16 : i32
          %mul3A_1249 = vector.broadcast %mul3A_1248 : i32 to vector<16xi32>
          %mul3A_1250 = arith.muli %iota3A, %mul3A_1249 : vector<16xi32>
          %add3A_1251 = arith.constant 8 : i32
          %add3A_1252 = vector.broadcast %add3A_1251 : i32 to vector<16xi32>
          %add3A_1253 = arith.addi %mul3A_1250, %add3A_1252 : vector<16xi32>
          %gather3A_1254 = tpu.vector_load_idx %arg13[%add3A_1253] : memref<256xf32, #tpu.memory_space<vmem>>[vector<16xi32>], vector<16xf32>,
          %add3A_1255 = arith.addf %add3A_1247, %gather3A_1254 : vector<16xf32>
          %mul3A_1256 = arith.constant 16 : i32
          %mul3A_1257 = vector.broadcast %mul3A_1256 : i32 to vector<16xi32>
          %mul3A_1258 = arith.muli %iota3A, %mul3A_1257 : vector<16xi32>
          %add3A_1259 = arith.constant 9 : i32
          %add3A_1260 = vector.broadcast %add3A_1259 : i32 to vector<16xi32>
          %add3A_1261 = arith.addi %mul3A_1258, %add3A_1260 : vector<16xi32>
          %gather3A_1262 = tpu.vector_load_idx %arg13[%add3A_1261] : memref<256xf32, #tpu.memory_space<vmem>>[vector<16xi32>], vector<16xf32>,
          %add3A_1263 = arith.addf %add3A_1255, %gather3A_1262 : vector<16xf32>
          %mul3A_1264 = arith.constant 16 : i32
          %mul3A_1265 = vector.broadcast %mul3A_1264 : i32 to vector<16xi32>
          %mul3A_1266 = arith.muli %iota3A, %mul3A_1265 : vector<16xi32>
          %add3A_1267 = arith.constant 10 : i32
          %add3A_1268 = vector.broadcast %add3A_1267 : i32 to vector<16xi32>
          %add3A_1269 = arith.addi %mul3A_1266, %add3A_1268 : vector<16xi32>
          %gather3A_1270 = tpu.vector_load_idx %arg13[%add3A_1269] : memref<256xf32, #tpu.memory_space<vmem>>[vector<16xi32>], vector<16xf32>,
          %add3A_1271 = arith.addf %add3A_1263, %gather3A_1270 : vector<16xf32>
          %mul3A_1272 = arith.constant 16 : i32
          %mul3A_1273 = vector.broadcast %mul3A_1272 : i32 to vector<16xi32>
          %mul3A_1274 = arith.muli %iota3A, %mul3A_1273 : vector<16xi32>
          %add3A_1275 = arith.constant 11 : i32
          %add3A_1276 = vector.broadcast %add3A_1275 : i32 to vector<16xi32>
          %add3A_1277 = arith.addi %mul3A_1274, %add3A_1276 : vector<16xi32>
          %gather3A_1278 = tpu.vector_load_idx %arg13[%add3A_1277] : memref<256xf32, #tpu.memory_space<vmem>>[vector<16xi32>], vector<16xf32>,
          %add3A_1279 = arith.addf %add3A_1271, %gather3A_1278 : vector<16xf32>
          %mul3A_1280 = arith.constant 16 : i32
          %mul3A_1281 = vector.broadcast %mul3A_1280 : i32 to vector<16xi32>
          %mul3A_1282 = arith.muli %iota3A, %mul3A_1281 : vector<16xi32>
          %add3A_1283 = arith.constant 12 : i32
          %add3A_1284 = vector.broadcast %add3A_1283 : i32 to vector<16xi32>
          %add3A_1285 = arith.addi %mul3A_1282, %add3A_1284 : vector<16xi32>
          %gather3A_1286 = tpu.vector_load_idx %arg13[%add3A_1285] : memref<256xf32, #tpu.memory_space<vmem>>[vector<16xi32>], vector<16xf32>,
          %add3A_1287 = arith.addf %add3A_1279, %gather3A_1286 : vector<16xf32>
          %mul3A_1288 = arith.constant 16 : i32
          %mul3A_1289 = vector.broadcast %mul3A_1288 : i32 to vector<16xi32>
          %mul3A_1290 = arith.muli %iota3A, %mul3A_1289 : vector<16xi32>
          %add3A_1291 = arith.constant 13 : i32
          %add3A_1292 = vector.broadcast %add3A_1291 : i32 to vector<16xi32>
          %add3A_1293 = arith.addi %mul3A_1290, %add3A_1292 : vector<16xi32>
          %gather3A_1294 = tpu.vector_load_idx %arg13[%add3A_1293] : memref<256xf32, #tpu.memory_space<vmem>>[vector<16xi32>], vector<16xf32>,
          %add3A_1295 = arith.addf %add3A_1287, %gather3A_1294 : vector<16xf32>
          %mul3A_1296 = arith.constant 16 : i32
          %mul3A_1297 = vector.broadcast %mul3A_1296 : i32 to vector<16xi32>
          %mul3A_1298 = arith.muli %iota3A, %mul3A_1297 : vector<16xi32>
          %add3A_1299 = arith.constant 14 : i32
          %add3A_1300 = vector.broadcast %add3A_1299 : i32 to vector<16xi32>
          %add3A_1301 = arith.addi %mul3A_1298, %add3A_1300 : vector<16xi32>
          %gather3A_1302 = tpu.vector_load_idx %arg13[%add3A_1301] : memref<256xf32, #tpu.memory_space<vmem>>[vector<16xi32>], vector<16xf32>,
          %add3A_1303 = arith.addf %add3A_1295, %gather3A_1302 : vector<16xf32>
          %mul3A_1304 = arith.constant 16 : i32
          %mul3A_1305 = vector.broadcast %mul3A_1304 : i32 to vector<16xi32>
          %mul3A_1306 = arith.muli %iota3A, %mul3A_1305 : vector<16xi32>
          %add3A_1307 = arith.constant 15 : i32
          %add3A_1308 = vector.broadcast %add3A_1307 : i32 to vector<16xi32>
          %add3A_1309 = arith.addi %mul3A_1306, %add3A_1308 : vector<16xi32>
          %gather3A_1310 = tpu.vector_load_idx %arg13[%add3A_1309] : memref<256xf32, #tpu.memory_space<vmem>>[vector<16xi32>], vector<16xf32>,
          %add3A_1311 = arith.addf %add3A_1303, %gather3A_1310 : vector<16xf32>
          %mul3A_1312 = arith.constant 80 : i32
          %mul3A_1313 = arith.muli %add3A_76, %mul3A_1312 : i32
          %mul3A_1314 = arith.constant 16 : i32
          %mul3A_1315 = arith.muli %add3A_86, %mul3A_1314 : i32
          %add3A_1316 = arith.addi %mul3A_1313, %mul3A_1315 : i32
          %swap3A_1317 = arith.index_cast %add3A_1316 : i32 to index
          %swap3A_1318 = tpu.vector_load %arg14[%swap3A_1317] {strides = array<i32>} : memref<10000xf32, #tpu.memory_space<vmem>>, vector<16xf32>,
          tpu.vector_store %arg14[%swap3A_1317], %add3A_1311 {strides = array<i32>} : memref<10000xf32, #tpu.memory_space<vmem>>, vector<16xf32>,
        }
        %scan3A_81 = arith.constant 5 : i32
      } else {
      }
    }
    %scan3A_17 = arith.constant 63 : i32
    %mul3A_18 = arith.constant 10000 : i32
    %mul3A_19 = arith.muli %add3A, %mul3A_18 : i32
    "tpu.region"() ({
      %run_scoped3A = tpu.sem_alloc : memref<!tpu.dma_semaphore, #tpu.memory_space<semaphore_mem>>
      %dma_start3A_20 = tpu.memref_slice %arg6[%mul3A_19] : memref<320000xf32, #tpu.memory_space<hbm>> -> memref<10000xf32, #tpu.memory_space<hbm>>
      %dma_start3A_21 = tpu.memref_slice %arg6[%mul3A_19] : memref<320000xf32, #tpu.memory_space<hbm>> -> memref<10000xf32, #tpu.memory_space<hbm>>
      tpu.enqueue_dma source(%arg14 : memref<10000xf32, #tpu.memory_space<vmem>>) target(%dma_start3A_21 : memref<10000xf32, #tpu.memory_space<hbm>>) target_semaphore(%run_scoped3A : memref<!tpu.dma_semaphore, #tpu.memory_space<semaphore_mem>>)
      %dma_wait3A = tpu.memref_slice %arg6[%mul3A_19] : memref<320000xf32, #tpu.memory_space<hbm>> -> memref<10000xf32, #tpu.memory_space<hbm>>
      %dma_wait3A_22 = tpu.memref_slice %arg6[%mul3A_19] : memref<320000xf32, #tpu.memory_space<hbm>> -> memref<10000xf32, #tpu.memory_space<hbm>>
      tpu.wait_dma2 semaphore(%run_scoped3A : memref<!tpu.dma_semaphore, #tpu.memory_space<semaphore_mem>>) src(%arg14 : memref<10000xf32, #tpu.memory_space<vmem>>) dst(%dma_wait3A_22 : memref<10000xf32, #tpu.memory_space<hbm>>)
      tpu.yield
    }) : () -> ()
    return
  }
}

</mosaic_0001>

<sc_bundles>
// kernel: kernel.3.cloned.1.call-start
scs
__scs_entry_jumppad:
0x0: {  	(pc) =	sbr.rel $0x88, $3  }
0x1: {  	(tag) =	ssettag $0x0;
	lr =	simm.s32 $0x1  }
0x2: {  	[smem:$0x3F9E] =	sst lr;
	_ =	strace $0xD0000000  }
0x3: {  	_ = 	snop  }
0x4: {  	_ = 	snop  }
0x5: {  	_ = 	snop  }
0x6: {  	_ = 	snop  }
0x7: {  	_ = 	snop  }
__scs_overlays_trampoline_lowered:
0x8: {  	[smem:$0x3FAD] =	sst s0  }
0x9: {  	[smem:$0x3FAE] =	sst s1  }
0xa: {  	[smem:$0x3FAF] =	sst s2  }
0xb: {  	[smem:$0x3FB0] =	sst s3  }
0xc: {  	[smem:$0x3FB1] =	sst s4  }
0xd: {  	[smem:$0x3FB2] =	sst s5  }
0xe: {  	[smem:$0x3FB3] =	sst s6  }
0xf: {  	[smem:$0x3FB4] =	sst s7  }
0x10: {  	[smem:$0x3FB5] =	sst s8  }
0x11: {  	[smem:$0x3FB6] =	sst s9;
	s0 =	simm.s32 @!p0 $0x0  }
0x12: {  	s1 =	sld [smem:$0x3F9C];
	s0 =	simm.s32 @p0 $0x1  }
0x13: {  	[smem:$0x3FB7] =	sst s0;
	s0 =	simm.s32 @!p1 $0x0  }
0x14: {  	s2 =	sld [smem:$0x3F9B];
	s0 =	simm.s32 @p1 $0x1  }
0x15: {  	[smem:$0x3FB8] =	sst s0;
	s0 =	simm.s32 @!p2 $0x0  }
0x16: {  	s3 =	sld [smem:$0x3FDB];
	s0 =	simm.s32 @p2 $0x1  }
0x17: {  	s4 =	simm.s32 $0x1BF5;
	[smem:$0x3FBA] =	sst s0  }
0x18: {  	s0 =	sld [smem:$0x3F9D];
	_ =	swait.ge [sflag:s4], $0x0  }
0x19: {  	s7 =	sld [smem:$0x3F9E]  }
0x1a: {  	s8 =	sadd.s32 $0xFFFFE003, lr  }
0x1b: {  	s9 =	sadd.s32 $0xFFFFFEF7, lr;
	s5 =	simm.s32 $0xFFFFFFFF;
	p2 =	slt.u32 s8, $0xFFFFF086  }
0x1c: {  	p1 =	slt.u32 s9, $0xF7A;
	s5 =	simm.s32 @!p2 $0x0  }
0x1d: {  	s5 =	simm.s32 @p1 $0x1;
	p0 =	seq.s32 s7, s2  }
0x1e: {  	s7 =	smul.u32 @!p0 $0xF7A, s2;
	p2 =	seq.s32 @!p0 s5, $0x0  }
0x1f: {  	s9 =	smul.u32 $0xF7A, s1;
	s8 =	simm.s32 @!p0 $0x1BF5;
	p2 =	por !p2, p0  }
0x20: {  	[sflag:s8] =	ssyncset.s32 @!p0 $0xFFFFF086;
	s6 =	sadd.s32 @!p0 s3, s7;
	s7 =	simm.s32 @!p0 $0x108  }
0x21: {  	s3 =	sadd.s32 s3, s9;
	s6 =	sadd.s32 @!p0 $0x88, s6;
	s7 =	simm.s32 @p2 $0x1082  }
0x22: {  	[simem:s7], [sflag:s8] =	dma.local @!p0 [hbm:s6], $0xF7A  }
0x23: {  	s9 =	sor.u32 $0xD0000000, s2;
	s6 =	simm.s32 $0x108;
	_ =	swait.ge @!p0 [sflag:s8], $0x0  }
0x24: {  	s3 =	sadd.s32 $0x88, s3;
	s6 =	simm.s32 @!p1 $0x1082;
	[sflag:s4] =	ssyncset.s32 $0xFFFFF086  }
0x25: {  	[simem:s6], [sflag:s4] =	dma.local [hbm:s3], $0xF7A  }
0x26: {  	[smem:$0x3F9E] =	sst s1;
	(tag) =	ssettag s2;
	_ =	strace s9  }
0x27: {  	s1 =	sld [smem:$0x3FAE]  }
0x28: {  	s2 =	sld [smem:$0x3FAF]  }
0x29: {  	s4 =	sld [smem:$0x3FB1]  }
0x2a: {  	p0 =	seq.s32 s5, $0x0;
	s5 =	sld [smem:$0x3FB2]  }
0x2b: {  	s6 =	sld [smem:$0x3FB3]  }
0x2c: {  	s7 =	sld [smem:$0x3FB4]  }
0x2d: {  	s3 =	simm.s32 $0x108;
	s8 =	sld [smem:$0x3FB5]  }
0x2e: {  	s3 =	simm.s32 @!p0 $0x1082;
	s9 =	sld [smem:$0x3FB6]  }
0x2f: {  	lr =	sadd.s32 s0, s3;
	s0 =	sld [smem:$0x3FAD]  }
0x30: {  	s3 =	sld [smem:$0x3FB0]  }
0x31: {  	[smem:$0x3FB9] =	sst s10  }
0x32: {  	s10 =	sld [smem:$0x3FB7];
	_ =	sdelay $0x3  }
0x33: {  	p0 =	seq.s32 s10, $0x1;
	s10 =	sld [smem:$0x3FB9];
	_ =	sdelay $0x3  }
0x34: {  	[smem:$0x3FB9] =	sst s10  }
0x35: {  	s10 =	sld [smem:$0x3FB8];
	_ =	sdelay $0x3  }
0x36: {  	p1 =	seq.s32 s10, $0x1;
	s10 =	sld [smem:$0x3FB9];
	_ =	sdelay $0x3  }
0x37: {  	[smem:$0x3FB9] =	sst s10  }
0x38: {  	s10 =	sld [smem:$0x3FBA]  }
0x39: {  	_ = 	snop;
	(pc) =	sbr.ind lr, $3  }
0x3a: {  	_ = 	snop  }
0x3b: {  	_ = 	snop  }
0x3c: {  	p2 =	seq.s32 s10, $0x1;
	s10 =	sld [smem:$0x3FB9]  }
0x3d: {  	_ =	shalt  }
0x3e: {  	_ =	shalt  }
0x3f: {  	_ =	shalt  }
0x40: {  	_ =	shalt  }
0x41: {  	_ =	shalt  }
0x42: {  	_ =	shalt  }
0x43: {  	_ =	shalt  }
0x44: {  	_ =	shalt  }
0x45: {  	_ =	shalt  }
0x46: {  	_ =	shalt  }
0x47: {  	_ =	shalt  }
0x48: {  	_ =	shalt  }
0x49: {  	_ =	shalt  }
0x4a: {  	_ =	shalt  }
0x4b: {  	_ =	shalt  }
0x4c: {  	_ =	shalt  }
0x4d: {  	_ =	shalt  }
0x4e: {  	_ =	shalt  }
0x4f: {  	_ =	shalt  }
0x50: {  	_ =	shalt  }
0x51: {  	_ =	shalt  }
0x52: {  	_ =	shalt  }
0x53: {  	_ =	shalt  }
0x54: {  	_ =	shalt  }
0x55: {  	_ =	shalt  }
0x56: {  	_ =	shalt  }
0x57: {  	_ =	shalt  }
0x58: {  	_ =	shalt  }
0x59: {  	_ =	shalt  }
0x5a: {  	_ =	shalt  }
0x5b: {  	_ =	shalt  }
0x5c: {  	_ =	shalt  }
0x5d: {  	_ =	shalt  }
0x5e: {  	_ =	shalt  }
0x5f: {  	_ =	shalt  }
0x60: {  	_ =	shalt  }
0x61: {  	_ =	shalt  }
0x62: {  	_ =	shalt  }
0x63: {  	_ =	shalt  }
0x64: {  	_ =	shalt  }
0x65: {  	_ =	shalt  }
0x66: {  	_ =	shalt  }
0x67: {  	_ =	shalt  }
0x68: {  	_ =	shalt  }
0x69: {  	_ =	shalt  }
0x6a: {  	_ =	shalt  }
0x6b: {  	_ =	shalt  }
0x6c: {  	_ =	shalt  }
0x6d: {  	_ =	shalt  }
0x6e: {  	_ =	shalt  }
0x6f: {  	_ =	shalt  }
0x70: {  	_ =	shalt  }
0x71: {  	_ =	shalt  }
0x72: {  	_ =	shalt  }
0x73: {  	_ =	shalt  }
0x74: {  	_ =	shalt  }
0x75: {  	_ =	shalt  }
0x76: {  	_ =	shalt  }
0x77: {  	_ =	shalt  }
0x78: {  	_ =	shalt  }
0x79: {  	_ =	shalt  }
0x7a: {  	_ =	shalt  }
0x7b: {  	_ =	shalt  }
0x7c: {  	_ =	shalt  }
0x7d: {  	_ =	shalt  }
0x7e: {  	_ =	shalt  }
0x7f: {  	_ =	shalt  }
0x80: {  	_ =	shalt  }
0x81: {  	_ =	shalt  }
0x82: {  	_ =	shalt  }
0x83: {  	_ =	shalt  }
0x84: {  	_ =	shalt  }
0x85: {  	_ =	shalt  }
0x86: {  	_ =	shalt  }
0x87: {  	_ =	shalt  }
.Lfunc_end0:
.L_simem_size_0:
called_computation_lowered:
.L_overlay_start_0:
0x88: {  	s2 =	sld [smem:$0x3FD9]  }
0x89: {  	s3 =	sld [smem:$0x3FFE];
	_ =	sdelay $0x1  }
0x8a: {  	s1 =	srdreg.scid  }
0x8b: {  	s0 =	sand.u32 $0x1, s1  }
0x8c: {  	s17 =	sshll.u32 s0, $0xA;
	s2 =	sadd.s32 s3, s2  }
0x8d: {  	s2 =	sadd.s32 s2, s17  }
0x8e: {  	[smem:$0x3FC5] =	sst s2  }
0x8f: {  	_ = 	snop  }
0x90: {  	s2 =	sld [smem:$0x3FC9]  }
0x91: {  	s18 =	sld [smem:$0x3FC8]  }
0x92: {  	s4 =	sld [smem:$0x3FD0];
	(tm) =	ssettm $0x1  }
0x93: {  	s5 =	sld [smem:$0x3FFB];
	_ =	sdelay $0x3  }
0x94: {  	_ =	strace s5  }
0x95: {  	s5 =	sld [smem:$0x3FFC];
	_ =	sdelay $0x3  }
0x96: {  	_ =	strace s5  }
0x97: {  	s5 =	sld [smem:$0x3FFD];
	_ =	sdelay $0x3  }
0x98: {  	_ =	strace s5  }
0x99: {  	_ =	strace $0x8FFFFFFF  }
0x9a: {  	s19 =	sld [smem:$0x3FDB];
	_ =	sdelay $0x1  }
0x9b: {  	s6 =	simm.s32 $_scs_section_size  }
0x9c: {  	s7 =	simm.s32 $_size__tile_overlayer_lowered;
	s8 =	simm.s32 $_tile_overlayer_lowered  }
0x9d: {  	s22 =	simm.s32 $0x1BFF;
	s21 =	sshll.u32 s8, $0x1;
	s5 =	sadd.s32 s6, s19  }
0x9e: {  	s9 =	simm.s32 $0x0;
	s20 =	sshll.u32 s7, $0x1;
	s7 =	sadd.s32 s21, s5  }
0x9f: {  	[timem:s9], [sflag:s22] =	dma.local [hbm:s7], s20  }
0xa0: {  	_ =	swait.ge [sflag:s22], s20  }
0xa1: {  	s6 =	ssub.s32 $0x0, s20;
	[sflag:s22] =	ssyncset.done $0x0  }
0xa2: {  	[sflag:s22] =	ssyncadd.s32 s6;
	_ =	sdelay $0x1  }
0xa3: {  	s23 =	simm.s32 $0x1B8B  }
0xa4: {  	_ =	swait.ge [sflag:s23], $0x1  }
0xa5: {  	[sflag:s23] =	ssyncset.done $0x0  }
0xa6: {  	s25 =	simm.s32 $0x1B8E;
	s24 =	sld [smem:$0x3FFE];
	[sflag:s23] =	ssyncadd.s32 $0xFFFFFFFF  }
0xa7: {  	s26 =	simm.s32 $execute0_lowered;
	[smem:$0x3FD2] =	sst s25  }
0xa8: {  	s7 =	sshll.u32 s26, $0x1;
	_ =	strace $0x80000046;
	[dreg:$0x1] =	wrdreg $0xFFFFFFFF  }
0xa9: {  	s28 =	simm.s32 $_size_execute0_lowered;
	s5 =	sadd.s32 s5, s7;
	[dreg:$0x0] =	wrdreg $0x0  }
0xaa: {  	s7 =	sshll.u32 s28, $0x1;
	[dreg:$0x2] =	wrdreg s5  }
0xab: {  	[dreg:$0x3] =	wrdreg s7  }
0xac: {  	[dreg:$0x4] =	wrdreg $0xC0  }
0xad: {  	_ =	task [dreg:s9], $0x5FFFF  }
0xae: {  	[dreg:$0x1] =	wrdreg $0xFFFFFFFF  }
0xaf: {  	[dreg:$0x0] =	wrdreg $0x60  }
0xb0: {  	[dreg:$0x2] =	wrdreg s2  }
0xb1: {  	[dreg:$0x3] =	wrdreg s18  }
0xb2: {  	[dreg:$0x4] =	wrdreg s24  }
0xb3: {  	[dreg:$0x5] =	wrdreg s4  }
0xb4: {  	[dreg:$0x6] =	wrdreg $0x9  }
0xb5: {  	_ =	task.clear_ibuf [dreg:s9], $0x7FFFF;
	_ =	strace $0x90000046  }
0xb6: {  	s29 =	simm.s32 $0x9;
	_ =	strace $0x80000048  }
0xb7: {  	_ =	swait.ge [sflag:s29], $0x1  }
0xb8: {  	[sflag:s29] =	ssyncadd.s32 $0xFFFFFFFF  }
0xb9: {  	_ =	strace $0x90000048  }
0xba: {  	_ =	sfence  }
0xbb: {  	s30 =	sld [smem:$0x0];
	_ =	sdelay $0x2  }
0xbc: {  	s31 =	sshll.u32 s1, $0xD;
	s1 =	sshrl.u32 s1, $0x2  }
0xbd: {  	s3 =	sand.u32 $0x4000, s31;
	s1 =	sadd.s32 s1, s30  }
0xbe: {  	s0 =	sor.u32 s3, s0;
	s1 =	sshll.u32 s1, $0x11  }
0xbf: {  	s0 =	sor.u32 s1, s0  }
0xc0: {  	s0 =	sadd.s32 $0x8F2B, s0  }
0xc1: {  	[sflag:s0] =	ssyncadd.remote.s32 $0x1  }
0xc2: {  	_ =	sfence.sel $0xFFFF  }
0xc3: {  	[dreg:$0x0] =	wrdreg $0xFFFFFFFF;
	(pc) =	sbr.abs _section_cstart, $3  }
0xc4: {  	[dreg:$0x1] =	wrdreg $0xFFFFFFFF  }
0xc5: {  	_ =	task.clear_ibuf [dreg:s9], $0x2FFFF;
	_ =	strace $0x9FFFFFFF  }
0xc6: {  	(tm) =	ssettm $0x7FFFFFFF  }
0xc7: {  	_ =	shalt  }
tec
execute0_lowered:
.L_overlay_start_1:
0x0: {  	(tag) =	ssettag $0x1  }
0x1: {  	s1 =	rddreg [dreg:$0x0]  }
0x2: {  	s2 =	rddreg [dreg:$0x1]  }
0x3: {  	s5 =	rddreg [dreg:$0x2]  }
0x4: {  	s7 =	rddreg [dreg:$0x3]  }
0x5: {  	s0 =	rddreg [dreg:$0x4]  }
0x6: {  	s6 =	srdreg.scid;
	s3 =	stileid.u32  }
0x7: {  	s4 =	simm.s32 $0x0;
	s11 =	simm.s32 $0x50;
	s12 =	simm.s32 $0x8000  }
0x8: {  	v0 =	vlaneseq.u32;
	s13 =	simm.s32 $0xA800;
	s14 =	simm.s32 $0x1;
	s15 =	simm.s32 $0x12000  }
0x9: {  	s16 =	simm.s32 $0x2;
	s17 =	simm.s32 $0x12100;
	s18 =	simm.s32 $0x0;
	v0 =	vmul.u32 $0x10, v0  }
0xa: {  	s6 =	sand.u32 $0x1, s6;
	s8 =	sshll.u32 s3, $0x1;
	[smem:$0x7FF] =	sst s4  }
.Ltmp0:
0xb: {  	s8 =	sor.u32 s6, s8;
	s6 =	ssub.s32 $0x2, s6;
	v1 =	vor.u32 $0x1, v0;
	v2 =	vor.u32 $0x2, v0;
	v3 =	vor.u32 $0x3, v0;
	(pc) =	sbr.rel .LBB2_1-.Ltmp0, $4  }
0xc: {  	s9 =	sshll.u32 s8, $0xB;
	s31 =	sshrl.u32 s6, $0x1;
	s8 =	smul.u32 $0x4E2, s8;
	v4 =	vor.u32 $0x4, v0;
	v5 =	vor.u32 $0x5, v0;
	v6 =	vor.u32 $0x6, v0  }
0xd: {  	_ =	strace $0x80000047;
	v7 =	vor.u32 $0x7, v0;
	v8 =	vor.u32 $0x8, v0;
	v9 =	vor.u32 $0x9, v0;
	s9 =	sadd.s32 s9, s5;
	s10 =	ssub.s32 s6, s31  }
0xe: {  	v10 =	vor.u32 $0xA, v0;
	v11 =	vor.u32 $0xB, v0;
	v12 =	vor.u32 $0xC, v0;
	s5 =	sadd.s32 $0x10200, s9;
	s6 =	sadd.s32 $0x200, s9;
	s7 =	sadd.s32 s7, s8  }
0xf: {  	v13 =	vor.u32 $0xD, v0;
	v14 =	vor.u32 $0xE, v0;
	v15 =	vor.u32 $0xF, v0;
	s8 =	smax.u32 s10, $0x1;
	s9 =	simm.s32 $0x3;
	s10 =	simm.s32 $0x4000  }
.LBB2_8:
0x10: {  	s18 =	sadd.s32 $0x1, s18  }
0x11: {  	p0 =	sne.s32 s18, s8  }
.Ltmp1:
0x12: {  	_ = 	snop;
	(pc) =	sbr.rel @!p0 .LBB2_9-.Ltmp1, $4  }
0x13: {  	[hbm4b:s7+s4] =	stream.linear.scatter [tilespmem:s17], [sflag:$0x3], $0x2710, $0x38;
	[tilespmem:$0x14880] =	vst v63  }
0x14: {  	_ =	swait.ge [sflag:s9], $0x2710  }
0x15: {  	[sflag:s9] =	ssyncset.done $0x0  }
0x16: {  	[sflag:s9] =	ssyncadd.s32 $0xFFFFD8F0  }
.LBB2_1:
0x17: {  	[tilespmem:s4], [sflag:$0x3] =	stream.linear.gather [hbm4b:s5+s4], $0x3E80, $0x38;
	[tilespmem:$0x14880] =	vst v63  }
0x18: {  	_ =	swait.ge [sflag:s9], $0x3E80  }
0x19: {  	[sflag:s9] =	ssyncset.done $0x0  }
0x1a: {  	[sflag:s9] =	ssyncadd.s32 $0xFFFFC180  }
0x1b: {  	[tilespmem:s10], [sflag:$0x3] =	stream.linear.gather [hbm4b:s6+s4], $0x3E80, $0x38;
	[tilespmem:$0x14880] =	vst v63  }
0x1c: {  	_ =	swait.ge [sflag:s9], $0x3E80  }
.Ltmp2:
0x1d: {  	[sflag:s9] =	ssyncset.done $0x0;
	(pc) =	sbr.rel .LBB2_2-.Ltmp2, $4  }
0x1e: {  	[sflag:s9] =	ssyncadd.s32 $0xFFFFC180  }
0x1f: {  	[tilespmem:s12], [sflag:$0x1] =	stream.indirect.gather [hbm4b:s1+s11], $0x80, s4, s11, $0xb8;
	[tilespmem:$0x14880] =	vst v63  }
0x20: {  	s19 =	simm.s32 $0x0  }
0x21: {  	[tilespmem:s13], [sflag:$0x1] =	stream.indirect.gather [hbm4b:s2+s11], $0x80, s10, s11, $0xb8;
	[tilespmem:$0x14880] =	vst v63  }
.LBB2_7:
0x22: {  	s19 =	sadd.s32 $0x1, s19  }
0x23: {  	p0 =	sne.s32 s19, $0x3F  }
.Ltmp3:
0x24: {  	_ = 	snop;
	(pc) =	sbr.rel @!p0 .LBB2_8-.Ltmp3, $1  }
0x25: {  	_ =	sdelay $0x3  }
.LBB2_2:
0x26: {  	s20 =	sshllo.u32 s19, $0x1  }
0x27: {  	p0 =	sgt.u32 s20, $0x7C  }
0x28: {  	s21 =	sshll.u32 @!p0 s20, $0x7;
	s22 =	simm.s32 @!p0 $0x50;
	s23 =	simm.s32 @!p0 $0xD000  }
0x29: {  	[tilespmem:s23], [sflag:$0x2] =	stream.indirect.gather @!p0 [hbm4b:s1+s22], $0x80, s21, s22, $0xb8;
	[tilespmem:$0x14880] =	vst v63  }
0x2a: {  	s21 =	sadd.s32 @!p0 $0x4000, s21;
	s23 =	simm.s32 @!p0 $0xF800  }
0x2b: {  	[tilespmem:s23], [sflag:$0x2] =	stream.indirect.gather @!p0 [hbm4b:s2+s22], $0x80, s21, s22, $0xb8;
	[tilespmem:$0x14880] =	vst v63  }
0x2c: {  	_ =	swait.ge [sflag:s14], $0x2800  }
0x2d: {  	s30 =	smul.u32 $0x280, s19;
	[sflag:s14] =	ssyncset.done $0x0  }
0x2e: {  	[sflag:s14] =	ssyncadd.s32 $0xFFFFD800  }
0x2f: {  	s21 =	sshra.s32 s30, $0x2;
	_ =	swait.ge [sflag:s14], $0x2800  }
0x30: {  	s31 =	sadd.s32 $0x12100, s21;
	[sflag:s14] =	ssyncset.done $0x0  }
0x31: {  	s21 =	simm.s32 $0x0;
	v16 =	vmov s31;
	[sflag:s14] =	ssyncadd.s32 $0xFFFFD800  }
.LBB2_3:
0x32: {  	s22 =	sshll.u32 s21, $0xB  }
0x33: {  	v17 =	vld [tilespmem:s22+$0x8000]  }
0x34: {  	v18 =	vld [tilespmem:s22+$0xA800]  }
0x35: {  	v19 =	vld [tilespmem:s22+$0x8010]  }
0x36: {  	v20 =	vld [tilespmem:s22+$0xA810]  }
0x37: {  	v21 =	vld [tilespmem:s22+$0x8020]  }
0x38: {  	v22 =	vld [tilespmem:s22+$0xA820]  }
0x39: {  	v23 =	vld [tilespmem:s22+$0x8030]  }
0x3a: {  	v24 =	vld [tilespmem:s22+$0xA830]  }
0x3b: {  	v32 =	vld [tilespmem:s22+$0xA840];
	v17 =	vmul.f32 v18, v17;
	v18 =	vmul.f32 v20, v19  }
0x3c: {  	v19 =	vld [tilespmem:s22+$0x8040]  }
0x3d: {  	v33 =	vld [tilespmem:s22+$0x8050];
	v17 =	vadd.f32 v18, v17;
	v18 =	vmul.f32 v22, v21  }
0x3e: {  	v34 =	vld [tilespmem:s22+$0xA850]  }
0x3f: {  	v35 =	vld [tilespmem:s22+$0x8060];
	v17 =	vadd.f32 v18, v17;
	v18 =	vmul.f32 v24, v23  }
0x40: {  	v36 =	vld [tilespmem:s22+$0xA860]  }
0x41: {  	v37 =	vld [tilespmem:s22+$0xA870];
	v17 =	vadd.f32 v18, v17;
	v18 =	vmul.f32 v32, v19  }
0x42: {  	v19 =	vld [tilespmem:s22+$0x8070]  }
0x43: {  	v17 =	vadd.f32 v18, v17;
	v18 =	vmul.f32 v34, v33;
	_ =	sdelay $0x1  }
0x44: {  	v17 =	vadd.f32 v18, v17;
	v18 =	vmul.f32 v36, v35;
	_ =	sdelay $0x1  }
0x45: {  	v17 =	vadd.f32 v18, v17;
	v18 =	vmul.f32 v37, v19;
	_ =	sdelay $0x1  }
0x46: {  	v17 =	vadd.f32 v18, v17;
	_ =	sdelay $0x1  }
0x47: {  	[tilespmem:$0x12000] =	vst v17  }
0x48: {  	v17 =	vld [tilespmem:s22+$0x8080]  }
0x49: {  	v18 =	vld [tilespmem:s22+$0xA880]  }
0x4a: {  	v19 =	vld [tilespmem:s22+$0x8090]  }
0x4b: {  	v38 =	vld [tilespmem:s22+$0xA890]  }
0x4c: {  	v39 =	vld [tilespmem:s22+$0x80A0]  }
0x4d: {  	v40 =	vld [tilespmem:s22+$0xA8A0]  }
0x4e: {  	v41 =	vld [tilespmem:s22+$0x80B0]  }
0x4f: {  	v42 =	vld [tilespmem:s22+$0xA8B0]  }
0x50: {  	v43 =	vld [tilespmem:s22+$0xA8C0];
	v17 =	vmul.f32 v18, v17;
	v18 =	vmul.f32 v38, v19  }
0x51: {  	v19 =	vld [tilespmem:s22+$0x80C0]  }
0x52: {  	v44 =	vld [tilespmem:s22+$0x80D0];
	v17 =	vadd.f32 v18, v17;
	v18 =	vmul.f32 v40, v39  }
0x53: {  	v45 =	vld [tilespmem:s22+$0xA8D0]  }
0x54: {  	v46 =	vld [tilespmem:s22+$0x80E0];
	v17 =	vadd.f32 v18, v17;
	v18 =	vmul.f32 v42, v41  }
0x55: {  	v47 =	vld [tilespmem:s22+$0xA8E0]  }
0x56: {  	v48 =	vld [tilespmem:s22+$0xA8F0];
	v17 =	vadd.f32 v18, v17;
	v18 =	vmul.f32 v43, v19  }
0x57: {  	v19 =	vld [tilespmem:s22+$0x80F0]  }
0x58: {  	v17 =	vadd.f32 v18, v17;
	v18 =	vmul.f32 v45, v44;
	_ =	sdelay $0x1  }
0x59: {  	v17 =	vadd.f32 v18, v17;
	v18 =	vmul.f32 v47, v46;
	_ =	sdelay $0x1  }
0x5a: {  	v17 =	vadd.f32 v18, v17;
	v18 =	vmul.f32 v48, v19;
	_ =	sdelay $0x1  }
0x5b: {  	v17 =	vadd.f32 v18, v17;
	_ =	sdelay $0x1  }
0x5c: {  	[tilespmem:$0x12010] =	vst v17  }
0x5d: {  	v17 =	vld [tilespmem:s22+$0x8100]  }
0x5e: {  	v18 =	vld [tilespmem:s22+$0xA900]  }
0x5f: {  	v19 =	vld [tilespmem:s22+$0x8110]  }
0x60: {  	v49 =	vld [tilespmem:s22+$0xA910]  }
0x61: {  	v50 =	vld [tilespmem:s22+$0x8120]  }
0x62: {  	v51 =	vld [tilespmem:s22+$0xA920]  }
0x63: {  	v52 =	vld [tilespmem:s22+$0x8130]  }
0x64: {  	v53 =	vld [tilespmem:s22+$0xA930]  }
0x65: {  	v54 =	vld [tilespmem:s22+$0xA940];
	v17 =	vmul.f32 v18, v17;
	v18 =	vmul.f32 v49, v19  }
0x66: {  	v19 =	vld [tilespmem:s22+$0x8140]  }
0x67: {  	v55 =	vld [tilespmem:s22+$0x8150];
	v17 =	vadd.f32 v18, v17;
	v18 =	vmul.f32 v51, v50  }
0x68: {  	v56 =	vld [tilespmem:s22+$0xA950]  }
0x69: {  	v57 =	vld [tilespmem:s22+$0x8160];
	v17 =	vadd.f32 v18, v17;
	v18 =	vmul.f32 v53, v52  }
0x6a: {  	v58 =	vld [tilespmem:s22+$0xA960]  }
0x6b: {  	v59 =	vld [tilespmem:s22+$0xA970];
	v17 =	vadd.f32 v18, v17;
	v18 =	vmul.f32 v54, v19  }
0x6c: {  	v19 =	vld [tilespmem:s22+$0x8170]  }
0x6d: {  	v17 =	vadd.f32 v18, v17;
	v18 =	vmul.f32 v56, v55;
	_ =	sdelay $0x1  }
0x6e: {  	v17 =	vadd.f32 v18, v17;
	v18 =	vmul.f32 v58, v57;
	_ =	sdelay $0x1  }
0x6f: {  	v17 =	vadd.f32 v18, v17;
	v18 =	vmul.f32 v59, v19;
	_ =	sdelay $0x1  }
0x70: {  	v17 =	vadd.f32 v18, v17;
	_ =	sdelay $0x1  }
0x71: {  	[tilespmem:$0x12020] =	vst v17  }
0x72: {  	v17 =	vld [tilespmem:s22+$0x8180]  }
0x73: {  	v18 =	vld [tilespmem:s22+$0xA980]  }
0x74: {  	v19 =	vld [tilespmem:s22+$0x8190]  }
0x75: {  	v60 =	vld [tilespmem:s22+$0xA990]  }
0x76: {  	v61 =	vld [tilespmem:s22+$0x81A0]  }
0x77: {  	v62 =	vld [tilespmem:s22+$0xA9A0]  }
0x78: {  	v63 =	vld [tilespmem:s22+$0x81B0]  }
0x79: {  	v28 =	vld [tilespmem:s22+$0xA9B0]  }
0x7a: {  	v29 =	vld [tilespmem:s22+$0xA9C0];
	v17 =	vmul.f32 v18, v17;
	v18 =	vmul.f32 v60, v19  }
0x7b: {  	v19 =	vld [tilespmem:s22+$0x81C0]  }
0x7c: {  	v30 =	vld [tilespmem:s22+$0x81D0];
	v17 =	vadd.f32 v18, v17;
	v18 =	vmul.f32 v62, v61  }
0x7d: {  	v31 =	vld [tilespmem:s22+$0xA9D0]  }
0x7e: {  	v32 =	vld [tilespmem:s22+$0x81E0];
	v17 =	vadd.f32 v18, v17;
	v18 =	vmul.f32 v28, v63  }
0x7f: {  	v33 =	vld [tilespmem:s22+$0xA9E0]  }
0x80: {  	v34 =	vld [tilespmem:s22+$0xA9F0];
	v17 =	vadd.f32 v18, v17;
	v18 =	vmul.f32 v29, v19  }
0x81: {  	v19 =	vld [tilespmem:s22+$0x81F0]  }
0x82: {  	v17 =	vadd.f32 v18, v17;
	v18 =	vmul.f32 v31, v30;
	_ =	sdelay $0x1  }
0x83: {  	v17 =	vadd.f32 v18, v17;
	v18 =	vmul.f32 v33, v32;
	_ =	sdelay $0x1  }
0x84: {  	v17 =	vadd.f32 v18, v17;
	v18 =	vmul.f32 v34, v19;
	_ =	sdelay $0x1  }
0x85: {  	v17 =	vadd.f32 v18, v17;
	_ =	sdelay $0x1  }
0x86: {  	[tilespmem:$0x12030] =	vst v17  }
0x87: {  	v17 =	vld [tilespmem:s22+$0x8200]  }
0x88: {  	v18 =	vld [tilespmem:s22+$0xAA00]  }
0x89: {  	v19 =	vld [tilespmem:s22+$0x8210]  }
0x8a: {  	v35 =	vld [tilespmem:s22+$0xAA10]  }
0x8b: {  	v36 =	vld [tilespmem:s22+$0x8220]  }
0x8c: {  	v37 =	vld [tilespmem:s22+$0xAA20]  }
0x8d: {  	v38 =	vld [tilespmem:s22+$0x8230]  }
0x8e: {  	v39 =	vld [tilespmem:s22+$0xAA30]  }
0x8f: {  	v40 =	vld [tilespmem:s22+$0xAA40];
	v17 =	vmul.f32 v18, v17;
	v18 =	vmul.f32 v35, v19  }
0x90: {  	v19 =	vld [tilespmem:s22+$0x8240]  }
0x91: {  	v41 =	vld [tilespmem:s22+$0x8250];
	v17 =	vadd.f32 v18, v17;
	v18 =	vmul.f32 v37, v36  }
0x92: {  	v42 =	vld [tilespmem:s22+$0xAA50]  }
0x93: {  	v43 =	vld [tilespmem:s22+$0x8260];
	v17 =	vadd.f32 v18, v17;
	v18 =	vmul.f32 v39, v38  }
0x94: {  	v44 =	vld [tilespmem:s22+$0xAA60]  }
0x95: {  	v45 =	vld [tilespmem:s22+$0xAA70];
	v17 =	vadd.f32 v18, v17;
	v18 =	vmul.f32 v40, v19  }
0x96: {  	v19 =	vld [tilespmem:s22+$0x8270]  }
0x97: {  	v17 =	vadd.f32 v18, v17;
	v18 =	vmul.f32 v42, v41;
	_ =	sdelay $0x1  }
0x98: {  	v17 =	vadd.f32 v18, v17;
	v18 =	vmul.f32 v44, v43;
	_ =	sdelay $0x1  }
0x99: {  	v17 =	vadd.f32 v18, v17;
	v18 =	vmul.f32 v45, v19;
	_ =	sdelay $0x1  }
0x9a: {  	v17 =	vadd.f32 v18, v17;
	_ =	sdelay $0x1  }
0x9b: {  	[tilespmem:$0x12040] =	vst v17  }
0x9c: {  	v17 =	vld [tilespmem:s22+$0x8280]  }
0x9d: {  	v18 =	vld [tilespmem:s22+$0xAA80]  }
0x9e: {  	v19 =	vld [tilespmem:s22+$0x8290]  }
0x9f: {  	v46 =	vld [tilespmem:s22+$0xAA90]  }
0xa0: {  	v47 =	vld [tilespmem:s22+$0x82A0]  }
0xa1: {  	v48 =	vld [tilespmem:s22+$0xAAA0]  }
0xa2: {  	v49 =	vld [tilespmem:s22+$0x82B0]  }
0xa3: {  	v50 =	vld [tilespmem:s22+$0xAAB0]  }
0xa4: {  	v51 =	vld [tilespmem:s22+$0xAAC0];
	v17 =	vmul.f32 v18, v17;
	v18 =	vmul.f32 v46, v19  }
0xa5: {  	v19 =	vld [tilespmem:s22+$0x82C0]  }
0xa6: {  	v52 =	vld [tilespmem:s22+$0x82D0];
	v17 =	vadd.f32 v18, v17;
	v18 =	vmul.f32 v48, v47  }
0xa7: {  	v53 =	vld [tilespmem:s22+$0xAAD0]  }
0xa8: {  	v54 =	vld [tilespmem:s22+$0x82E0];
	v17 =	vadd.f32 v18, v17;
	v18 =	vmul.f32 v50, v49  }
0xa9: {  	v55 =	vld [tilespmem:s22+$0xAAE0]  }
0xaa: {  	v56 =	vld [tilespmem:s22+$0xAAF0];
	v17 =	vadd.f32 v18, v17;
	v18 =	vmul.f32 v51, v19  }
0xab: {  	v19 =	vld [tilespmem:s22+$0x82F0]  }
0xac: {  	v17 =	vadd.f32 v18, v17;
	v18 =	vmul.f32 v53, v52;
	_ =	sdelay $0x1  }
0xad: {  	v17 =	vadd.f32 v18, v17;
	v18 =	vmul.f32 v55, v54;
	_ =	sdelay $0x1  }
0xae: {  	v17 =	vadd.f32 v18, v17;
	v18 =	vmul.f32 v56, v19;
	_ =	sdelay $0x1  }
0xaf: {  	v17 =	vadd.f32 v18, v17;
	_ =	sdelay $0x1  }
0xb0: {  	[tilespmem:$0x12050] =	vst v17  }
0xb1: {  	v17 =	vld [tilespmem:s22+$0x8300]  }
0xb2: {  	v18 =	vld [tilespmem:s22+$0xAB00]  }
0xb3: {  	v19 =	vld [tilespmem:s22+$0x8310]  }
0xb4: {  	v57 =	vld [tilespmem:s22+$0xAB10]  }
0xb5: {  	v58 =	vld [tilespmem:s22+$0x8320]  }
0xb6: {  	v59 =	vld [tilespmem:s22+$0xAB20]  }
0xb7: {  	v60 =	vld [tilespmem:s22+$0x8330]  }
0xb8: {  	v61 =	vld [tilespmem:s22+$0xAB30]  }
0xb9: {  	v62 =	vld [tilespmem:s22+$0xAB40];
	v17 =	vmul.f32 v18, v17;
	v18 =	vmul.f32 v57, v19  }
0xba: {  	v19 =	vld [tilespmem:s22+$0x8340]  }
0xbb: {  	v63 =	vld [tilespmem:s22+$0x8350];
	v17 =	vadd.f32 v18, v17;
	v18 =	vmul.f32 v59, v58  }
0xbc: {  	v28 =	vld [tilespmem:s22+$0xAB50]  }
0xbd: {  	v29 =	vld [tilespmem:s22+$0x8360];
	v17 =	vadd.f32 v18, v17;
	v18 =	vmul.f32 v61, v60  }
0xbe: {  	v30 =	vld [tilespmem:s22+$0xAB60]  }
0xbf: {  	v31 =	vld [tilespmem:s22+$0xAB70];
	v17 =	vadd.f32 v18, v17;
	v18 =	vmul.f32 v62, v19  }
0xc0: {  	v19 =	vld [tilespmem:s22+$0x8370]  }
0xc1: {  	v17 =	vadd.f32 v18, v17;
	v18 =	vmul.f32 v28, v63;
	_ =	sdelay $0x1  }
0xc2: {  	v17 =	vadd.f32 v18, v17;
	v18 =	vmul.f32 v30, v29;
	_ =	sdelay $0x1  }
0xc3: {  	v17 =	vadd.f32 v18, v17;
	v18 =	vmul.f32 v31, v19;
	_ =	sdelay $0x1  }
0xc4: {  	v17 =	vadd.f32 v18, v17;
	_ =	sdelay $0x1  }
0xc5: {  	[tilespmem:$0x12060] =	vst v17  }
0xc6: {  	v17 =	vld [tilespmem:s22+$0x8380]  }
0xc7: {  	v18 =	vld [tilespmem:s22+$0xAB80]  }
0xc8: {  	v19 =	vld [tilespmem:s22+$0x8390]  }
0xc9: {  	v32 =	vld [tilespmem:s22+$0xAB90]  }
0xca: {  	v33 =	vld [tilespmem:s22+$0x83A0]  }
0xcb: {  	v34 =	vld [tilespmem:s22+$0xABA0]  }
0xcc: {  	v35 =	vld [tilespmem:s22+$0x83B0]  }
0xcd: {  	v36 =	vld [tilespmem:s22+$0xABB0]  }
0xce: {  	v37 =	vld [tilespmem:s22+$0xABC0];
	v17 =	vmul.f32 v18, v17;
	v18 =	vmul.f32 v32, v19  }
0xcf: {  	v19 =	vld [tilespmem:s22+$0x83C0]  }
0xd0: {  	v38 =	vld [tilespmem:s22+$0x83D0];
	v17 =	vadd.f32 v18, v17;
	v18 =	vmul.f32 v34, v33  }
0xd1: {  	v39 =	vld [tilespmem:s22+$0xABD0]  }
0xd2: {  	v40 =	vld [tilespmem:s22+$0x83E0];
	v17 =	vadd.f32 v18, v17;
	v18 =	vmul.f32 v36, v35  }
0xd3: {  	v41 =	vld [tilespmem:s22+$0xABE0]  }
0xd4: {  	v42 =	vld [tilespmem:s22+$0xABF0];
	v17 =	vadd.f32 v18, v17;
	v18 =	vmul.f32 v37, v19  }
0xd5: {  	v19 =	vld [tilespmem:s22+$0x83F0]  }
0xd6: {  	v17 =	vadd.f32 v18, v17;
	v18 =	vmul.f32 v39, v38;
	_ =	sdelay $0x1  }
0xd7: {  	v17 =	vadd.f32 v18, v17;
	v18 =	vmul.f32 v41, v40;
	_ =	sdelay $0x1  }
0xd8: {  	v17 =	vadd.f32 v18, v17;
	v18 =	vmul.f32 v42, v19;
	_ =	sdelay $0x1  }
0xd9: {  	v17 =	vadd.f32 v18, v17;
	_ =	sdelay $0x1  }
0xda: {  	[tilespmem:$0x12070] =	vst v17  }
0xdb: {  	v17 =	vld [tilespmem:s22+$0x8400]  }
0xdc: {  	v18 =	vld [tilespmem:s22+$0xAC00]  }
0xdd: {  	v19 =	vld [tilespmem:s22+$0x8410]  }
0xde: {  	v43 =	vld [tilespmem:s22+$0xAC10]  }
0xdf: {  	v44 =	vld [tilespmem:s22+$0x8420]  }
0xe0: {  	v45 =	vld [tilespmem:s22+$0xAC20]  }
0xe1: {  	v46 =	vld [tilespmem:s22+$0x8430]  }
0xe2: {  	v47 =	vld [tilespmem:s22+$0xAC30]  }
0xe3: {  	v48 =	vld [tilespmem:s22+$0xAC40];
	v17 =	vmul.f32 v18, v17;
	v18 =	vmul.f32 v43, v19  }
0xe4: {  	v19 =	vld [tilespmem:s22+$0x8440]  }
0xe5: {  	v49 =	vld [tilespmem:s22+$0x8450];
	v17 =	vadd.f32 v18, v17;
	v18 =	vmul.f32 v45, v44  }
0xe6: {  	v50 =	vld [tilespmem:s22+$0xAC50]  }
0xe7: {  	v51 =	vld [tilespmem:s22+$0x8460];
	v17 =	vadd.f32 v18, v17;
	v18 =	vmul.f32 v47, v46  }
0xe8: {  	v52 =	vld [tilespmem:s22+$0xAC60]  }
0xe9: {  	v53 =	vld [tilespmem:s22+$0xAC70];
	v17 =	vadd.f32 v18, v17;
	v18 =	vmul.f32 v48, v19  }
0xea: {  	v19 =	vld [tilespmem:s22+$0x8470]  }
0xeb: {  	v17 =	vadd.f32 v18, v17;
	v18 =	vmul.f32 v50, v49;
	_ =	sdelay $0x1  }
0xec: {  	v17 =	vadd.f32 v18, v17;
	v18 =	vmul.f32 v52, v51;
	_ =	sdelay $0x1  }
0xed: {  	v17 =	vadd.f32 v18, v17;
	v18 =	vmul.f32 v53, v19;
	_ =	sdelay $0x1  }
0xee: {  	v17 =	vadd.f32 v18, v17;
	_ =	sdelay $0x1  }
0xef: {  	[tilespmem:$0x12080] =	vst v17  }
0xf0: {  	v17 =	vld [tilespmem:s22+$0x8480]  }
0xf1: {  	v18 =	vld [tilespmem:s22+$0xAC80]  }
0xf2: {  	v19 =	vld [tilespmem:s22+$0x8490]  }
0xf3: {  	v54 =	vld [tilespmem:s22+$0xAC90]  }
0xf4: {  	v55 =	vld [tilespmem:s22+$0x84A0]  }
0xf5: {  	v56 =	vld [tilespmem:s22+$0xACA0]  }
0xf6: {  	v57 =	vld [tilespmem:s22+$0x84B0]  }
0xf7: {  	v58 =	vld [tilespmem:s22+$0xACB0]  }
0xf8: {  	v59 =	vld [tilespmem:s22+$0xACC0];
	v17 =	vmul.f32 v18, v17;
	v18 =	vmul.f32 v54, v19  }
0xf9: {  	v19 =	vld [tilespmem:s22+$0x84C0]  }
0xfa: {  	v60 =	vld [tilespmem:s22+$0x84D0];
	v17 =	vadd.f32 v18, v17;
	v18 =	vmul.f32 v56, v55  }
0xfb: {  	v61 =	vld [tilespmem:s22+$0xACD0]  }
0xfc: {  	v62 =	vld [tilespmem:s22+$0x84E0];
	v17 =	vadd.f32 v18, v17;
	v18 =	vmul.f32 v58, v57  }
0xfd: {  	v63 =	vld [tilespmem:s22+$0xACE0]  }
0xfe: {  	v28 =	vld [tilespmem:s22+$0xACF0];
	v17 =	vadd.f32 v18, v17;
	v18 =	vmul.f32 v59, v19  }
0xff: {  	v19 =	vld [tilespmem:s22+$0x84F0]  }
0x100: {  	v17 =	vadd.f32 v18, v17;
	v18 =	vmul.f32 v61, v60;
	_ =	sdelay $0x1  }
0x101: {  	v17 =	vadd.f32 v18, v17;
	v18 =	vmul.f32 v63, v62;
	_ =	sdelay $0x1  }
0x102: {  	v17 =	vadd.f32 v18, v17;
	v18 =	vmul.f32 v28, v19;
	_ =	sdelay $0x1  }
0x103: {  	v17 =	vadd.f32 v18, v17;
	_ =	sdelay $0x1  }
0x104: {  	[tilespmem:$0x12090] =	vst v17  }
0x105: {  	v17 =	vld [tilespmem:s22+$0x8500]  }
0x106: {  	v18 =	vld [tilespmem:s22+$0xAD00]  }
0x107: {  	v19 =	vld [tilespmem:s22+$0x8510]  }
0x108: {  	v29 =	vld [tilespmem:s22+$0xAD10]  }
0x109: {  	v30 =	vld [tilespmem:s22+$0x8520]  }
0x10a: {  	v31 =	vld [tilespmem:s22+$0xAD20]  }
0x10b: {  	v32 =	vld [tilespmem:s22+$0x8530]  }
0x10c: {  	v33 =	vld [tilespmem:s22+$0xAD30]  }
0x10d: {  	v34 =	vld [tilespmem:s22+$0xAD40];
	v17 =	vmul.f32 v18, v17;
	v18 =	vmul.f32 v29, v19  }
0x10e: {  	v19 =	vld [tilespmem:s22+$0x8540]  }
0x10f: {  	v35 =	vld [tilespmem:s22+$0x8550];
	v17 =	vadd.f32 v18, v17;
	v18 =	vmul.f32 v31, v30  }
0x110: {  	v36 =	vld [tilespmem:s22+$0xAD50]  }
0x111: {  	v37 =	vld [tilespmem:s22+$0x8560];
	v17 =	vadd.f32 v18, v17;
	v18 =	vmul.f32 v33, v32  }
0x112: {  	v38 =	vld [tilespmem:s22+$0xAD60]  }
0x113: {  	v39 =	vld [tilespmem:s22+$0xAD70];
	v17 =	vadd.f32 v18, v17;
	v18 =	vmul.f32 v34, v19  }
0x114: {  	v19 =	vld [tilespmem:s22+$0x8570]  }
0x115: {  	v17 =	vadd.f32 v18, v17;
	v18 =	vmul.f32 v36, v35;
	_ =	sdelay $0x1  }
0x116: {  	v17 =	vadd.f32 v18, v17;
	v18 =	vmul.f32 v38, v37;
	_ =	sdelay $0x1  }
0x117: {  	v17 =	vadd.f32 v18, v17;
	v18 =	vmul.f32 v39, v19;
	_ =	sdelay $0x1  }
0x118: {  	v17 =	vadd.f32 v18, v17;
	_ =	sdelay $0x1  }
0x119: {  	[tilespmem:$0x120A0] =	vst v17  }
0x11a: {  	v17 =	vld [tilespmem:s22+$0x8580]  }
0x11b: {  	v18 =	vld [tilespmem:s22+$0xAD80]  }
0x11c: {  	v19 =	vld [tilespmem:s22+$0x8590]  }
0x11d: {  	v40 =	vld [tilespmem:s22+$0xAD90]  }
0x11e: {  	v41 =	vld [tilespmem:s22+$0x85A0]  }
0x11f: {  	v42 =	vld [tilespmem:s22+$0xADA0]  }
0x120: {  	v43 =	vld [tilespmem:s22+$0x85B0]  }
0x121: {  	v44 =	vld [tilespmem:s22+$0xADB0]  }
0x122: {  	v45 =	vld [tilespmem:s22+$0xADC0];
	v17 =	vmul.f32 v18, v17;
	v18 =	vmul.f32 v40, v19  }
0x123: {  	v19 =	vld [tilespmem:s22+$0x85C0]  }
0x124: {  	v46 =	vld [tilespmem:s22+$0x85D0];
	v17 =	vadd.f32 v18, v17;
	v18 =	vmul.f32 v42, v41  }
0x125: {  	v47 =	vld [tilespmem:s22+$0xADD0]  }
0x126: {  	v48 =	vld [tilespmem:s22+$0x85E0];
	v17 =	vadd.f32 v18, v17;
	v18 =	vmul.f32 v44, v43  }
0x127: {  	v49 =	vld [tilespmem:s22+$0xADE0]  }
0x128: {  	v50 =	vld [tilespmem:s22+$0xADF0];
	v17 =	vadd.f32 v18, v17;
	v18 =	vmul.f32 v45, v19  }
0x129: {  	v19 =	vld [tilespmem:s22+$0x85F0]  }
0x12a: {  	v17 =	vadd.f32 v18, v17;
	v18 =	vmul.f32 v47, v46;
	_ =	sdelay $0x1  }
0x12b: {  	v17 =	vadd.f32 v18, v17;
	v18 =	vmul.f32 v49, v48;
	_ =	sdelay $0x1  }
0x12c: {  	v17 =	vadd.f32 v18, v17;
	v18 =	vmul.f32 v50, v19;
	_ =	sdelay $0x1  }
0x12d: {  	v17 =	vadd.f32 v18, v17;
	_ =	sdelay $0x1  }
0x12e: {  	[tilespmem:$0x120B0] =	vst v17  }
0x12f: {  	v17 =	vld [tilespmem:s22+$0x8600]  }
0x130: {  	v18 =	vld [tilespmem:s22+$0xAE00]  }
0x131: {  	v19 =	vld [tilespmem:s22+$0x8610]  }
0x132: {  	v51 =	vld [tilespmem:s22+$0xAE10]  }
0x133: {  	v52 =	vld [tilespmem:s22+$0x8620]  }
0x134: {  	v53 =	vld [tilespmem:s22+$0xAE20]  }
0x135: {  	v54 =	vld [tilespmem:s22+$0x8630]  }
0x136: {  	v55 =	vld [tilespmem:s22+$0xAE30]  }
0x137: {  	v56 =	vld [tilespmem:s22+$0xAE40];
	v17 =	vmul.f32 v18, v17;
	v18 =	vmul.f32 v51, v19  }
0x138: {  	v19 =	vld [tilespmem:s22+$0x8640]  }
0x139: {  	v57 =	vld [tilespmem:s22+$0x8650];
	v17 =	vadd.f32 v18, v17;
	v18 =	vmul.f32 v53, v52  }
0x13a: {  	v58 =	vld [tilespmem:s22+$0xAE50]  }
0x13b: {  	v59 =	vld [tilespmem:s22+$0x8660];
	v17 =	vadd.f32 v18, v17;
	v18 =	vmul.f32 v55, v54  }
0x13c: {  	v60 =	vld [tilespmem:s22+$0xAE60]  }
0x13d: {  	v61 =	vld [tilespmem:s22+$0xAE70];
	v17 =	vadd.f32 v18, v17;
	v18 =	vmul.f32 v56, v19  }
0x13e: {  	v19 =	vld [tilespmem:s22+$0x8670]  }
0x13f: {  	v17 =	vadd.f32 v18, v17;
	v18 =	vmul.f32 v58, v57;
	_ =	sdelay $0x1  }
0x140: {  	v17 =	vadd.f32 v18, v17;
	v18 =	vmul.f32 v60, v59;
	_ =	sdelay $0x1  }
0x141: {  	v17 =	vadd.f32 v18, v17;
	v18 =	vmul.f32 v61, v19;
	_ =	sdelay $0x1  }
0x142: {  	v17 =	vadd.f32 v18, v17;
	_ =	sdelay $0x1  }
0x143: {  	[tilespmem:$0x120C0] =	vst v17  }
0x144: {  	v17 =	vld [tilespmem:s22+$0x8680]  }
0x145: {  	v18 =	vld [tilespmem:s22+$0xAE80]  }
0x146: {  	v19 =	vld [tilespmem:s22+$0x8690]  }
0x147: {  	v62 =	vld [tilespmem:s22+$0xAE90]  }
0x148: {  	v63 =	vld [tilespmem:s22+$0x86A0]  }
0x149: {  	v28 =	vld [tilespmem:s22+$0xAEA0]  }
0x14a: {  	v29 =	vld [tilespmem:s22+$0x86B0]  }
0x14b: {  	v30 =	vld [tilespmem:s22+$0xAEB0]  }
0x14c: {  	v31 =	vld [tilespmem:s22+$0xAEC0];
	v17 =	vmul.f32 v18, v17;
	v18 =	vmul.f32 v62, v19  }
0x14d: {  	v19 =	vld [tilespmem:s22+$0x86C0]  }
0x14e: {  	v32 =	vld [tilespmem:s22+$0x86D0];
	v17 =	vadd.f32 v18, v17;
	v18 =	vmul.f32 v28, v63  }
0x14f: {  	v33 =	vld [tilespmem:s22+$0xAED0]  }
0x150: {  	v34 =	vld [tilespmem:s22+$0x86E0];
	v17 =	vadd.f32 v18, v17;
	v18 =	vmul.f32 v30, v29  }
0x151: {  	v35 =	vld [tilespmem:s22+$0xAEE0]  }
0x152: {  	v36 =	vld [tilespmem:s22+$0xAEF0];
	v17 =	vadd.f32 v18, v17;
	v18 =	vmul.f32 v31, v19  }
0x153: {  	v19 =	vld [tilespmem:s22+$0x86F0]  }
0x154: {  	v17 =	vadd.f32 v18, v17;
	v18 =	vmul.f32 v33, v32;
	_ =	sdelay $0x1  }
0x155: {  	v17 =	vadd.f32 v18, v17;
	v18 =	vmul.f32 v35, v34;
	_ =	sdelay $0x1  }
0x156: {  	v17 =	vadd.f32 v18, v17;
	v18 =	vmul.f32 v36, v19;
	_ =	sdelay $0x1  }
0x157: {  	v17 =	vadd.f32 v18, v17;
	_ =	sdelay $0x1  }
0x158: {  	[tilespmem:$0x120D0] =	vst v17  }
0x159: {  	v17 =	vld [tilespmem:s22+$0x8700]  }
0x15a: {  	v18 =	vld [tilespmem:s22+$0xAF00]  }
0x15b: {  	v19 =	vld [tilespmem:s22+$0x8710]  }
0x15c: {  	v37 =	vld [tilespmem:s22+$0xAF10]  }
0x15d: {  	v38 =	vld [tilespmem:s22+$0x8720]  }
0x15e: {  	v39 =	vld [tilespmem:s22+$0xAF20]  }
0x15f: {  	v40 =	vld [tilespmem:s22+$0x8730]  }
0x160: {  	v41 =	vld [tilespmem:s22+$0xAF30]  }
0x161: {  	v42 =	vld [tilespmem:s22+$0xAF40];
	v17 =	vmul.f32 v18, v17;
	v18 =	vmul.f32 v37, v19  }
0x162: {  	v19 =	vld [tilespmem:s22+$0x8740]  }
0x163: {  	v43 =	vld [tilespmem:s22+$0x8750];
	v17 =	vadd.f32 v18, v17;
	v18 =	vmul.f32 v39, v38  }
0x164: {  	v44 =	vld [tilespmem:s22+$0xAF50]  }
0x165: {  	v45 =	vld [tilespmem:s22+$0x8760];
	v17 =	vadd.f32 v18, v17;
	v18 =	vmul.f32 v41, v40  }
0x166: {  	v46 =	vld [tilespmem:s22+$0xAF60]  }
0x167: {  	v47 =	vld [tilespmem:s22+$0xAF70];
	v17 =	vadd.f32 v18, v17;
	v18 =	vmul.f32 v42, v19  }
0x168: {  	v19 =	vld [tilespmem:s22+$0x8770]  }
0x169: {  	v17 =	vadd.f32 v18, v17;
	v18 =	vmul.f32 v44, v43;
	_ =	sdelay $0x1  }
0x16a: {  	v17 =	vadd.f32 v18, v17;
	v18 =	vmul.f32 v46, v45;
	_ =	sdelay $0x1  }
0x16b: {  	v17 =	vadd.f32 v18, v17;
	v18 =	vmul.f32 v47, v19;
	_ =	sdelay $0x1  }
0x16c: {  	v17 =	vadd.f32 v18, v17;
	_ =	sdelay $0x1  }
0x16d: {  	[tilespmem:$0x120E0] =	vst v17  }
0x16e: {  	v17 =	vld [tilespmem:s22+$0x8780]  }
0x16f: {  	v18 =	vld [tilespmem:s22+$0xAF80]  }
0x170: {  	v19 =	vld [tilespmem:s22+$0x8790]  }
0x171: {  	v48 =	vld [tilespmem:s22+$0xAF90]  }
0x172: {  	v49 =	vld [tilespmem:s22+$0x87A0]  }
0x173: {  	v50 =	vld [tilespmem:s22+$0xAFA0]  }
0x174: {  	v51 =	vld [tilespmem:s22+$0x87B0]  }
0x175: {  	v52 =	vld [tilespmem:s22+$0xAFB0]  }
0x176: {  	v53 =	vld [tilespmem:s22+$0xAFC0];
	v17 =	vmul.f32 v18, v17;
	v18 =	vmul.f32 v48, v19  }
0x177: {  	v19 =	vld [tilespmem:s22+$0x87C0]  }
0x178: {  	v54 =	vld [tilespmem:s22+$0x87D0];
	v17 =	vadd.f32 v18, v17;
	v18 =	vmul.f32 v50, v49  }
0x179: {  	v55 =	vld [tilespmem:s22+$0xAFD0]  }
0x17a: {  	v56 =	vld [tilespmem:s22+$0x87E0];
	v17 =	vadd.f32 v18, v17;
	v18 =	vmul.f32 v52, v51  }
0x17b: {  	v57 =	vld [tilespmem:s22+$0xAFE0]  }
0x17c: {  	v58 =	vld [tilespmem:s22+$0xAFF0];
	v17 =	vadd.f32 v18, v17;
	v18 =	vmul.f32 v53, v19  }
0x17d: {  	v19 =	vld [tilespmem:s22+$0x87F0]  }
0x17e: {  	v17 =	vadd.f32 v18, v17;
	v18 =	vmul.f32 v55, v54;
	_ =	sdelay $0x1  }
0x17f: {  	v17 =	vadd.f32 v18, v17;
	v18 =	vmul.f32 v57, v56;
	_ =	sdelay $0x1  }
0x180: {  	v17 =	vadd.f32 v18, v17;
	v18 =	vmul.f32 v58, v19;
	_ =	sdelay $0x1  }
0x181: {  	v17 =	vadd.f32 v18, v17;
	_ =	sdelay $0x1  }
0x182: {  	[tilespmem:$0x120F0] =	vst v17  }
0x183: {  	v17 =	vld.idx.msk [tilespmem:v0+s15+$0x0], $0xffff  }
0x184: {  	v18 =	vld.idx.msk [tilespmem:v1+s15+$0x0], $0xffff;
	_ =	sdelay $0x1  }
0x185: {  	v19 =	vld.idx.msk [tilespmem:v2+s15+$0x0], $0xffff;
	_ =	sdelay $0x1  }
0x186: {  	v59 =	vld.idx.msk [tilespmem:v3+s15+$0x0], $0xffff  }
0x187: {  	v17 =	vadd.f32 v18, v17  }
0x188: {  	v18 =	vld.idx.msk [tilespmem:v4+s15+$0x0], $0xffff  }
0x189: {  	v17 =	vadd.f32 v19, v17  }
0x18a: {  	v19 =	vld.idx.msk [tilespmem:v5+s15+$0x0], $0xffff  }
0x18b: {  	v17 =	vadd.f32 v59, v17  }
0x18c: {  	v60 =	vld.idx.msk [tilespmem:v6+s15+$0x0], $0xffff  }
0x18d: {  	v17 =	vadd.f32 v18, v17  }
0x18e: {  	v18 =	vld.idx.msk [tilespmem:v7+s15+$0x0], $0xffff  }
0x18f: {  	v17 =	vadd.f32 v19, v17  }
0x190: {  	v19 =	vld.idx.msk [tilespmem:v8+s15+$0x0], $0xffff  }
0x191: {  	v17 =	vadd.f32 v60, v17  }
0x192: {  	v61 =	vld.idx.msk [tilespmem:v9+s15+$0x0], $0xffff  }
0x193: {  	v17 =	vadd.f32 v18, v17  }
0x194: {  	v18 =	vld.idx.msk [tilespmem:v10+s15+$0x0], $0xffff  }
0x195: {  	v17 =	vadd.f32 v19, v17  }
0x196: {  	v19 =	vld.idx.msk [tilespmem:v11+s15+$0x0], $0xffff  }
0x197: {  	v17 =	vadd.f32 v61, v17  }
0x198: {  	v62 =	vld.idx.msk [tilespmem:v12+s15+$0x0], $0xffff  }
0x199: {  	v17 =	vadd.f32 v18, v17  }
0x19a: {  	v18 =	vld.idx.msk [tilespmem:v13+s15+$0x0], $0xffff  }
0x19b: {  	v17 =	vadd.f32 v19, v17  }
0x19c: {  	v19 =	vld.idx.msk [tilespmem:v14+s15+$0x0], $0xffff  }
0x19d: {  	v17 =	vadd.f32 v62, v17  }
0x19e: {  	v63 =	vld.idx.msk [tilespmem:v15+s15+$0x0], $0xffff  }
0x19f: {  	v17 =	vadd.f32 v18, v17  }
0x1a0: {  	p1 =	sne.s32 s21, $0x4  }
.Ltmp4:
0x1a1: {  	v17 =	vadd.f32 v19, v17;
	(pc) =	sbr.rel @p1 .LBB2_3-.Ltmp4, $4  }
0x1a2: {  	_ = 	snop  }
0x1a3: {  	s31 =	sshll.u32 s21, $0x4;
	v17 =	vadd.f32 v63, v17  }
0x1a4: {  	s22 =	sand.u32 $0x3FFFFFF0, s31  }
0x1a5: {  	s21 =	sadd.s32 $0x1, s21;
	[tilespmem:v16+s22+$0x0 ss:$0x1] =	vst.idx.msk $0xffff, v17  }
0x1a6: {  	p1 =	seq.s32 s19, $0x3E  }
.Ltmp5:
0x1a7: {  	s21 =	sshll.u32 @!p1 s19, $0x8;
	(pc) =	sbr.rel @p0 .LBB2_7-.Ltmp5, $4  }
0x1a8: {  	s23 =	simm.s32 @!p1 $0x50;
	s24 =	simm.s32 @!p1 $0x8000;
	s22 =	sadd.s32 @!p1 $0x100, s21  }
0x1a9: {  	[tilespmem:s24], [sflag:$0x1] =	stream.indirect.gather @!p1 [hbm4b:s1+s23], $0x80, s22, s23, $0xb8;
	[tilespmem:$0x14880] =	vst v63  }
0x1aa: {  	s21 =	sadd.s32 @!p1 $0x4100, s21;
	s22 =	simm.s32 @!p1 $0xA800  }
0x1ab: {  	[tilespmem:s22], [sflag:$0x1] =	stream.indirect.gather @!p1 [hbm4b:s2+s23], $0x80, s21, s23, $0xb8;
	[tilespmem:$0x14880] =	vst v63  }
0x1ac: {  	_ =	swait.ge [sflag:s16], $0x2800  }
0x1ad: {  	s20 =	smul.u32 $0x140, s20;
	[sflag:s16] =	ssyncset.done $0x0  }
0x1ae: {  	[sflag:s16] =	ssyncadd.s32 $0xFFFFD800  }
0x1af: {  	s20 =	sshra.s32 s20, $0x2;
	_ =	swait.ge [sflag:s16], $0x2800  }
0x1b0: {  	s21 =	sadd.s32 $0x12100, s20;
	[sflag:s16] =	ssyncset.done $0x0  }
0x1b1: {  	s20 =	simm.s32 $0x0;
	v16 =	vmov s21;
	[sflag:s16] =	ssyncadd.s32 $0xFFFFD800  }
.LBB2_6:
0x1b2: {  	s21 =	sshll.u32 s20, $0xB  }
0x1b3: {  	v17 =	vld [tilespmem:s21+$0xD000]  }
0x1b4: {  	v18 =	vld [tilespmem:s21+$0xF800]  }
0x1b5: {  	v19 =	vld [tilespmem:s21+$0xD010]  }
0x1b6: {  	v20 =	vld [tilespmem:s21+$0xF810]  }
0x1b7: {  	v21 =	vld [tilespmem:s21+$0xD020]  }
0x1b8: {  	v22 =	vld [tilespmem:s21+$0xF820]  }
0x1b9: {  	v23 =	vld [tilespmem:s21+$0xD030]  }
0x1ba: {  	v24 =	vld [tilespmem:s21+$0xF830]  }
0x1bb: {  	v32 =	vld [tilespmem:s21+$0xF840];
	v17 =	vmul.f32 v18, v17;
	v18 =	vmul.f32 v20, v19  }
0x1bc: {  	v19 =	vld [tilespmem:s21+$0xD040]  }
0x1bd: {  	v33 =	vld [tilespmem:s21+$0xD050];
	v17 =	vadd.f32 v18, v17;
	v18 =	vmul.f32 v22, v21  }
0x1be: {  	v34 =	vld [tilespmem:s21+$0xF850]  }
0x1bf: {  	v35 =	vld [tilespmem:s21+$0xD060];
	v17 =	vadd.f32 v18, v17;
	v18 =	vmul.f32 v24, v23  }
0x1c0: {  	v36 =	vld [tilespmem:s21+$0xF860]  }
0x1c1: {  	v37 =	vld [tilespmem:s21+$0xF870];
	v17 =	vadd.f32 v18, v17;
	v18 =	vmul.f32 v32, v19  }
0x1c2: {  	v19 =	vld [tilespmem:s21+$0xD070]  }
0x1c3: {  	v17 =	vadd.f32 v18, v17;
	v18 =	vmul.f32 v34, v33;
	_ =	sdelay $0x1  }
0x1c4: {  	v17 =	vadd.f32 v18, v17;
	v18 =	vmul.f32 v36, v35;
	_ =	sdelay $0x1  }
0x1c5: {  	v17 =	vadd.f32 v18, v17;
	v18 =	vmul.f32 v37, v19;
	_ =	sdelay $0x1  }
0x1c6: {  	v17 =	vadd.f32 v18, v17;
	_ =	sdelay $0x1  }
0x1c7: {  	[tilespmem:$0x12000] =	vst v17  }
0x1c8: {  	v17 =	vld [tilespmem:s21+$0xD080]  }
0x1c9: {  	v18 =	vld [tilespmem:s21+$0xF880]  }
0x1ca: {  	v19 =	vld [tilespmem:s21+$0xD090]  }
0x1cb: {  	v38 =	vld [tilespmem:s21+$0xF890]  }
0x1cc: {  	v39 =	vld [tilespmem:s21+$0xD0A0]  }
0x1cd: {  	v40 =	vld [tilespmem:s21+$0xF8A0]  }
0x1ce: {  	v41 =	vld [tilespmem:s21+$0xD0B0]  }
0x1cf: {  	v42 =	vld [tilespmem:s21+$0xF8B0]  }
0x1d0: {  	v43 =	vld [tilespmem:s21+$0xF8C0];
	v17 =	vmul.f32 v18, v17;
	v18 =	vmul.f32 v38, v19  }
0x1d1: {  	v19 =	vld [tilespmem:s21+$0xD0C0]  }
0x1d2: {  	v44 =	vld [tilespmem:s21+$0xD0D0];
	v17 =	vadd.f32 v18, v17;
	v18 =	vmul.f32 v40, v39  }
0x1d3: {  	v45 =	vld [tilespmem:s21+$0xF8D0]  }
0x1d4: {  	v46 =	vld [tilespmem:s21+$0xD0E0];
	v17 =	vadd.f32 v18, v17;
	v18 =	vmul.f32 v42, v41  }
0x1d5: {  	v47 =	vld [tilespmem:s21+$0xF8E0]  }
0x1d6: {  	v48 =	vld [tilespmem:s21+$0xF8F0];
	v17 =	vadd.f32 v18, v17;
	v18 =	vmul.f32 v43, v19  }
0x1d7: {  	v19 =	vld [tilespmem:s21+$0xD0F0]  }
0x1d8: {  	v17 =	vadd.f32 v18, v17;
	v18 =	vmul.f32 v45, v44;
	_ =	sdelay $0x1  }
0x1d9: {  	v17 =	vadd.f32 v18, v17;
	v18 =	vmul.f32 v47, v46;
	_ =	sdelay $0x1  }
0x1da: {  	v17 =	vadd.f32 v18, v17;
	v18 =	vmul.f32 v48, v19;
	_ =	sdelay $0x1  }
0x1db: {  	v17 =	vadd.f32 v18, v17;
	_ =	sdelay $0x1  }
0x1dc: {  	[tilespmem:$0x12010] =	vst v17  }
0x1dd: {  	v17 =	vld [tilespmem:s21+$0xD100]  }
0x1de: {  	v18 =	vld [tilespmem:s21+$0xF900]  }
0x1df: {  	v19 =	vld [tilespmem:s21+$0xD110]  }
0x1e0: {  	v49 =	vld [tilespmem:s21+$0xF910]  }
0x1e1: {  	v50 =	vld [tilespmem:s21+$0xD120]  }
0x1e2: {  	v51 =	vld [tilespmem:s21+$0xF920]  }
0x1e3: {  	v52 =	vld [tilespmem:s21+$0xD130]  }
0x1e4: {  	v53 =	vld [tilespmem:s21+$0xF930]  }
0x1e5: {  	v54 =	vld [tilespmem:s21+$0xF940];
	v17 =	vmul.f32 v18, v17;
	v18 =	vmul.f32 v49, v19  }
0x1e6: {  	v19 =	vld [tilespmem:s21+$0xD140]  }
0x1e7: {  	v55 =	vld [tilespmem:s21+$0xD150];
	v17 =	vadd.f32 v18, v17;
	v18 =	vmul.f32 v51, v50  }
0x1e8: {  	v56 =	vld [tilespmem:s21+$0xF950]  }
0x1e9: {  	v57 =	vld [tilespmem:s21+$0xD160];
	v17 =	vadd.f32 v18, v17;
	v18 =	vmul.f32 v53, v52  }
0x1ea: {  	v58 =	vld [tilespmem:s21+$0xF960]  }
0x1eb: {  	v59 =	vld [tilespmem:s21+$0xF970];
	v17 =	vadd.f32 v18, v17;
	v18 =	vmul.f32 v54, v19  }
0x1ec: {  	v19 =	vld [tilespmem:s21+$0xD170]  }
0x1ed: {  	v17 =	vadd.f32 v18, v17;
	v18 =	vmul.f32 v56, v55;
	_ =	sdelay $0x1  }
0x1ee: {  	v17 =	vadd.f32 v18, v17;
	v18 =	vmul.f32 v58, v57;
	_ =	sdelay $0x1  }
0x1ef: {  	v17 =	vadd.f32 v18, v17;
	v18 =	vmul.f32 v59, v19;
	_ =	sdelay $0x1  }
0x1f0: {  	v17 =	vadd.f32 v18, v17;
	_ =	sdelay $0x1  }
0x1f1: {  	[tilespmem:$0x12020] =	vst v17  }
0x1f2: {  	v17 =	vld [tilespmem:s21+$0xD180]  }
0x1f3: {  	v18 =	vld [tilespmem:s21+$0xF980]  }
0x1f4: {  	v19 =	vld [tilespmem:s21+$0xD190]  }
0x1f5: {  	v60 =	vld [tilespmem:s21+$0xF990]  }
0x1f6: {  	v61 =	vld [tilespmem:s21+$0xD1A0]  }
0x1f7: {  	v62 =	vld [tilespmem:s21+$0xF9A0]  }
0x1f8: {  	v63 =	vld [tilespmem:s21+$0xD1B0]  }
0x1f9: {  	v28 =	vld [tilespmem:s21+$0xF9B0]  }
0x1fa: {  	v29 =	vld [tilespmem:s21+$0xF9C0];
	v17 =	vmul.f32 v18, v17;
	v18 =	vmul.f32 v60, v19  }
0x1fb: {  	v19 =	vld [tilespmem:s21+$0xD1C0]  }
0x1fc: {  	v30 =	vld [tilespmem:s21+$0xD1D0];
	v17 =	vadd.f32 v18, v17;
	v18 =	vmul.f32 v62, v61  }
0x1fd: {  	v31 =	vld [tilespmem:s21+$0xF9D0]  }
0x1fe: {  	v32 =	vld [tilespmem:s21+$0xD1E0];
	v17 =	vadd.f32 v18, v17;
	v18 =	vmul.f32 v28, v63  }
0x1ff: {  	v33 =	vld [tilespmem:s21+$0xF9E0]  }
0x200: {  	v34 =	vld [tilespmem:s21+$0xF9F0];
	v17 =	vadd.f32 v18, v17;
	v18 =	vmul.f32 v29, v19  }
0x201: {  	v19 =	vld [tilespmem:s21+$0xD1F0]  }
0x202: {  	v17 =	vadd.f32 v18, v17;
	v18 =	vmul.f32 v31, v30;
	_ =	sdelay $0x1  }
0x203: {  	v17 =	vadd.f32 v18, v17;
	v18 =	vmul.f32 v33, v32;
	_ =	sdelay $0x1  }
0x204: {  	v17 =	vadd.f32 v18, v17;
	v18 =	vmul.f32 v34, v19;
	_ =	sdelay $0x1  }
0x205: {  	v17 =	vadd.f32 v18, v17;
	_ =	sdelay $0x1  }
0x206: {  	[tilespmem:$0x12030] =	vst v17  }
0x207: {  	v17 =	vld [tilespmem:s21+$0xD200]  }
0x208: {  	v18 =	vld [tilespmem:s21+$0xFA00]  }
0x209: {  	v19 =	vld [tilespmem:s21+$0xD210]  }
0x20a: {  	v35 =	vld [tilespmem:s21+$0xFA10]  }
0x20b: {  	v36 =	vld [tilespmem:s21+$0xD220]  }
0x20c: {  	v37 =	vld [tilespmem:s21+$0xFA20]  }
0x20d: {  	v38 =	vld [tilespmem:s21+$0xD230]  }
0x20e: {  	v39 =	vld [tilespmem:s21+$0xFA30]  }
0x20f: {  	v40 =	vld [tilespmem:s21+$0xFA40];
	v17 =	vmul.f32 v18, v17;
	v18 =	vmul.f32 v35, v19  }
0x210: {  	v19 =	vld [tilespmem:s21+$0xD240]  }
0x211: {  	v41 =	vld [tilespmem:s21+$0xD250];
	v17 =	vadd.f32 v18, v17;
	v18 =	vmul.f32 v37, v36  }
0x212: {  	v42 =	vld [tilespmem:s21+$0xFA50]  }
0x213: {  	v43 =	vld [tilespmem:s21+$0xD260];
	v17 =	vadd.f32 v18, v17;
	v18 =	vmul.f32 v39, v38  }
0x214: {  	v44 =	vld [tilespmem:s21+$0xFA60]  }
0x215: {  	v45 =	vld [tilespmem:s21+$0xFA70];
	v17 =	vadd.f32 v18, v17;
	v18 =	vmul.f32 v40, v19  }
0x216: {  	v19 =	vld [tilespmem:s21+$0xD270]  }
0x217: {  	v17 =	vadd.f32 v18, v17;
	v18 =	vmul.f32 v42, v41;
	_ =	sdelay $0x1  }
0x218: {  	v17 =	vadd.f32 v18, v17;
	v18 =	vmul.f32 v44, v43;
	_ =	sdelay $0x1  }
0x219: {  	v17 =	vadd.f32 v18, v17;
	v18 =	vmul.f32 v45, v19;
	_ =	sdelay $0x1  }
0x21a: {  	v17 =	vadd.f32 v18, v17;
	_ =	sdelay $0x1  }
0x21b: {  	[tilespmem:$0x12040] =	vst v17  }
0x21c: {  	v17 =	vld [tilespmem:s21+$0xD280]  }
0x21d: {  	v18 =	vld [tilespmem:s21+$0xFA80]  }
0x21e: {  	v19 =	vld [tilespmem:s21+$0xD290]  }
0x21f: {  	v46 =	vld [tilespmem:s21+$0xFA90]  }
0x220: {  	v47 =	vld [tilespmem:s21+$0xD2A0]  }
0x221: {  	v48 =	vld [tilespmem:s21+$0xFAA0]  }
0x222: {  	v49 =	vld [tilespmem:s21+$0xD2B0]  }
0x223: {  	v50 =	vld [tilespmem:s21+$0xFAB0]  }
0x224: {  	v51 =	vld [tilespmem:s21+$0xFAC0];
	v17 =	vmul.f32 v18, v17;
	v18 =	vmul.f32 v46, v19  }
0x225: {  	v19 =	vld [tilespmem:s21+$0xD2C0]  }
0x226: {  	v52 =	vld [tilespmem:s21+$0xD2D0];
	v17 =	vadd.f32 v18, v17;
	v18 =	vmul.f32 v48, v47  }
0x227: {  	v53 =	vld [tilespmem:s21+$0xFAD0]  }
0x228: {  	v54 =	vld [tilespmem:s21+$0xD2E0];
	v17 =	vadd.f32 v18, v17;
	v18 =	vmul.f32 v50, v49  }
0x229: {  	v55 =	vld [tilespmem:s21+$0xFAE0]  }
0x22a: {  	v56 =	vld [tilespmem:s21+$0xFAF0];
	v17 =	vadd.f32 v18, v17;
	v18 =	vmul.f32 v51, v19  }
0x22b: {  	v19 =	vld [tilespmem:s21+$0xD2F0]  }
0x22c: {  	v17 =	vadd.f32 v18, v17;
	v18 =	vmul.f32 v53, v52;
	_ =	sdelay $0x1  }
0x22d: {  	v17 =	vadd.f32 v18, v17;
	v18 =	vmul.f32 v55, v54;
	_ =	sdelay $0x1  }
0x22e: {  	v17 =	vadd.f32 v18, v17;
	v18 =	vmul.f32 v56, v19;
	_ =	sdelay $0x1  }
0x22f: {  	v17 =	vadd.f32 v18, v17;
	_ =	sdelay $0x1  }
0x230: {  	[tilespmem:$0x12050] =	vst v17  }
0x231: {  	v17 =	vld [tilespmem:s21+$0xD300]  }
0x232: {  	v18 =	vld [tilespmem:s21+$0xFB00]  }
0x233: {  	v19 =	vld [tilespmem:s21+$0xD310]  }
0x234: {  	v57 =	vld [tilespmem:s21+$0xFB10]  }
0x235: {  	v58 =	vld [tilespmem:s21+$0xD320]  }
0x236: {  	v59 =	vld [tilespmem:s21+$0xFB20]  }
0x237: {  	v60 =	vld [tilespmem:s21+$0xD330]  }
0x238: {  	v61 =	vld [tilespmem:s21+$0xFB30]  }
0x239: {  	v62 =	vld [tilespmem:s21+$0xFB40];
	v17 =	vmul.f32 v18, v17;
	v18 =	vmul.f32 v57, v19  }
0x23a: {  	v19 =	vld [tilespmem:s21+$0xD340]  }
0x23b: {  	v63 =	vld [tilespmem:s21+$0xD350];
	v17 =	vadd.f32 v18, v17;
	v18 =	vmul.f32 v59, v58  }
0x23c: {  	v28 =	vld [tilespmem:s21+$0xFB50]  }
0x23d: {  	v29 =	vld [tilespmem:s21+$0xD360];
	v17 =	vadd.f32 v18, v17;
	v18 =	vmul.f32 v61, v60  }
0x23e: {  	v30 =	vld [tilespmem:s21+$0xFB60]  }
0x23f: {  	v31 =	vld [tilespmem:s21+$0xFB70];
	v17 =	vadd.f32 v18, v17;
	v18 =	vmul.f32 v62, v19  }
0x240: {  	v19 =	vld [tilespmem:s21+$0xD370]  }
0x241: {  	v17 =	vadd.f32 v18, v17;
	v18 =	vmul.f32 v28, v63;
	_ =	sdelay $0x1  }
0x242: {  	v17 =	vadd.f32 v18, v17;
	v18 =	vmul.f32 v30, v29;
	_ =	sdelay $0x1  }
0x243: {  	v17 =	vadd.f32 v18, v17;
	v18 =	vmul.f32 v31, v19;
	_ =	sdelay $0x1  }
0x244: {  	v17 =	vadd.f32 v18, v17;
	_ =	sdelay $0x1  }
0x245: {  	[tilespmem:$0x12060] =	vst v17  }
0x246: {  	v17 =	vld [tilespmem:s21+$0xD380]  }
0x247: {  	v18 =	vld [tilespmem:s21+$0xFB80]  }
0x248: {  	v19 =	vld [tilespmem:s21+$0xD390]  }
0x249: {  	v32 =	vld [tilespmem:s21+$0xFB90]  }
0x24a: {  	v33 =	vld [tilespmem:s21+$0xD3A0]  }
0x24b: {  	v34 =	vld [tilespmem:s21+$0xFBA0]  }
0x24c: {  	v35 =	vld [tilespmem:s21+$0xD3B0]  }
0x24d: {  	v36 =	vld [tilespmem:s21+$0xFBB0]  }
0x24e: {  	v37 =	vld [tilespmem:s21+$0xFBC0];
	v17 =	vmul.f32 v18, v17;
	v18 =	vmul.f32 v32, v19  }
0x24f: {  	v19 =	vld [tilespmem:s21+$0xD3C0]  }
0x250: {  	v38 =	vld [tilespmem:s21+$0xD3D0];
	v17 =	vadd.f32 v18, v17;
	v18 =	vmul.f32 v34, v33  }
0x251: {  	v39 =	vld [tilespmem:s21+$0xFBD0]  }
0x252: {  	v40 =	vld [tilespmem:s21+$0xD3E0];
	v17 =	vadd.f32 v18, v17;
	v18 =	vmul.f32 v36, v35  }
0x253: {  	v41 =	vld [tilespmem:s21+$0xFBE0]  }
0x254: {  	v42 =	vld [tilespmem:s21+$0xFBF0];
	v17 =	vadd.f32 v18, v17;
	v18 =	vmul.f32 v37, v19  }
0x255: {  	v19 =	vld [tilespmem:s21+$0xD3F0]  }
0x256: {  	v17 =	vadd.f32 v18, v17;
	v18 =	vmul.f32 v39, v38;
	_ =	sdelay $0x1  }
0x257: {  	v17 =	vadd.f32 v18, v17;
	v18 =	vmul.f32 v41, v40;
	_ =	sdelay $0x1  }
0x258: {  	v17 =	vadd.f32 v18, v17;
	v18 =	vmul.f32 v42, v19;
	_ =	sdelay $0x1  }
0x259: {  	v17 =	vadd.f32 v18, v17;
	_ =	sdelay $0x1  }
0x25a: {  	[tilespmem:$0x12070] =	vst v17  }
0x25b: {  	v17 =	vld [tilespmem:s21+$0xD400]  }
0x25c: {  	v18 =	vld [tilespmem:s21+$0xFC00]  }
0x25d: {  	v19 =	vld [tilespmem:s21+$0xD410]  }
0x25e: {  	v43 =	vld [tilespmem:s21+$0xFC10]  }
0x25f: {  	v44 =	vld [tilespmem:s21+$0xD420]  }
0x260: {  	v45 =	vld [tilespmem:s21+$0xFC20]  }
0x261: {  	v46 =	vld [tilespmem:s21+$0xD430]  }
0x262: {  	v47 =	vld [tilespmem:s21+$0xFC30]  }
0x263: {  	v48 =	vld [tilespmem:s21+$0xFC40];
	v17 =	vmul.f32 v18, v17;
	v18 =	vmul.f32 v43, v19  }
0x264: {  	v19 =	vld [tilespmem:s21+$0xD440]  }
0x265: {  	v49 =	vld [tilespmem:s21+$0xD450];
	v17 =	vadd.f32 v18, v17;
	v18 =	vmul.f32 v45, v44  }
0x266: {  	v50 =	vld [tilespmem:s21+$0xFC50]  }
0x267: {  	v51 =	vld [tilespmem:s21+$0xD460];
	v17 =	vadd.f32 v18, v17;
	v18 =	vmul.f32 v47, v46  }
0x268: {  	v52 =	vld [tilespmem:s21+$0xFC60]  }
0x269: {  	v53 =	vld [tilespmem:s21+$0xFC70];
	v17 =	vadd.f32 v18, v17;
	v18 =	vmul.f32 v48, v19  }
0x26a: {  	v19 =	vld [tilespmem:s21+$0xD470]  }
0x26b: {  	v17 =	vadd.f32 v18, v17;
	v18 =	vmul.f32 v50, v49;
	_ =	sdelay $0x1  }
0x26c: {  	v17 =	vadd.f32 v18, v17;
	v18 =	vmul.f32 v52, v51;
	_ =	sdelay $0x1  }
0x26d: {  	v17 =	vadd.f32 v18, v17;
	v18 =	vmul.f32 v53, v19;
	_ =	sdelay $0x1  }
0x26e: {  	v17 =	vadd.f32 v18, v17;
	_ =	sdelay $0x1  }
0x26f: {  	[tilespmem:$0x12080] =	vst v17  }
0x270: {  	v17 =	vld [tilespmem:s21+$0xD480]  }
0x271: {  	v18 =	vld [tilespmem:s21+$0xFC80]  }
0x272: {  	v19 =	vld [tilespmem:s21+$0xD490]  }
0x273: {  	v54 =	vld [tilespmem:s21+$0xFC90]  }
0x274: {  	v55 =	vld [tilespmem:s21+$0xD4A0]  }
0x275: {  	v56 =	vld [tilespmem:s21+$0xFCA0]  }
0x276: {  	v57 =	vld [tilespmem:s21+$0xD4B0]  }
0x277: {  	v58 =	vld [tilespmem:s21+$0xFCB0]  }
0x278: {  	v59 =	vld [tilespmem:s21+$0xFCC0];
	v17 =	vmul.f32 v18, v17;
	v18 =	vmul.f32 v54, v19  }
0x279: {  	v19 =	vld [tilespmem:s21+$0xD4C0]  }
0x27a: {  	v60 =	vld [tilespmem:s21+$0xD4D0];
	v17 =	vadd.f32 v18, v17;
	v18 =	vmul.f32 v56, v55  }
0x27b: {  	v61 =	vld [tilespmem:s21+$0xFCD0]  }
0x27c: {  	v62 =	vld [tilespmem:s21+$0xD4E0];
	v17 =	vadd.f32 v18, v17;
	v18 =	vmul.f32 v58, v57  }
0x27d: {  	v63 =	vld [tilespmem:s21+$0xFCE0]  }
0x27e: {  	v28 =	vld [tilespmem:s21+$0xFCF0];
	v17 =	vadd.f32 v18, v17;
	v18 =	vmul.f32 v59, v19  }
0x27f: {  	v19 =	vld [tilespmem:s21+$0xD4F0]  }
0x280: {  	v17 =	vadd.f32 v18, v17;
	v18 =	vmul.f32 v61, v60;
	_ =	sdelay $0x1  }
0x281: {  	v17 =	vadd.f32 v18, v17;
	v18 =	vmul.f32 v63, v62;
	_ =	sdelay $0x1  }
0x282: {  	v17 =	vadd.f32 v18, v17;
	v18 =	vmul.f32 v28, v19;
	_ =	sdelay $0x1  }
0x283: {  	v17 =	vadd.f32 v18, v17;
	_ =	sdelay $0x1  }
0x284: {  	[tilespmem:$0x12090] =	vst v17  }
0x285: {  	v17 =	vld [tilespmem:s21+$0xD500]  }
0x286: {  	v18 =	vld [tilespmem:s21+$0xFD00]  }
0x287: {  	v19 =	vld [tilespmem:s21+$0xD510]  }
0x288: {  	v29 =	vld [tilespmem:s21+$0xFD10]  }
0x289: {  	v30 =	vld [tilespmem:s21+$0xD520]  }
0x28a: {  	v31 =	vld [tilespmem:s21+$0xFD20]  }
0x28b: {  	v32 =	vld [tilespmem:s21+$0xD530]  }
0x28c: {  	v33 =	vld [tilespmem:s21+$0xFD30]  }
0x28d: {  	v34 =	vld [tilespmem:s21+$0xFD40];
	v17 =	vmul.f32 v18, v17;
	v18 =	vmul.f32 v29, v19  }
0x28e: {  	v19 =	vld [tilespmem:s21+$0xD540]  }
0x28f: {  	v35 =	vld [tilespmem:s21+$0xD550];
	v17 =	vadd.f32 v18, v17;
	v18 =	vmul.f32 v31, v30  }
0x290: {  	v36 =	vld [tilespmem:s21+$0xFD50]  }
0x291: {  	v37 =	vld [tilespmem:s21+$0xD560];
	v17 =	vadd.f32 v18, v17;
	v18 =	vmul.f32 v33, v32  }
0x292: {  	v38 =	vld [tilespmem:s21+$0xFD60]  }
0x293: {  	v39 =	vld [tilespmem:s21+$0xFD70];
	v17 =	vadd.f32 v18, v17;
	v18 =	vmul.f32 v34, v19  }
0x294: {  	v19 =	vld [tilespmem:s21+$0xD570]  }
0x295: {  	v17 =	vadd.f32 v18, v17;
	v18 =	vmul.f32 v36, v35;
	_ =	sdelay $0x1  }
0x296: {  	v17 =	vadd.f32 v18, v17;
	v18 =	vmul.f32 v38, v37;
	_ =	sdelay $0x1  }
0x297: {  	v17 =	vadd.f32 v18, v17;
	v18 =	vmul.f32 v39, v19;
	_ =	sdelay $0x1  }
0x298: {  	v17 =	vadd.f32 v18, v17;
	_ =	sdelay $0x1  }
0x299: {  	[tilespmem:$0x120A0] =	vst v17  }
0x29a: {  	v17 =	vld [tilespmem:s21+$0xD580]  }
0x29b: {  	v18 =	vld [tilespmem:s21+$0xFD80]  }
0x29c: {  	v19 =	vld [tilespmem:s21+$0xD590]  }
0x29d: {  	v40 =	vld [tilespmem:s21+$0xFD90]  }
0x29e: {  	v41 =	vld [tilespmem:s21+$0xD5A0]  }
0x29f: {  	v42 =	vld [tilespmem:s21+$0xFDA0]  }
0x2a0: {  	v43 =	vld [tilespmem:s21+$0xD5B0]  }
0x2a1: {  	v44 =	vld [tilespmem:s21+$0xFDB0]  }
0x2a2: {  	v45 =	vld [tilespmem:s21+$0xFDC0];
	v17 =	vmul.f32 v18, v17;
	v18 =	vmul.f32 v40, v19  }
0x2a3: {  	v19 =	vld [tilespmem:s21+$0xD5C0]  }
0x2a4: {  	v46 =	vld [tilespmem:s21+$0xD5D0];
	v17 =	vadd.f32 v18, v17;
	v18 =	vmul.f32 v42, v41  }
0x2a5: {  	v47 =	vld [tilespmem:s21+$0xFDD0]  }
0x2a6: {  	v48 =	vld [tilespmem:s21+$0xD5E0];
	v17 =	vadd.f32 v18, v17;
	v18 =	vmul.f32 v44, v43  }
0x2a7: {  	v49 =	vld [tilespmem:s21+$0xFDE0]  }
0x2a8: {  	v50 =	vld [tilespmem:s21+$0xFDF0];
	v17 =	vadd.f32 v18, v17;
	v18 =	vmul.f32 v45, v19  }
0x2a9: {  	v19 =	vld [tilespmem:s21+$0xD5F0]  }
0x2aa: {  	v17 =	vadd.f32 v18, v17;
	v18 =	vmul.f32 v47, v46;
	_ =	sdelay $0x1  }
0x2ab: {  	v17 =	vadd.f32 v18, v17;
	v18 =	vmul.f32 v49, v48;
	_ =	sdelay $0x1  }
0x2ac: {  	v17 =	vadd.f32 v18, v17;
	v18 =	vmul.f32 v50, v19;
	_ =	sdelay $0x1  }
0x2ad: {  	v17 =	vadd.f32 v18, v17;
	_ =	sdelay $0x1  }
0x2ae: {  	[tilespmem:$0x120B0] =	vst v17  }
0x2af: {  	v17 =	vld [tilespmem:s21+$0xD600]  }
0x2b0: {  	v18 =	vld [tilespmem:s21+$0xFE00]  }
0x2b1: {  	v19 =	vld [tilespmem:s21+$0xD610]  }
0x2b2: {  	v51 =	vld [tilespmem:s21+$0xFE10]  }
0x2b3: {  	v52 =	vld [tilespmem:s21+$0xD620]  }
0x2b4: {  	v53 =	vld [tilespmem:s21+$0xFE20]  }
0x2b5: {  	v54 =	vld [tilespmem:s21+$0xD630]  }
0x2b6: {  	v55 =	vld [tilespmem:s21+$0xFE30]  }
0x2b7: {  	v56 =	vld [tilespmem:s21+$0xFE40];
	v17 =	vmul.f32 v18, v17;
	v18 =	vmul.f32 v51, v19  }
0x2b8: {  	v19 =	vld [tilespmem:s21+$0xD640]  }
0x2b9: {  	v57 =	vld [tilespmem:s21+$0xD650];
	v17 =	vadd.f32 v18, v17;
	v18 =	vmul.f32 v53, v52  }
0x2ba: {  	v58 =	vld [tilespmem:s21+$0xFE50]  }
0x2bb: {  	v59 =	vld [tilespmem:s21+$0xD660];
	v17 =	vadd.f32 v18, v17;
	v18 =	vmul.f32 v55, v54  }
0x2bc: {  	v60 =	vld [tilespmem:s21+$0xFE60]  }
0x2bd: {  	v61 =	vld [tilespmem:s21+$0xFE70];
	v17 =	vadd.f32 v18, v17;
	v18 =	vmul.f32 v56, v19  }
0x2be: {  	v19 =	vld [tilespmem:s21+$0xD670]  }
0x2bf: {  	v17 =	vadd.f32 v18, v17;
	v18 =	vmul.f32 v58, v57;
	_ =	sdelay $0x1  }
0x2c0: {  	v17 =	vadd.f32 v18, v17;
	v18 =	vmul.f32 v60, v59;
	_ =	sdelay $0x1  }
0x2c1: {  	v17 =	vadd.f32 v18, v17;
	v18 =	vmul.f32 v61, v19;
	_ =	sdelay $0x1  }
0x2c2: {  	v17 =	vadd.f32 v18, v17;
	_ =	sdelay $0x1  }
0x2c3: {  	[tilespmem:$0x120C0] =	vst v17  }
0x2c4: {  	v17 =	vld [tilespmem:s21+$0xD680]  }
0x2c5: {  	v18 =	vld [tilespmem:s21+$0xFE80]  }
0x2c6: {  	v19 =	vld [tilespmem:s21+$0xD690]  }
0x2c7: {  	v62 =	vld [tilespmem:s21+$0xFE90]  }
0x2c8: {  	v63 =	vld [tilespmem:s21+$0xD6A0]  }
0x2c9: {  	v28 =	vld [tilespmem:s21+$0xFEA0]  }
0x2ca: {  	v29 =	vld [tilespmem:s21+$0xD6B0]  }
0x2cb: {  	v30 =	vld [tilespmem:s21+$0xFEB0]  }
0x2cc: {  	v31 =	vld [tilespmem:s21+$0xFEC0];
	v17 =	vmul.f32 v18, v17;
	v18 =	vmul.f32 v62, v19  }
0x2cd: {  	v19 =	vld [tilespmem:s21+$0xD6C0]  }
0x2ce: {  	v32 =	vld [tilespmem:s21+$0xD6D0];
	v17 =	vadd.f32 v18, v17;
	v18 =	vmul.f32 v28, v63  }
0x2cf: {  	v33 =	vld [tilespmem:s21+$0xFED0]  }
0x2d0: {  	v34 =	vld [tilespmem:s21+$0xD6E0];
	v17 =	vadd.f32 v18, v17;
	v18 =	vmul.f32 v30, v29  }
0x2d1: {  	v35 =	vld [tilespmem:s21+$0xFEE0]  }
0x2d2: {  	v36 =	vld [tilespmem:s21+$0xFEF0];
	v17 =	vadd.f32 v18, v17;
	v18 =	vmul.f32 v31, v19  }
0x2d3: {  	v19 =	vld [tilespmem:s21+$0xD6F0]  }
0x2d4: {  	v17 =	vadd.f32 v18, v17;
	v18 =	vmul.f32 v33, v32;
	_ =	sdelay $0x1  }
0x2d5: {  	v17 =	vadd.f32 v18, v17;
	v18 =	vmul.f32 v35, v34;
	_ =	sdelay $0x1  }
0x2d6: {  	v17 =	vadd.f32 v18, v17;
	v18 =	vmul.f32 v36, v19;
	_ =	sdelay $0x1  }
0x2d7: {  	v17 =	vadd.f32 v18, v17;
	_ =	sdelay $0x1  }
0x2d8: {  	[tilespmem:$0x120D0] =	vst v17  }
0x2d9: {  	v17 =	vld [tilespmem:s21+$0xD700]  }
0x2da: {  	v18 =	vld [tilespmem:s21+$0xFF00]  }
0x2db: {  	v19 =	vld [tilespmem:s21+$0xD710]  }
0x2dc: {  	v37 =	vld [tilespmem:s21+$0xFF10]  }
0x2dd: {  	v38 =	vld [tilespmem:s21+$0xD720]  }
0x2de: {  	v39 =	vld [tilespmem:s21+$0xFF20]  }
0x2df: {  	v40 =	vld [tilespmem:s21+$0xD730]  }
0x2e0: {  	v41 =	vld [tilespmem:s21+$0xFF30]  }
0x2e1: {  	v42 =	vld [tilespmem:s21+$0xFF40];
	v17 =	vmul.f32 v18, v17;
	v18 =	vmul.f32 v37, v19  }
0x2e2: {  	v19 =	vld [tilespmem:s21+$0xD740]  }
0x2e3: {  	v43 =	vld [tilespmem:s21+$0xD750];
	v17 =	vadd.f32 v18, v17;
	v18 =	vmul.f32 v39, v38  }
0x2e4: {  	v44 =	vld [tilespmem:s21+$0xFF50]  }
0x2e5: {  	v45 =	vld [tilespmem:s21+$0xD760];
	v17 =	vadd.f32 v18, v17;
	v18 =	vmul.f32 v41, v40  }
0x2e6: {  	v46 =	vld [tilespmem:s21+$0xFF60]  }
0x2e7: {  	v47 =	vld [tilespmem:s21+$0xFF70];
	v17 =	vadd.f32 v18, v17;
	v18 =	vmul.f32 v42, v19  }
0x2e8: {  	v19 =	vld [tilespmem:s21+$0xD770]  }
0x2e9: {  	v17 =	vadd.f32 v18, v17;
	v18 =	vmul.f32 v44, v43;
	_ =	sdelay $0x1  }
0x2ea: {  	v17 =	vadd.f32 v18, v17;
	v18 =	vmul.f32 v46, v45;
	_ =	sdelay $0x1  }
0x2eb: {  	v17 =	vadd.f32 v18, v17;
	v18 =	vmul.f32 v47, v19;
	_ =	sdelay $0x1  }
0x2ec: {  	v17 =	vadd.f32 v18, v17;
	_ =	sdelay $0x1  }
0x2ed: {  	[tilespmem:$0x120E0] =	vst v17  }
0x2ee: {  	v17 =	vld [tilespmem:s21+$0xD780]  }
0x2ef: {  	v18 =	vld [tilespmem:s21+$0xFF80]  }
0x2f0: {  	v19 =	vld [tilespmem:s21+$0xD790]  }
0x2f1: {  	v48 =	vld [tilespmem:s21+$0xFF90]  }
0x2f2: {  	v49 =	vld [tilespmem:s21+$0xD7A0]  }
0x2f3: {  	v50 =	vld [tilespmem:s21+$0xFFA0]  }
0x2f4: {  	v51 =	vld [tilespmem:s21+$0xD7B0]  }
0x2f5: {  	v52 =	vld [tilespmem:s21+$0xFFB0]  }
0x2f6: {  	v53 =	vld [tilespmem:s21+$0xFFC0];
	v17 =	vmul.f32 v18, v17;
	v18 =	vmul.f32 v48, v19  }
0x2f7: {  	v19 =	vld [tilespmem:s21+$0xD7C0]  }
0x2f8: {  	v54 =	vld [tilespmem:s21+$0xD7D0];
	v17 =	vadd.f32 v18, v17;
	v18 =	vmul.f32 v50, v49  }
0x2f9: {  	v55 =	vld [tilespmem:s21+$0xFFD0]  }
0x2fa: {  	v56 =	vld [tilespmem:s21+$0xD7E0];
	v17 =	vadd.f32 v18, v17;
	v18 =	vmul.f32 v52, v51  }
0x2fb: {  	v57 =	vld [tilespmem:s21+$0xFFE0]  }
0x2fc: {  	v58 =	vld [tilespmem:s21+$0xFFF0];
	v17 =	vadd.f32 v18, v17;
	v18 =	vmul.f32 v53, v19  }
0x2fd: {  	v19 =	vld [tilespmem:s21+$0xD7F0]  }
0x2fe: {  	v17 =	vadd.f32 v18, v17;
	v18 =	vmul.f32 v55, v54;
	_ =	sdelay $0x1  }
0x2ff: {  	v17 =	vadd.f32 v18, v17;
	v18 =	vmul.f32 v57, v56;
	_ =	sdelay $0x1  }
0x300: {  	v17 =	vadd.f32 v18, v17;
	v18 =	vmul.f32 v58, v19;
	_ =	sdelay $0x1  }
0x301: {  	v17 =	vadd.f32 v18, v17;
	_ =	sdelay $0x1  }
0x302: {  	[tilespmem:$0x120F0] =	vst v17  }
0x303: {  	v17 =	vld.idx.msk [tilespmem:v0+s15+$0x0], $0xffff  }
0x304: {  	v18 =	vld.idx.msk [tilespmem:v1+s15+$0x0], $0xffff;
	_ =	sdelay $0x1  }
0x305: {  	v19 =	vld.idx.msk [tilespmem:v2+s15+$0x0], $0xffff;
	_ =	sdelay $0x1  }
0x306: {  	v59 =	vld.idx.msk [tilespmem:v3+s15+$0x0], $0xffff  }
0x307: {  	v17 =	vadd.f32 v18, v17  }
0x308: {  	v18 =	vld.idx.msk [tilespmem:v4+s15+$0x0], $0xffff  }
0x309: {  	v17 =	vadd.f32 v19, v17  }
0x30a: {  	v19 =	vld.idx.msk [tilespmem:v5+s15+$0x0], $0xffff  }
0x30b: {  	v17 =	vadd.f32 v59, v17  }
0x30c: {  	v60 =	vld.idx.msk [tilespmem:v6+s15+$0x0], $0xffff  }
0x30d: {  	v17 =	vadd.f32 v18, v17  }
0x30e: {  	v18 =	vld.idx.msk [tilespmem:v7+s15+$0x0], $0xffff  }
0x30f: {  	v17 =	vadd.f32 v19, v17  }
0x310: {  	v19 =	vld.idx.msk [tilespmem:v8+s15+$0x0], $0xffff  }
0x311: {  	v17 =	vadd.f32 v60, v17  }
0x312: {  	v61 =	vld.idx.msk [tilespmem:v9+s15+$0x0], $0xffff  }
0x313: {  	v17 =	vadd.f32 v18, v17  }
0x314: {  	v18 =	vld.idx.msk [tilespmem:v10+s15+$0x0], $0xffff  }
0x315: {  	v17 =	vadd.f32 v19, v17  }
0x316: {  	v19 =	vld.idx.msk [tilespmem:v11+s15+$0x0], $0xffff  }
0x317: {  	v17 =	vadd.f32 v61, v17  }
0x318: {  	v62 =	vld.idx.msk [tilespmem:v12+s15+$0x0], $0xffff  }
0x319: {  	v17 =	vadd.f32 v18, v17  }
0x31a: {  	v18 =	vld.idx.msk [tilespmem:v13+s15+$0x0], $0xffff  }
0x31b: {  	v17 =	vadd.f32 v19, v17  }
0x31c: {  	v19 =	vld.idx.msk [tilespmem:v14+s15+$0x0], $0xffff  }
0x31d: {  	v17 =	vadd.f32 v62, v17  }
0x31e: {  	v63 =	vld.idx.msk [tilespmem:v15+s15+$0x0], $0xffff  }
0x31f: {  	v17 =	vadd.f32 v18, v17  }
0x320: {  	p0 =	sne.s32 s20, $0x4  }
.Ltmp6:
0x321: {  	v17 =	vadd.f32 v19, v17;
	(pc) =	sbr.rel @p0 .LBB2_6-.Ltmp6, $4  }
0x322: {  	_ = 	snop  }
0x323: {  	s31 =	sshll.u32 s20, $0x4;
	v17 =	vadd.f32 v63, v17  }
0x324: {  	s21 =	sand.u32 $0x3FFFFFF0, s31  }
0x325: {  	s20 =	sadd.s32 $0x1, s20;
	[tilespmem:v16+s21+$0x0 ss:$0x1] =	vst.idx.msk $0xffff, v17  }
.Ltmp7:
0x326: {  	_ = 	snop;
	(pc) =	sbr.rel .LBB2_7-.Ltmp7, $1  }
0x327: {  	_ =	sdelay $0x3  }
.LBB2_9:
0x328: {  	_ =	sfence.sel $0x180000  }
0x329: {  	[bflag:$0x0] =	sbarrier.arrive $0xFFFF  }
0x32a: {  	p0 =	sne.s32 s3, $0x0;
	_ =	strace $0x90000047  }
0x32b: {  	s0 =	sadd.s32 @!p0 $0x100000, s0;
	[bflag:$0x2] =	sbarrier.arrive $0xFFFF  }
0x32c: {  	[sflag:s0] =	ssyncadd.tile.s32 @!p0 $0x1;
	_ =	shalt  }
.Lfunc_end2:
_tile_overlayer_lowered:
.L_overlay_start_2:
0x32d: {  	(tag) =	ssettag $0x2  }
0x32e: {  	s0 =	rddreg [dreg:$0x0];
	s2 =	stileid.u32  }
0x32f: {  	s1 =	rddreg [dreg:$0x1];
	p0 =	sne.s32 s2, $0x0  }
0x330: {  	s3 =	rddreg [dreg:$0x2];
	[bflag:$0x3] =	sbarrier.arrive $0xFFFF;
	s2 =	simm.s32 @!p0 $0x1C03  }
0x331: {  	[timem:s3], [sflag:s2] =	dma.local @!p0 [hbm:s0], s1  }
0x332: {  	s0 =	simm.s32 @!p0 $0x3  }
0x333: {  	_ =	swait.ge @!p0 [sflag:s0], s1  }
0x334: {  	s1 =	ssub.s32 @!p0 $0x0, s1;
	[sflag:s0] =	ssyncset.done @!p0 $0x0  }
0x335: {  	[sflag:s0] =	ssyncadd.s32 @!p0 s1  }
0x336: {  	[bflag:$0x3] =	sbarrier.arrive $0xFFFF  }
0x337: {  	_ =	shalt  }

</sc_bundles>
